<compile_context>
chip_gen: v7x
topology: tpu7x:2x2x1
jax: 0.10.2.dev20260603
libtpu: 0.0.44.dev20260713+nightly
codegen_flags: <defaults>
</compile_context>

<pallas_src>
import functools

import jax
import jax.numpy as jnp
from jax import lax
from jax.experimental import pallas as pl
from jax.experimental.pallas import tpu as pltpu
from jax.experimental.pallas import tpu_sc as plsc

NUM_EMB = 100000
DIM = 32
BATCH = 16384
TIN = 200
NW = 32
BB = 128
NBLK = BATCH // BB
NBW = NBLK // NW
NG = 4
NO = 2
TG = 8
NGRP = TIN // TG

_TROWS = NUM_EMB * DIM // 128
_TBLK = 1000


def _sin_body(t_ref, o_ref):
    x = t_ref[...]
    col = lax.broadcasted_iota(jnp.int32, x.shape, 1)
    o_ref[...] = jnp.where(col % DIM == 0, x, jnp.sin(x))


def _sin_transform(table):
    flat = table.reshape(_TROWS, 128)
    out = pl.pallas_call(
        _sin_body,
        out_shape=jax.ShapeDtypeStruct((_TROWS, 128), jnp.float32),
        grid=(_TROWS // _TBLK,),
        in_specs=[pl.BlockSpec((_TBLK, 128), lambda i: (i, 0))],
        out_specs=pl.BlockSpec((_TBLK, 128), lambda i: (i, 0)),
    )(flat)
    return out.reshape(NUM_EMB, DIM)



_MESH = plsc.VectorSubcoreMesh(core_axis_name="c", subcore_axis_name="s")


@functools.partial(
    pl.kernel,
    mesh=_MESH,
    out_type=jax.ShapeDtypeStruct((TIN, DIM // 8, NBLK, 8 * BB), jnp.float32),
    compiler_params=pltpu.CompilerParams(
        use_tc_tiling_on_sc=False, needs_layout_passes=False),
    scratch_types=[
        pltpu.VMEM((TIN, BB), jnp.int32),
        pltpu.VMEM((NG, BB, DIM), jnp.float32),
        pltpu.VMEM((NO, TG, DIM * BB), jnp.float32),
        pltpu.SemaphoreType.DMA((NG,)),
        pltpu.SemaphoreType.DMA((NO,)),
    ],
)
def _sc_gather(table_hbm, xt_hbm, out_hbm, idxT, rows_v, stg, g_sem, o_sem):
    wid = lax.axis_index("s") * 2 + lax.axis_index("c")
    lane = jnp.arange(16, dtype=jnp.int32)
    base0 = lane * BB
    base1 = base0 + 16 * BB

    def g_copy(t, p):
        return pltpu.make_async_copy(
            table_hbm.at[idxT.at[t]], rows_v.at[p], g_sem.at[p])

    def o_copies(t0, q, bt):
        return []
        return [
            pltpu.make_async_copy(
                stg.at[q, :, pl.ds(g * 8 * BB, 8 * BB)],
                out_hbm.at[pl.ds(t0, TG), g, bt],
                o_sem.at[q])
            for g in range(DIM // 8)
        ]

    def process_block(blk, bt):
        b0 = bt * BB
        pltpu.sync_copy(xt_hbm.at[:, pl.ds(b0, BB)], idxT)

        for p in range(NG):
            g_copy(p, p).start()

        @pl.loop(0, TIN, step=TG)
        def _(tt):
            q = (tt // TG) % NO

            @pl.when(tt >= NO * TG)
            def _():
                for c in o_copies(tt, q, bt):
                    c.wait()

            for k in range(TG):
                t = tt + k
                p = k % NG
                g_copy(t, p).wait()

                tgt = stg.at[q, k]

                @pl.loop(0, BB, step=8)
                def _(bb0):
                    for u in range(8):
                        b = bb0 + u
                        v0 = rows_v[p, b, pl.ds(0, 16)]
                        v1 = rows_v[p, b, pl.ds(16, 16)]
                        plsc.store_scatter(tgt, [base0 + b], v0)
                        plsc.store_scatter(tgt, [base1 + b], v1)

                @pl.when(t + NG < TIN)
                def _():
                    g_copy(t + NG, p).start()

            for c in o_copies(tt, q, bt):
                c.start()

        for g in (NGRP - 2, NGRP - 1):
            for c in o_copies(g * TG, g % NO, bt):
                c.wait()

    @pl.loop(0, NBW)
    def _(blk):
        process_block(blk, wid * NBW + blk)



def kernel(x, table):
    table_t = _sin_transform(table)
    xt = jnp.transpose(x.astype(jnp.int32))
    out4 = _sc_gather(table_t, xt)
    out5 = out4.reshape(TIN, DIM // 8, NBLK, 8, BB)
    y = jnp.transpose(out5, (2, 4, 0, 1, 3))
    return y.reshape(BATCH, TIN, DIM)

# --- scband reference (transcript-rebuilt; emitter-appended) ---
"""Pipeline reference for scband-time-embedding-10488310137498 (READ-ONLY COPY).

The authoritative reference and input builder live on the scoring server;
editing this copy changes nothing except your own understanding.
"""

import jax, jax.numpy as jnp
import numpy as np

NUM_EMBEDDING = 100000
EMBEDDING_DIM = 32
BATCH = 16384
TIN = 200


def setup_inputs(seed: int = 0) -> dict:
    key = jax.random.key(seed)
    k1, k2 = jax.random.split(key)
    x = jax.random.randint(k1, (BATCH, TIN), 0, NUM_EMBEDDING, dtype=jnp.int64 if jax.config.jax_enable_x64 else jnp.int32)
    table = jax.random.normal(k2, (NUM_EMBEDDING, EMBEDDING_DIM), dtype=jnp.float32)
    return {"x": x, "table": table}


def reference(x, table):
    # x: int[batch, Tin]; embedding lookup -> [batch, Tin, embedding_dim]
    idx = x.astype(jnp.int32)
    emb = jnp.take(table, idx, axis=0)
    x1 = emb[:, :, 0:1]
    x2 = jnp.sin(emb[:, :, 1:])
    out = jnp.concatenate((x1, x2), axis=2)
    # dropout in eval mode is identity
    return out

if __name__ == "__main__":
    import jax
    _d = setup_inputs()
    print(jax.jit(kernel)(*tuple(_d.values())))

</pallas_src>

<mosaic_0001>
#map = affine_map<(d0, d1) -> (0, 0)>
#map1 = affine_map<(d0, d1) -> (0, 0, 0, 0)>
module attributes {stable_mosaic.version = 14 : i64} {
  func.func @_sc_gather(%arg0: i32, %arg1: i32, %arg2: memref<100000x32xf32, #tpu.memory_space<hbm>>, %arg3: memref<200x16384xi32, #tpu.memory_space<hbm>>, %arg4: memref<200x4x128x1024xf32, #tpu.memory_space<hbm>>, %arg5: memref<200x128xi32, #tpu.memory_space<vmem>>, %arg6: memref<4x128x32xf32, #tpu.memory_space<vmem>>, %arg7: memref<2x8x4096xf32, #tpu.memory_space<vmem>>, %arg8: memref<4x!tpu.dma_semaphore, #tpu.memory_space<semaphore_mem>>, %arg9: memref<2x!tpu.dma_semaphore, #tpu.memory_space<semaphore_mem>>) attributes {dimension_semantics = [#tpu.dimension_semantics<core_parallel>, #tpu.dimension_semantics<subcore_parallel>], iteration_bounds = array<i64: 2, 16>, scalar_prefetch = 0 : i64, scratch_operands = 5 : i64, tpu.core_type = #tpu.core_type<sc_vector_subcore>, window_params = [{transform_indices = #map}, {transform_indices = #map}, {transform_indices = #map1}]} {
    %mul3A = arith.constant 2 : i32
    %mul3A_0 = arith.muli %arg1, %mul3A : i32
    %add3A = arith.addi %mul3A_0, %arg0 : i32
    %iota3A = tpu.iota {dimensions = array<i32: 0>} : vector<16xi32>
    %mul3A_1 = arith.constant 128 : i32
    %mul3A_2 = vector.broadcast %mul3A_1 : i32 to vector<16xi32>
    %mul3A_3 = arith.muli %iota3A, %mul3A_2 : vector<16xi32>
    %add3A_4 = arith.constant 2048 : i32
    %add3A_5 = vector.broadcast %add3A_4 : i32 to vector<16xi32>
    %add3A_6 = arith.addi %mul3A_3, %add3A_5 : vector<16xi32>
    %scan3A = arith.constant 0 : i32
    %scan3A_7 = arith.constant 4 : i32
    %scan3A_8 = arith.addi %scan3A, %scan3A_7 : i32
    %scan3A_9 = arith.constant 1 : i32
    scf.for %scan3A_11 = %scan3A to %scan3A_8 step %scan3A_9  : i32 {
      %mul3A_12 = arith.constant 1 : i32
      %mul3A_13 = arith.muli %scan3A_11, %mul3A_12 : i32
      %add3A_14 = arith.constant 0 : i32
      %add3A_15 = arith.addi %add3A_14, %mul3A_13 : i32
      %mul3A_16 = arith.constant 4 : i32
      %mul3A_17 = arith.muli %add3A, %mul3A_16 : i32
      %add3A_18 = arith.addi %mul3A_17, %add3A_15 : i32
      %mul3A_19 = arith.constant 128 : i32
      %mul3A_20 = arith.muli %add3A_18, %mul3A_19 : i32
      "tpu.region"() ({
        %run_scoped3A = tpu.sem_alloc : memref<!tpu.dma_semaphore, #tpu.memory_space<semaphore_mem>>
        %dma_start3A_85 = arith.constant 0 : i32
        %dma_start3A_86 = tpu.memref_slice %arg3[%dma_start3A_85, %mul3A_20] : memref<200x16384xi32, #tpu.memory_space<hbm>> -> memref<200x128xi32, #tpu.memory_space<hbm>>
        %dma_start3A_87 = arith.constant 0 : i32
        %dma_start3A_88 = tpu.memref_slice %arg3[%dma_start3A_87, %mul3A_20] : memref<200x16384xi32, #tpu.memory_space<hbm>> -> memref<200x128xi32, #tpu.memory_space<hbm>>
        tpu.enqueue_dma source(%dma_start3A_88 : memref<200x128xi32, #tpu.memory_space<hbm>>) target(%arg5 : memref<200x128xi32, #tpu.memory_space<vmem>>) target_semaphore(%run_scoped3A : memref<!tpu.dma_semaphore, #tpu.memory_space<semaphore_mem>>)
        %dma_wait3A = arith.constant 0 : i32
        %dma_wait3A_89 = tpu.memref_slice %arg3[%dma_wait3A, %mul3A_20] : memref<200x16384xi32, #tpu.memory_space<hbm>> -> memref<200x128xi32, #tpu.memory_space<hbm>>
        %dma_wait3A_90 = arith.constant 0 : i32
        %dma_wait3A_91 = tpu.memref_slice %arg3[%dma_wait3A_90, %mul3A_20] : memref<200x16384xi32, #tpu.memory_space<hbm>> -> memref<200x128xi32, #tpu.memory_space<hbm>>
        tpu.wait_dma2 semaphore(%run_scoped3A : memref<!tpu.dma_semaphore, #tpu.memory_space<semaphore_mem>>) src(%dma_wait3A_91 : memref<200x128xi32, #tpu.memory_space<hbm>>) dst(%arg5 : memref<200x128xi32, #tpu.memory_space<vmem>>)
        tpu.yield
      }) : () -> ()
      %dma_start3A = arith.constant 0 : i32
      %dma_start3A_21 = arith.constant 0 : i32
      %dma_start3A_22 = arith.constant 0 : i32
      %dma_start3A_23 = arith.constant 0 : i32
      %dma_start3A_24 = arith.constant 0 : i32
      %dma_start3A_25 = tpu.memref_slice %arg6[%dma_start3A_21, %dma_start3A_23, %dma_start3A_24] : memref<4x128x32xf32, #tpu.memory_space<vmem>> -> memref<1x128x32xf32, #tpu.memory_space<vmem>>
      %dma_start3A_26 = tpu.memref_squeeze %dma_start3A_25 : memref<1x128x32xf32, #tpu.memory_space<vmem>> -> memref<128x32xf32, #tpu.memory_space<vmem>>
      %dma_start3A_27 = arith.constant 0 : i32
      %dma_start3A_28 = tpu.memref_slice %arg5[%dma_start3A, %dma_start3A_27] : memref<200x128xi32, #tpu.memory_space<vmem>> -> memref<1x128xi32, #tpu.memory_space<vmem>>
      %dma_start3A_29 = tpu.memref_squeeze %dma_start3A_28 : memref<1x128xi32, #tpu.memory_space<vmem>> -> memref<128xi32, #tpu.memory_space<vmem>>
      %dma_start3A_30 = arith.constant 0 : i32
      %dma_start3A_31 = arith.constant 0 : i32
      %dma_start3A_32 = tpu.memref_slice %arg2[%dma_start3A_30, %dma_start3A_31] : memref<100000x32xf32, #tpu.memory_space<hbm>> -> memref<100000x32xf32, #tpu.memory_space<hbm>>
      %dma_start3A_33 = tpu.memref_slice %arg8[%dma_start3A_22] : memref<4x!tpu.dma_semaphore, #tpu.memory_space<semaphore_mem>> -> memref<1x!tpu.dma_semaphore, #tpu.memory_space<semaphore_mem>>
      %dma_start3A_34 = tpu.memref_squeeze %dma_start3A_33 : memref<1x!tpu.dma_semaphore, #tpu.memory_space<semaphore_mem>> -> memref<!tpu.dma_semaphore, #tpu.memory_space<semaphore_mem>>
      tpu.enqueue_indirect_dma source(%dma_start3A_32 : memref<100000x32xf32, #tpu.memory_space<hbm>>) target(%dma_start3A_26 : memref<128x32xf32, #tpu.memory_space<vmem>>) offsets(%dma_start3A_29 : memref<128xi32, #tpu.memory_space<vmem>>) semaphore(%dma_start3A_34 : memref<!tpu.dma_semaphore, #tpu.memory_space<semaphore_mem>>)
      %dma_start3A_35 = arith.constant 1 : i32
      %dma_start3A_36 = arith.constant 1 : i32
      %dma_start3A_37 = arith.constant 1 : i32
      %dma_start3A_38 = arith.constant 0 : i32
      %dma_start3A_39 = arith.constant 0 : i32
      %dma_start3A_40 = tpu.memref_slice %arg6[%dma_start3A_36, %dma_start3A_38, %dma_start3A_39] : memref<4x128x32xf32, #tpu.memory_space<vmem>> -> memref<1x128x32xf32, #tpu.memory_space<vmem>>
      %dma_start3A_41 = tpu.memref_squeeze %dma_start3A_40 : memref<1x128x32xf32, #tpu.memory_space<vmem>> -> memref<128x32xf32, #tpu.memory_space<vmem>>
      %dma_start3A_42 = arith.constant 0 : i32
      %dma_start3A_43 = tpu.memref_slice %arg5[%dma_start3A_35, %dma_start3A_42] : memref<200x128xi32, #tpu.memory_space<vmem>> -> memref<1x128xi32, #tpu.memory_space<vmem>>
      %dma_start3A_44 = tpu.memref_squeeze %dma_start3A_43 : memref<1x128xi32, #tpu.memory_space<vmem>> -> memref<128xi32, #tpu.memory_space<vmem>>
      %dma_start3A_45 = arith.constant 0 : i32
      %dma_start3A_46 = arith.constant 0 : i32
      %dma_start3A_47 = tpu.memref_slice %arg2[%dma_start3A_45, %dma_start3A_46] : memref<100000x32xf32, #tpu.memory_space<hbm>> -> memref<100000x32xf32, #tpu.memory_space<hbm>>
      %dma_start3A_48 = tpu.memref_slice %arg8[%dma_start3A_37] : memref<4x!tpu.dma_semaphore, #tpu.memory_space<semaphore_mem>> -> memref<1x!tpu.dma_semaphore, #tpu.memory_space<semaphore_mem>>
      %dma_start3A_49 = tpu.memref_squeeze %dma_start3A_48 : memref<1x!tpu.dma_semaphore, #tpu.memory_space<semaphore_mem>> -> memref<!tpu.dma_semaphore, #tpu.memory_space<semaphore_mem>>
      tpu.enqueue_indirect_dma source(%dma_start3A_47 : memref<100000x32xf32, #tpu.memory_space<hbm>>) target(%dma_start3A_41 : memref<128x32xf32, #tpu.memory_space<vmem>>) offsets(%dma_start3A_44 : memref<128xi32, #tpu.memory_space<vmem>>) semaphore(%dma_start3A_49 : memref<!tpu.dma_semaphore, #tpu.memory_space<semaphore_mem>>)
      %dma_start3A_50 = arith.constant 2 : i32
      %dma_start3A_51 = arith.constant 2 : i32
      %dma_start3A_52 = arith.constant 2 : i32
      %dma_start3A_53 = arith.constant 0 : i32
      %dma_start3A_54 = arith.constant 0 : i32
      %dma_start3A_55 = tpu.memref_slice %arg6[%dma_start3A_51, %dma_start3A_53, %dma_start3A_54] : memref<4x128x32xf32, #tpu.memory_space<vmem>> -> memref<1x128x32xf32, #tpu.memory_space<vmem>>
      %dma_start3A_56 = tpu.memref_squeeze %dma_start3A_55 : memref<1x128x32xf32, #tpu.memory_space<vmem>> -> memref<128x32xf32, #tpu.memory_space<vmem>>
      %dma_start3A_57 = arith.constant 0 : i32
      %dma_start3A_58 = tpu.memref_slice %arg5[%dma_start3A_50, %dma_start3A_57] : memref<200x128xi32, #tpu.memory_space<vmem>> -> memref<1x128xi32, #tpu.memory_space<vmem>>
      %dma_start3A_59 = tpu.memref_squeeze %dma_start3A_58 : memref<1x128xi32, #tpu.memory_space<vmem>> -> memref<128xi32, #tpu.memory_space<vmem>>
      %dma_start3A_60 = arith.constant 0 : i32
      %dma_start3A_61 = arith.constant 0 : i32
      %dma_start3A_62 = tpu.memref_slice %arg2[%dma_start3A_60, %dma_start3A_61] : memref<100000x32xf32, #tpu.memory_space<hbm>> -> memref<100000x32xf32, #tpu.memory_space<hbm>>
      %dma_start3A_63 = tpu.memref_slice %arg8[%dma_start3A_52] : memref<4x!tpu.dma_semaphore, #tpu.memory_space<semaphore_mem>> -> memref<1x!tpu.dma_semaphore, #tpu.memory_space<semaphore_mem>>
      %dma_start3A_64 = tpu.memref_squeeze %dma_start3A_63 : memref<1x!tpu.dma_semaphore, #tpu.memory_space<semaphore_mem>> -> memref<!tpu.dma_semaphore, #tpu.memory_space<semaphore_mem>>
      tpu.enqueue_indirect_dma source(%dma_start3A_62 : memref<100000x32xf32, #tpu.memory_space<hbm>>) target(%dma_start3A_56 : memref<128x32xf32, #tpu.memory_space<vmem>>) offsets(%dma_start3A_59 : memref<128xi32, #tpu.memory_space<vmem>>) semaphore(%dma_start3A_64 : memref<!tpu.dma_semaphore, #tpu.memory_space<semaphore_mem>>)
      %dma_start3A_65 = arith.constant 3 : i32
      %dma_start3A_66 = arith.constant 3 : i32
      %dma_start3A_67 = arith.constant 3 : i32
      %dma_start3A_68 = arith.constant 0 : i32
      %dma_start3A_69 = arith.constant 0 : i32
      %dma_start3A_70 = tpu.memref_slice %arg6[%dma_start3A_66, %dma_start3A_68, %dma_start3A_69] : memref<4x128x32xf32, #tpu.memory_space<vmem>> -> memref<1x128x32xf32, #tpu.memory_space<vmem>>
      %dma_start3A_71 = tpu.memref_squeeze %dma_start3A_70 : memref<1x128x32xf32, #tpu.memory_space<vmem>> -> memref<128x32xf32, #tpu.memory_space<vmem>>
      %dma_start3A_72 = arith.constant 0 : i32
      %dma_start3A_73 = tpu.memref_slice %arg5[%dma_start3A_65, %dma_start3A_72] : memref<200x128xi32, #tpu.memory_space<vmem>> -> memref<1x128xi32, #tpu.memory_space<vmem>>
      %dma_start3A_74 = tpu.memref_squeeze %dma_start3A_73 : memref<1x128xi32, #tpu.memory_space<vmem>> -> memref<128xi32, #tpu.memory_space<vmem>>
      %dma_start3A_75 = arith.constant 0 : i32
      %dma_start3A_76 = arith.constant 0 : i32
      %dma_start3A_77 = tpu.memref_slice %arg2[%dma_start3A_75, %dma_start3A_76] : memref<100000x32xf32, #tpu.memory_space<hbm>> -> memref<100000x32xf32, #tpu.memory_space<hbm>>
      %dma_start3A_78 = tpu.memref_slice %arg8[%dma_start3A_67] : memref<4x!tpu.dma_semaphore, #tpu.memory_space<semaphore_mem>> -> memref<1x!tpu.dma_semaphore, #tpu.memory_space<semaphore_mem>>
      %dma_start3A_79 = tpu.memref_squeeze %dma_start3A_78 : memref<1x!tpu.dma_semaphore, #tpu.memory_space<semaphore_mem>> -> memref<!tpu.dma_semaphore, #tpu.memory_space<semaphore_mem>>
      tpu.enqueue_indirect_dma source(%dma_start3A_77 : memref<100000x32xf32, #tpu.memory_space<hbm>>) target(%dma_start3A_71 : memref<128x32xf32, #tpu.memory_space<vmem>>) offsets(%dma_start3A_74 : memref<128xi32, #tpu.memory_space<vmem>>) semaphore(%dma_start3A_79 : memref<!tpu.dma_semaphore, #tpu.memory_space<semaphore_mem>>)
      %scan3A_80 = arith.constant 0 : i32
      %scan3A_81 = arith.constant 25 : i32
      %scan3A_82 = arith.addi %scan3A_80, %scan3A_81 : i32
      %scan3A_83 = arith.constant 1 : i32
      scf.for %scan3A_85 = %scan3A_80 to %scan3A_82 step %scan3A_83  : i32 {
        %mul3A_86 = arith.constant 8 : i32
        %mul3A_87 = arith.muli %scan3A_85, %mul3A_86 : i32
        %add3A_88 = arith.constant 0 : i32
        %add3A_89 = arith.addi %add3A_88, %mul3A_87 : i32
        %jit3A = arith.constant 8 : i32
        %div3A = arith.divsi %add3A_89, %jit3A : i32
        %sign3A = arith.constant 0 : i32
        %sign3A_90 = arith.cmpi sgt, %add3A_89, %sign3A : i32
        %sign3A_91 = arith.extui %sign3A_90 : i1 to i32
        %sign3A_92 = arith.constant 0 : i32
        %sign3A_93 = arith.cmpi slt, %add3A_89, %sign3A_92 : i32
        %sign3A_94 = arith.extui %sign3A_93 : i1 to i32
        %sign3A_95 = arith.subi %sign3A_91, %sign3A_94 : i32
        %sign3A_96 = arith.constant 0 : i32
        %sign3A_97 = arith.cmpi sgt, %jit3A, %sign3A_96 : i32
        %sign3A_98 = arith.extui %sign3A_97 : i1 to i32
        %sign3A_99 = arith.constant 0 : i32
        %sign3A_100 = arith.cmpi slt, %jit3A, %sign3A_99 : i32
        %sign3A_101 = arith.extui %sign3A_100 : i1 to i32
        %sign3A_102 = arith.subi %sign3A_98, %sign3A_101 : i32
        %ne3A = arith.cmpi ne, %sign3A_95, %sign3A_102 : i32
        %rem3A = arith.remsi %add3A_89, %jit3A : i32
        %ne3A_103 = arith.constant 0 : i32
        %ne3A_104 = arith.cmpi ne, %rem3A, %ne3A_103 : i32
        %and3A = arith.andi %ne3A, %ne3A_104 : i1
        %sub3A = arith.constant 1 : i32
        %sub3A_105 = arith.subi %div3A, %sub3A : i32
        %select_n3A = arith.select %and3A, %sub3A_105, %div3A : i32
        %jit3A_106 = arith.constant 2 : i32
        %eq3A = arith.constant 0 : i32
        %eq3A_107 = arith.cmpi eq, %jit3A_106, %eq3A : i32
        %jit3A_108 = arith.constant 1 : i32
        %select_n3A_109 = arith.select %eq3A_107, %jit3A_108, %jit3A_106 : i32
        %rem3A_110 = arith.remsi %select_n3A, %select_n3A_109 : i32
        %ne3A_111 = arith.constant 0 : i32
        %ne3A_112 = arith.cmpi ne, %rem3A_110, %ne3A_111 : i32
        %lt3A = arith.constant 0 : i32
        %lt3A_113 = arith.cmpi slt, %rem3A_110, %lt3A : i32
        %lt3A_114 = arith.constant 0 : i32
        %lt3A_115 = arith.cmpi slt, %select_n3A_109, %lt3A_114 : i32
        %ne3A_116 = arith.xori %lt3A_113, %lt3A_115 : i1
        %and3A_117 = arith.andi %ne3A_116, %ne3A_112 : i1
        %add3A_118 = arith.addi %rem3A_110, %select_n3A_109 : i32
        %select_n3A_119 = arith.select %and3A_117, %add3A_118, %rem3A_110 : i32
        %ge3A = arith.constant 16 : i32
        %ge3A_120 = arith.cmpi sge, %add3A_89, %ge3A : i32
        %convert_element_type3A = arith.extui %ge3A_120 : i1 to i32
        %cond3A = arith.constant 0 : i32
        %cond3A_121 = arith.cmpi ne, %convert_element_type3A, %cond3A : i32
        scf.if %cond3A_121 {
        } else {
        }
        %add3A_122 = arith.constant 0 : i32
        %add3A_123 = arith.addi %add3A_89, %add3A_122 : i32
        %dma_wait3A = arith.constant 0 : i32
        %dma_wait3A_124 = arith.constant 0 : i32
        %dma_wait3A_125 = arith.constant 0 : i32
        %dma_wait3A_126 = arith.constant 0 : i32
        %dma_wait3A_127 = tpu.memref_slice %arg6[%dma_wait3A, %dma_wait3A_125, %dma_wait3A_126] : memref<4x128x32xf32, #tpu.memory_space<vmem>> -> memref<1x128x32xf32, #tpu.memory_space<vmem>>
        %dma_wait3A_128 = tpu.memref_squeeze %dma_wait3A_127 : memref<1x128x32xf32, #tpu.memory_space<vmem>> -> memref<128x32xf32, #tpu.memory_space<vmem>>
        %dma_wait3A_129 = arith.constant 0 : i32
        %dma_wait3A_130 = tpu.memref_slice %arg5[%add3A_123, %dma_wait3A_129] : memref<200x128xi32, #tpu.memory_space<vmem>> -> memref<1x128xi32, #tpu.memory_space<vmem>>
        %dma_wait3A_131 = tpu.memref_squeeze %dma_wait3A_130 : memref<1x128xi32, #tpu.memory_space<vmem>> -> memref<128xi32, #tpu.memory_space<vmem>>
        %dma_wait3A_132 = arith.constant 0 : i32
        %dma_wait3A_133 = arith.constant 0 : i32
        %dma_wait3A_134 = tpu.memref_slice %arg2[%dma_wait3A_132, %dma_wait3A_133] : memref<100000x32xf32, #tpu.memory_space<hbm>> -> memref<100000x32xf32, #tpu.memory_space<hbm>>
        %dma_wait3A_135 = tpu.memref_slice %arg8[%dma_wait3A_124] : memref<4x!tpu.dma_semaphore, #tpu.memory_space<semaphore_mem>> -> memref<1x!tpu.dma_semaphore, #tpu.memory_space<semaphore_mem>>
        %dma_wait3A_136 = tpu.memref_squeeze %dma_wait3A_135 : memref<1x!tpu.dma_semaphore, #tpu.memory_space<semaphore_mem>> -> memref<!tpu.dma_semaphore, #tpu.memory_space<semaphore_mem>>
        tpu.wait_indirect_dma semaphore(%dma_wait3A_136 : memref<!tpu.dma_semaphore, #tpu.memory_space<semaphore_mem>>) src(%dma_wait3A_134 : memref<100000x32xf32, #tpu.memory_space<hbm>>) dst(%dma_wait3A_128 : memref<128x32xf32, #tpu.memory_space<vmem>>)
        %scan3A_137 = arith.constant 0 : i32
        %scan3A_138 = arith.constant 0 : i32
        %scan3A_139 = arith.constant 16 : i32
        %scan3A_140 = arith.addi %scan3A_138, %scan3A_139 : i32
        %scan3A_141 = arith.constant 1 : i32
        scf.for %scan3A_353 = %scan3A_138 to %scan3A_140 step %scan3A_141  : i32 {
          %mul3A_354 = arith.constant 8 : i32
          %mul3A_355 = arith.muli %scan3A_353, %mul3A_354 : i32
          %add3A_356 = arith.constant 0 : i32
          %add3A_357 = arith.addi %add3A_356, %mul3A_355 : i32
          %add3A_358 = arith.constant 0 : i32
          %add3A_359 = arith.addi %add3A_357, %add3A_358 : i32
          %get3A = arith.constant 0 : i32
          %get3A_360 = arith.index_cast %get3A : i32 to index
          %get3A_361 = arith.index_cast %add3A_359 : i32 to index
          %get3A_362 = arith.constant 0 : index
          %get3A_363 = tpu.vector_load %arg6[%get3A_360, %get3A_361, %get3A_362] {strides = array<i32>} : memref<4x128x32xf32, #tpu.memory_space<vmem>>, vector<16xf32>,
          %get3A_364 = arith.constant 0 : i32
          %get3A_365 = arith.index_cast %get3A_364 : i32 to index
          %get3A_366 = arith.index_cast %add3A_359 : i32 to index
          %get3A_367 = arith.constant 16 : index
          %get3A_368 = tpu.vector_load %arg6[%get3A_365, %get3A_366, %get3A_367] {strides = array<i32>} : memref<4x128x32xf32, #tpu.memory_space<vmem>>, vector<16xf32>,
          %add3A_369 = vector.broadcast %add3A_359 : i32 to vector<16xi32>
          %add3A_370 = arith.addi %mul3A_3, %add3A_369 : vector<16xi32>
          %scatter3A = arith.constant 0 : i32
          %scatter3A_371 = tpu.memref_slice %arg7[%select_n3A_119, %scan3A_137, %scatter3A] : memref<2x8x4096xf32, #tpu.memory_space<vmem>> -> memref<1x1x4096xf32, #tpu.memory_space<vmem>>
          %scatter3A_372 = tpu.memref_squeeze %scatter3A_371 : memref<1x1x4096xf32, #tpu.memory_space<vmem>> -> memref<4096xf32, #tpu.memory_space<vmem>>
          tpu.vector_store_idx %scatter3A_372[%add3A_370], %get3A_363 : memref<4096xf32, #tpu.memory_space<vmem>>[vector<16xi32>], vector<16xf32>,
          %add3A_373 = vector.broadcast %add3A_359 : i32 to vector<16xi32>
          %add3A_374 = arith.addi %add3A_6, %add3A_373 : vector<16xi32>
          %scatter3A_375 = arith.constant 0 : i32
          %scatter3A_376 = tpu.memref_slice %arg7[%select_n3A_119, %scan3A_137, %scatter3A_375] : memref<2x8x4096xf32, #tpu.memory_space<vmem>> -> memref<1x1x4096xf32, #tpu.memory_space<vmem>>
          %scatter3A_377 = tpu.memref_squeeze %scatter3A_376 : memref<1x1x4096xf32, #tpu.memory_space<vmem>> -> memref<4096xf32, #tpu.memory_space<vmem>>
          tpu.vector_store_idx %scatter3A_377[%add3A_374], %get3A_368 : memref<4096xf32, #tpu.memory_space<vmem>>[vector<16xi32>], vector<16xf32>,
          %add3A_378 = arith.constant 1 : i32
          %add3A_379 = arith.addi %add3A_357, %add3A_378 : i32
          %get3A_380 = arith.constant 0 : i32
          %get3A_381 = arith.index_cast %get3A_380 : i32 to index
          %get3A_382 = arith.index_cast %add3A_379 : i32 to index
          %get3A_383 = arith.constant 0 : index
          %get3A_384 = tpu.vector_load %arg6[%get3A_381, %get3A_382, %get3A_383] {strides = array<i32>} : memref<4x128x32xf32, #tpu.memory_space<vmem>>, vector<16xf32>,
          %get3A_385 = arith.constant 0 : i32
          %get3A_386 = arith.index_cast %get3A_385 : i32 to index
          %get3A_387 = arith.index_cast %add3A_379 : i32 to index
          %get3A_388 = arith.constant 16 : index
          %get3A_389 = tpu.vector_load %arg6[%get3A_386, %get3A_387, %get3A_388] {strides = array<i32>} : memref<4x128x32xf32, #tpu.memory_space<vmem>>, vector<16xf32>,
          %add3A_390 = vector.broadcast %add3A_379 : i32 to vector<16xi32>
          %add3A_391 = arith.addi %mul3A_3, %add3A_390 : vector<16xi32>
          %scatter3A_392 = arith.constant 0 : i32
          %scatter3A_393 = tpu.memref_slice %arg7[%select_n3A_119, %scan3A_137, %scatter3A_392] : memref<2x8x4096xf32, #tpu.memory_space<vmem>> -> memref<1x1x4096xf32, #tpu.memory_space<vmem>>
          %scatter3A_394 = tpu.memref_squeeze %scatter3A_393 : memref<1x1x4096xf32, #tpu.memory_space<vmem>> -> memref<4096xf32, #tpu.memory_space<vmem>>
          tpu.vector_store_idx %scatter3A_394[%add3A_391], %get3A_384 : memref<4096xf32, #tpu.memory_space<vmem>>[vector<16xi32>], vector<16xf32>,
          %add3A_395 = vector.broadcast %add3A_379 : i32 to vector<16xi32>
          %add3A_396 = arith.addi %add3A_6, %add3A_395 : vector<16xi32>
          %scatter3A_397 = arith.constant 0 : i32
          %scatter3A_398 = tpu.memref_slice %arg7[%select_n3A_119, %scan3A_137, %scatter3A_397] : memref<2x8x4096xf32, #tpu.memory_space<vmem>> -> memref<1x1x4096xf32, #tpu.memory_space<vmem>>
          %scatter3A_399 = tpu.memref_squeeze %scatter3A_398 : memref<1x1x4096xf32, #tpu.memory_space<vmem>> -> memref<4096xf32, #tpu.memory_space<vmem>>
          tpu.vector_store_idx %scatter3A_399[%add3A_396], %get3A_389 : memref<4096xf32, #tpu.memory_space<vmem>>[vector<16xi32>], vector<16xf32>,
          %add3A_400 = arith.constant 2 : i32
          %add3A_401 = arith.addi %add3A_357, %add3A_400 : i32
          %get3A_402 = arith.constant 0 : i32
          %get3A_403 = arith.index_cast %get3A_402 : i32 to index
          %get3A_404 = arith.index_cast %add3A_401 : i32 to index
          %get3A_405 = arith.constant 0 : index
          %get3A_406 = tpu.vector_load %arg6[%get3A_403, %get3A_404, %get3A_405] {strides = array<i32>} : memref<4x128x32xf32, #tpu.memory_space<vmem>>, vector<16xf32>,
          %get3A_407 = arith.constant 0 : i32
          %get3A_408 = arith.index_cast %get3A_407 : i32 to index
          %get3A_409 = arith.index_cast %add3A_401 : i32 to index
          %get3A_410 = arith.constant 16 : index
          %get3A_411 = tpu.vector_load %arg6[%get3A_408, %get3A_409, %get3A_410] {strides = array<i32>} : memref<4x128x32xf32, #tpu.memory_space<vmem>>, vector<16xf32>,
          %add3A_412 = vector.broadcast %add3A_401 : i32 to vector<16xi32>
          %add3A_413 = arith.addi %mul3A_3, %add3A_412 : vector<16xi32>
          %scatter3A_414 = arith.constant 0 : i32
          %scatter3A_415 = tpu.memref_slice %arg7[%select_n3A_119, %scan3A_137, %scatter3A_414] : memref<2x8x4096xf32, #tpu.memory_space<vmem>> -> memref<1x1x4096xf32, #tpu.memory_space<vmem>>
          %scatter3A_416 = tpu.memref_squeeze %scatter3A_415 : memref<1x1x4096xf32, #tpu.memory_space<vmem>> -> memref<4096xf32, #tpu.memory_space<vmem>>
          tpu.vector_store_idx %scatter3A_416[%add3A_413], %get3A_406 : memref<4096xf32, #tpu.memory_space<vmem>>[vector<16xi32>], vector<16xf32>,
          %add3A_417 = vector.broadcast %add3A_401 : i32 to vector<16xi32>
          %add3A_418 = arith.addi %add3A_6, %add3A_417 : vector<16xi32>
          %scatter3A_419 = arith.constant 0 : i32
          %scatter3A_420 = tpu.memref_slice %arg7[%select_n3A_119, %scan3A_137, %scatter3A_419] : memref<2x8x4096xf32, #tpu.memory_space<vmem>> -> memref<1x1x4096xf32, #tpu.memory_space<vmem>>
          %scatter3A_421 = tpu.memref_squeeze %scatter3A_420 : memref<1x1x4096xf32, #tpu.memory_space<vmem>> -> memref<4096xf32, #tpu.memory_space<vmem>>
          tpu.vector_store_idx %scatter3A_421[%add3A_418], %get3A_411 : memref<4096xf32, #tpu.memory_space<vmem>>[vector<16xi32>], vector<16xf32>,
          %add3A_422 = arith.constant 3 : i32
          %add3A_423 = arith.addi %add3A_357, %add3A_422 : i32
          %get3A_424 = arith.constant 0 : i32
          %get3A_425 = arith.index_cast %get3A_424 : i32 to index
          %get3A_426 = arith.index_cast %add3A_423 : i32 to index
          %get3A_427 = arith.constant 0 : index
          %get3A_428 = tpu.vector_load %arg6[%get3A_425, %get3A_426, %get3A_427] {strides = array<i32>} : memref<4x128x32xf32, #tpu.memory_space<vmem>>, vector<16xf32>,
          %get3A_429 = arith.constant 0 : i32
          %get3A_430 = arith.index_cast %get3A_429 : i32 to index
          %get3A_431 = arith.index_cast %add3A_423 : i32 to index
          %get3A_432 = arith.constant 16 : index
          %get3A_433 = tpu.vector_load %arg6[%get3A_430, %get3A_431, %get3A_432] {strides = array<i32>} : memref<4x128x32xf32, #tpu.memory_space<vmem>>, vector<16xf32>,
          %add3A_434 = vector.broadcast %add3A_423 : i32 to vector<16xi32>
          %add3A_435 = arith.addi %mul3A_3, %add3A_434 : vector<16xi32>
          %scatter3A_436 = arith.constant 0 : i32
          %scatter3A_437 = tpu.memref_slice %arg7[%select_n3A_119, %scan3A_137, %scatter3A_436] : memref<2x8x4096xf32, #tpu.memory_space<vmem>> -> memref<1x1x4096xf32, #tpu.memory_space<vmem>>
          %scatter3A_438 = tpu.memref_squeeze %scatter3A_437 : memref<1x1x4096xf32, #tpu.memory_space<vmem>> -> memref<4096xf32, #tpu.memory_space<vmem>>
          tpu.vector_store_idx %scatter3A_438[%add3A_435], %get3A_428 : memref<4096xf32, #tpu.memory_space<vmem>>[vector<16xi32>], vector<16xf32>,
          %add3A_439 = vector.broadcast %add3A_423 : i32 to vector<16xi32>
          %add3A_440 = arith.addi %add3A_6, %add3A_439 : vector<16xi32>
          %scatter3A_441 = arith.constant 0 : i32
          %scatter3A_442 = tpu.memref_slice %arg7[%select_n3A_119, %scan3A_137, %scatter3A_441] : memref<2x8x4096xf32, #tpu.memory_space<vmem>> -> memref<1x1x4096xf32, #tpu.memory_space<vmem>>
          %scatter3A_443 = tpu.memref_squeeze %scatter3A_442 : memref<1x1x4096xf32, #tpu.memory_space<vmem>> -> memref<4096xf32, #tpu.memory_space<vmem>>
          tpu.vector_store_idx %scatter3A_443[%add3A_440], %get3A_433 : memref<4096xf32, #tpu.memory_space<vmem>>[vector<16xi32>], vector<16xf32>,
          %add3A_444 = arith.constant 4 : i32
          %add3A_445 = arith.addi %add3A_357, %add3A_444 : i32
          %get3A_446 = arith.constant 0 : i32
          %get3A_447 = arith.index_cast %get3A_446 : i32 to index
          %get3A_448 = arith.index_cast %add3A_445 : i32 to index
          %get3A_449 = arith.constant 0 : index
          %get3A_450 = tpu.vector_load %arg6[%get3A_447, %get3A_448, %get3A_449] {strides = array<i32>} : memref<4x128x32xf32, #tpu.memory_space<vmem>>, vector<16xf32>,
          %get3A_451 = arith.constant 0 : i32
          %get3A_452 = arith.index_cast %get3A_451 : i32 to index
          %get3A_453 = arith.index_cast %add3A_445 : i32 to index
          %get3A_454 = arith.constant 16 : index
          %get3A_455 = tpu.vector_load %arg6[%get3A_452, %get3A_453, %get3A_454] {strides = array<i32>} : memref<4x128x32xf32, #tpu.memory_space<vmem>>, vector<16xf32>,
          %add3A_456 = vector.broadcast %add3A_445 : i32 to vector<16xi32>
          %add3A_457 = arith.addi %mul3A_3, %add3A_456 : vector<16xi32>
          %scatter3A_458 = arith.constant 0 : i32
          %scatter3A_459 = tpu.memref_slice %arg7[%select_n3A_119, %scan3A_137, %scatter3A_458] : memref<2x8x4096xf32, #tpu.memory_space<vmem>> -> memref<1x1x4096xf32, #tpu.memory_space<vmem>>
          %scatter3A_460 = tpu.memref_squeeze %scatter3A_459 : memref<1x1x4096xf32, #tpu.memory_space<vmem>> -> memref<4096xf32, #tpu.memory_space<vmem>>
          tpu.vector_store_idx %scatter3A_460[%add3A_457], %get3A_450 : memref<4096xf32, #tpu.memory_space<vmem>>[vector<16xi32>], vector<16xf32>,
          %add3A_461 = vector.broadcast %add3A_445 : i32 to vector<16xi32>
          %add3A_462 = arith.addi %add3A_6, %add3A_461 : vector<16xi32>
          %scatter3A_463 = arith.constant 0 : i32
          %scatter3A_464 = tpu.memref_slice %arg7[%select_n3A_119, %scan3A_137, %scatter3A_463] : memref<2x8x4096xf32, #tpu.memory_space<vmem>> -> memref<1x1x4096xf32, #tpu.memory_space<vmem>>
          %scatter3A_465 = tpu.memref_squeeze %scatter3A_464 : memref<1x1x4096xf32, #tpu.memory_space<vmem>> -> memref<4096xf32, #tpu.memory_space<vmem>>
          tpu.vector_store_idx %scatter3A_465[%add3A_462], %get3A_455 : memref<4096xf32, #tpu.memory_space<vmem>>[vector<16xi32>], vector<16xf32>,
          %add3A_466 = arith.constant 5 : i32
          %add3A_467 = arith.addi %add3A_357, %add3A_466 : i32
          %get3A_468 = arith.constant 0 : i32
          %get3A_469 = arith.index_cast %get3A_468 : i32 to index
          %get3A_470 = arith.index_cast %add3A_467 : i32 to index
          %get3A_471 = arith.constant 0 : index
          %get3A_472 = tpu.vector_load %arg6[%get3A_469, %get3A_470, %get3A_471] {strides = array<i32>} : memref<4x128x32xf32, #tpu.memory_space<vmem>>, vector<16xf32>,
          %get3A_473 = arith.constant 0 : i32
          %get3A_474 = arith.index_cast %get3A_473 : i32 to index
          %get3A_475 = arith.index_cast %add3A_467 : i32 to index
          %get3A_476 = arith.constant 16 : index
          %get3A_477 = tpu.vector_load %arg6[%get3A_474, %get3A_475, %get3A_476] {strides = array<i32>} : memref<4x128x32xf32, #tpu.memory_space<vmem>>, vector<16xf32>,
          %add3A_478 = vector.broadcast %add3A_467 : i32 to vector<16xi32>
          %add3A_479 = arith.addi %mul3A_3, %add3A_478 : vector<16xi32>
          %scatter3A_480 = arith.constant 0 : i32
          %scatter3A_481 = tpu.memref_slice %arg7[%select_n3A_119, %scan3A_137, %scatter3A_480] : memref<2x8x4096xf32, #tpu.memory_space<vmem>> -> memref<1x1x4096xf32, #tpu.memory_space<vmem>>
          %scatter3A_482 = tpu.memref_squeeze %scatter3A_481 : memref<1x1x4096xf32, #tpu.memory_space<vmem>> -> memref<4096xf32, #tpu.memory_space<vmem>>
          tpu.vector_store_idx %scatter3A_482[%add3A_479], %get3A_472 : memref<4096xf32, #tpu.memory_space<vmem>>[vector<16xi32>], vector<16xf32>,
          %add3A_483 = vector.broadcast %add3A_467 : i32 to vector<16xi32>
          %add3A_484 = arith.addi %add3A_6, %add3A_483 : vector<16xi32>
          %scatter3A_485 = arith.constant 0 : i32
          %scatter3A_486 = tpu.memref_slice %arg7[%select_n3A_119, %scan3A_137, %scatter3A_485] : memref<2x8x4096xf32, #tpu.memory_space<vmem>> -> memref<1x1x4096xf32, #tpu.memory_space<vmem>>
          %scatter3A_487 = tpu.memref_squeeze %scatter3A_486 : memref<1x1x4096xf32, #tpu.memory_space<vmem>> -> memref<4096xf32, #tpu.memory_space<vmem>>
          tpu.vector_store_idx %scatter3A_487[%add3A_484], %get3A_477 : memref<4096xf32, #tpu.memory_space<vmem>>[vector<16xi32>], vector<16xf32>,
          %add3A_488 = arith.constant 6 : i32
          %add3A_489 = arith.addi %add3A_357, %add3A_488 : i32
          %get3A_490 = arith.constant 0 : i32
          %get3A_491 = arith.index_cast %get3A_490 : i32 to index
          %get3A_492 = arith.index_cast %add3A_489 : i32 to index
          %get3A_493 = arith.constant 0 : index
          %get3A_494 = tpu.vector_load %arg6[%get3A_491, %get3A_492, %get3A_493] {strides = array<i32>} : memref<4x128x32xf32, #tpu.memory_space<vmem>>, vector<16xf32>,
          %get3A_495 = arith.constant 0 : i32
          %get3A_496 = arith.index_cast %get3A_495 : i32 to index
          %get3A_497 = arith.index_cast %add3A_489 : i32 to index
          %get3A_498 = arith.constant 16 : index
          %get3A_499 = tpu.vector_load %arg6[%get3A_496, %get3A_497, %get3A_498] {strides = array<i32>} : memref<4x128x32xf32, #tpu.memory_space<vmem>>, vector<16xf32>,
          %add3A_500 = vector.broadcast %add3A_489 : i32 to vector<16xi32>
          %add3A_501 = arith.addi %mul3A_3, %add3A_500 : vector<16xi32>
          %scatter3A_502 = arith.constant 0 : i32
          %scatter3A_503 = tpu.memref_slice %arg7[%select_n3A_119, %scan3A_137, %scatter3A_502] : memref<2x8x4096xf32, #tpu.memory_space<vmem>> -> memref<1x1x4096xf32, #tpu.memory_space<vmem>>
          %scatter3A_504 = tpu.memref_squeeze %scatter3A_503 : memref<1x1x4096xf32, #tpu.memory_space<vmem>> -> memref<4096xf32, #tpu.memory_space<vmem>>
          tpu.vector_store_idx %scatter3A_504[%add3A_501], %get3A_494 : memref<4096xf32, #tpu.memory_space<vmem>>[vector<16xi32>], vector<16xf32>,
          %add3A_505 = vector.broadcast %add3A_489 : i32 to vector<16xi32>
          %add3A_506 = arith.addi %add3A_6, %add3A_505 : vector<16xi32>
          %scatter3A_507 = arith.constant 0 : i32
          %scatter3A_508 = tpu.memref_slice %arg7[%select_n3A_119, %scan3A_137, %scatter3A_507] : memref<2x8x4096xf32, #tpu.memory_space<vmem>> -> memref<1x1x4096xf32, #tpu.memory_space<vmem>>
          %scatter3A_509 = tpu.memref_squeeze %scatter3A_508 : memref<1x1x4096xf32, #tpu.memory_space<vmem>> -> memref<4096xf32, #tpu.memory_space<vmem>>
          tpu.vector_store_idx %scatter3A_509[%add3A_506], %get3A_499 : memref<4096xf32, #tpu.memory_space<vmem>>[vector<16xi32>], vector<16xf32>,
          %add3A_510 = arith.constant 7 : i32
          %add3A_511 = arith.addi %add3A_357, %add3A_510 : i32
          %get3A_512 = arith.constant 0 : i32
          %get3A_513 = arith.index_cast %get3A_512 : i32 to index
          %get3A_514 = arith.index_cast %add3A_511 : i32 to index
          %get3A_515 = arith.constant 0 : index
          %get3A_516 = tpu.vector_load %arg6[%get3A_513, %get3A_514, %get3A_515] {strides = array<i32>} : memref<4x128x32xf32, #tpu.memory_space<vmem>>, vector<16xf32>,
          %get3A_517 = arith.constant 0 : i32
          %get3A_518 = arith.index_cast %get3A_517 : i32 to index
          %get3A_519 = arith.index_cast %add3A_511 : i32 to index
          %get3A_520 = arith.constant 16 : index
          %get3A_521 = tpu.vector_load %arg6[%get3A_518, %get3A_519, %get3A_520] {strides = array<i32>} : memref<4x128x32xf32, #tpu.memory_space<vmem>>, vector<16xf32>,
          %add3A_522 = vector.broadcast %add3A_511 : i32 to vector<16xi32>
          %add3A_523 = arith.addi %mul3A_3, %add3A_522 : vector<16xi32>
          %scatter3A_524 = arith.constant 0 : i32
          %scatter3A_525 = tpu.memref_slice %arg7[%select_n3A_119, %scan3A_137, %scatter3A_524] : memref<2x8x4096xf32, #tpu.memory_space<vmem>> -> memref<1x1x4096xf32, #tpu.memory_space<vmem>>
          %scatter3A_526 = tpu.memref_squeeze %scatter3A_525 : memref<1x1x4096xf32, #tpu.memory_space<vmem>> -> memref<4096xf32, #tpu.memory_space<vmem>>
          tpu.vector_store_idx %scatter3A_526[%add3A_523], %get3A_516 : memref<4096xf32, #tpu.memory_space<vmem>>[vector<16xi32>], vector<16xf32>,
          %add3A_527 = vector.broadcast %add3A_511 : i32 to vector<16xi32>
          %add3A_528 = arith.addi %add3A_6, %add3A_527 : vector<16xi32>
          %scatter3A_529 = arith.constant 0 : i32
          %scatter3A_530 = tpu.memref_slice %arg7[%select_n3A_119, %scan3A_137, %scatter3A_529] : memref<2x8x4096xf32, #tpu.memory_space<vmem>> -> memref<1x1x4096xf32, #tpu.memory_space<vmem>>
          %scatter3A_531 = tpu.memref_squeeze %scatter3A_530 : memref<1x1x4096xf32, #tpu.memory_space<vmem>> -> memref<4096xf32, #tpu.memory_space<vmem>>
          tpu.vector_store_idx %scatter3A_531[%add3A_528], %get3A_521 : memref<4096xf32, #tpu.memory_space<vmem>>[vector<16xi32>], vector<16xf32>,
        }
        %scan3A_142 = arith.constant 16 : i32
        %add3A_143 = arith.constant 4 : i32
        %add3A_144 = arith.addi %add3A_123, %add3A_143 : i32
        %lt3A_145 = arith.constant 200 : i32
        %lt3A_146 = arith.cmpi slt, %add3A_144, %lt3A_145 : i32
        %convert_element_type3A_147 = arith.extui %lt3A_146 : i1 to i32
        %cond3A_148 = arith.constant 0 : i32
        %cond3A_149 = arith.cmpi ne, %convert_element_type3A_147, %cond3A_148 : i32
        scf.if %cond3A_149 {
          %add3A_353 = arith.constant 4 : i32
          %add3A_354 = arith.addi %add3A_123, %add3A_353 : i32
          %dma_start3A_355 = arith.constant 0 : i32
          %dma_start3A_356 = arith.constant 0 : i32
          %dma_start3A_357 = arith.constant 0 : i32
          %dma_start3A_358 = arith.constant 0 : i32
          %dma_start3A_359 = tpu.memref_slice %arg6[%dma_start3A_355, %dma_start3A_357, %dma_start3A_358] : memref<4x128x32xf32, #tpu.memory_space<vmem>> -> memref<1x128x32xf32, #tpu.memory_space<vmem>>
          %dma_start3A_360 = tpu.memref_squeeze %dma_start3A_359 : memref<1x128x32xf32, #tpu.memory_space<vmem>> -> memref<128x32xf32, #tpu.memory_space<vmem>>
          %dma_start3A_361 = arith.constant 0 : i32
          %dma_start3A_362 = tpu.memref_slice %arg5[%add3A_354, %dma_start3A_361] : memref<200x128xi32, #tpu.memory_space<vmem>> -> memref<1x128xi32, #tpu.memory_space<vmem>>
          %dma_start3A_363 = tpu.memref_squeeze %dma_start3A_362 : memref<1x128xi32, #tpu.memory_space<vmem>> -> memref<128xi32, #tpu.memory_space<vmem>>
          %dma_start3A_364 = arith.constant 0 : i32
          %dma_start3A_365 = arith.constant 0 : i32
          %dma_start3A_366 = tpu.memref_slice %arg2[%dma_start3A_364, %dma_start3A_365] : memref<100000x32xf32, #tpu.memory_space<hbm>> -> memref<100000x32xf32, #tpu.memory_space<hbm>>
          %dma_start3A_367 = tpu.memref_slice %arg8[%dma_start3A_356] : memref<4x!tpu.dma_semaphore, #tpu.memory_space<semaphore_mem>> -> memref<1x!tpu.dma_semaphore, #tpu.memory_space<semaphore_mem>>
          %dma_start3A_368 = tpu.memref_squeeze %dma_start3A_367 : memref<1x!tpu.dma_semaphore, #tpu.memory_space<semaphore_mem>> -> memref<!tpu.dma_semaphore, #tpu.memory_space<semaphore_mem>>
          tpu.enqueue_indirect_dma source(%dma_start3A_366 : memref<100000x32xf32, #tpu.memory_space<hbm>>) target(%dma_start3A_360 : memref<128x32xf32, #tpu.memory_space<vmem>>) offsets(%dma_start3A_363 : memref<128xi32, #tpu.memory_space<vmem>>) semaphore(%dma_start3A_368 : memref<!tpu.dma_semaphore, #tpu.memory_space<semaphore_mem>>)
        } else {
        }
        %add3A_150 = arith.constant 1 : i32
        %add3A_151 = arith.addi %add3A_89, %add3A_150 : i32
        %dma_wait3A_152 = arith.constant 1 : i32
        %dma_wait3A_153 = arith.constant 1 : i32
        %dma_wait3A_154 = arith.constant 0 : i32
        %dma_wait3A_155 = arith.constant 0 : i32
        %dma_wait3A_156 = tpu.memref_slice %arg6[%dma_wait3A_152, %dma_wait3A_154, %dma_wait3A_155] : memref<4x128x32xf32, #tpu.memory_space<vmem>> -> memref<1x128x32xf32, #tpu.memory_space<vmem>>
        %dma_wait3A_157 = tpu.memref_squeeze %dma_wait3A_156 : memref<1x128x32xf32, #tpu.memory_space<vmem>> -> memref<128x32xf32, #tpu.memory_space<vmem>>
        %dma_wait3A_158 = arith.constant 0 : i32
        %dma_wait3A_159 = tpu.memref_slice %arg5[%add3A_151, %dma_wait3A_158] : memref<200x128xi32, #tpu.memory_space<vmem>> -> memref<1x128xi32, #tpu.memory_space<vmem>>
        %dma_wait3A_160 = tpu.memref_squeeze %dma_wait3A_159 : memref<1x128xi32, #tpu.memory_space<vmem>> -> memref<128xi32, #tpu.memory_space<vmem>>
        %dma_wait3A_161 = arith.constant 0 : i32
        %dma_wait3A_162 = arith.constant 0 : i32
        %dma_wait3A_163 = tpu.memref_slice %arg2[%dma_wait3A_161, %dma_wait3A_162] : memref<100000x32xf32, #tpu.memory_space<hbm>> -> memref<100000x32xf32, #tpu.memory_space<hbm>>
        %dma_wait3A_164 = tpu.memref_slice %arg8[%dma_wait3A_153] : memref<4x!tpu.dma_semaphore, #tpu.memory_space<semaphore_mem>> -> memref<1x!tpu.dma_semaphore, #tpu.memory_space<semaphore_mem>>
        %dma_wait3A_165 = tpu.memref_squeeze %dma_wait3A_164 : memref<1x!tpu.dma_semaphore, #tpu.memory_space<semaphore_mem>> -> memref<!tpu.dma_semaphore, #tpu.memory_space<semaphore_mem>>
        tpu.wait_indirect_dma semaphore(%dma_wait3A_165 : memref<!tpu.dma_semaphore, #tpu.memory_space<semaphore_mem>>) src(%dma_wait3A_163 : memref<100000x32xf32, #tpu.memory_space<hbm>>) dst(%dma_wait3A_157 : memref<128x32xf32, #tpu.memory_space<vmem>>)
        %scan3A_166 = arith.constant 1 : i32
        %scan3A_167 = arith.constant 0 : i32
        %scan3A_168 = arith.constant 16 : i32
        %scan3A_169 = arith.addi %scan3A_167, %scan3A_168 : i32
        %scan3A_170 = arith.constant 1 : i32
        scf.for %scan3A_353 = %scan3A_167 to %scan3A_169 step %scan3A_170  : i32 {
          %mul3A_354 = arith.constant 8 : i32
          %mul3A_355 = arith.muli %scan3A_353, %mul3A_354 : i32
          %add3A_356 = arith.constant 0 : i32
          %add3A_357 = arith.addi %add3A_356, %mul3A_355 : i32
          %add3A_358 = arith.constant 0 : i32
          %add3A_359 = arith.addi %add3A_357, %add3A_358 : i32
          %get3A = arith.constant 1 : i32
          %get3A_360 = arith.index_cast %get3A : i32 to index
          %get3A_361 = arith.index_cast %add3A_359 : i32 to index
          %get3A_362 = arith.constant 0 : index
          %get3A_363 = tpu.vector_load %arg6[%get3A_360, %get3A_361, %get3A_362] {strides = array<i32>} : memref<4x128x32xf32, #tpu.memory_space<vmem>>, vector<16xf32>,
          %get3A_364 = arith.constant 1 : i32
          %get3A_365 = arith.index_cast %get3A_364 : i32 to index
          %get3A_366 = arith.index_cast %add3A_359 : i32 to index
          %get3A_367 = arith.constant 16 : index
          %get3A_368 = tpu.vector_load %arg6[%get3A_365, %get3A_366, %get3A_367] {strides = array<i32>} : memref<4x128x32xf32, #tpu.memory_space<vmem>>, vector<16xf32>,
          %add3A_369 = vector.broadcast %add3A_359 : i32 to vector<16xi32>
          %add3A_370 = arith.addi %mul3A_3, %add3A_369 : vector<16xi32>
          %scatter3A = arith.constant 0 : i32
          %scatter3A_371 = tpu.memref_slice %arg7[%select_n3A_119, %scan3A_166, %scatter3A] : memref<2x8x4096xf32, #tpu.memory_space<vmem>> -> memref<1x1x4096xf32, #tpu.memory_space<vmem>>
          %scatter3A_372 = tpu.memref_squeeze %scatter3A_371 : memref<1x1x4096xf32, #tpu.memory_space<vmem>> -> memref<4096xf32, #tpu.memory_space<vmem>>
          tpu.vector_store_idx %scatter3A_372[%add3A_370], %get3A_363 : memref<4096xf32, #tpu.memory_space<vmem>>[vector<16xi32>], vector<16xf32>,
          %add3A_373 = vector.broadcast %add3A_359 : i32 to vector<16xi32>
          %add3A_374 = arith.addi %add3A_6, %add3A_373 : vector<16xi32>
          %scatter3A_375 = arith.constant 0 : i32
          %scatter3A_376 = tpu.memref_slice %arg7[%select_n3A_119, %scan3A_166, %scatter3A_375] : memref<2x8x4096xf32, #tpu.memory_space<vmem>> -> memref<1x1x4096xf32, #tpu.memory_space<vmem>>
          %scatter3A_377 = tpu.memref_squeeze %scatter3A_376 : memref<1x1x4096xf32, #tpu.memory_space<vmem>> -> memref<4096xf32, #tpu.memory_space<vmem>>
          tpu.vector_store_idx %scatter3A_377[%add3A_374], %get3A_368 : memref<4096xf32, #tpu.memory_space<vmem>>[vector<16xi32>], vector<16xf32>,
          %add3A_378 = arith.constant 1 : i32
          %add3A_379 = arith.addi %add3A_357, %add3A_378 : i32
          %get3A_380 = arith.constant 1 : i32
          %get3A_381 = arith.index_cast %get3A_380 : i32 to index
          %get3A_382 = arith.index_cast %add3A_379 : i32 to index
          %get3A_383 = arith.constant 0 : index
          %get3A_384 = tpu.vector_load %arg6[%get3A_381, %get3A_382, %get3A_383] {strides = array<i32>} : memref<4x128x32xf32, #tpu.memory_space<vmem>>, vector<16xf32>,
          %get3A_385 = arith.constant 1 : i32
          %get3A_386 = arith.index_cast %get3A_385 : i32 to index
          %get3A_387 = arith.index_cast %add3A_379 : i32 to index
          %get3A_388 = arith.constant 16 : index
          %get3A_389 = tpu.vector_load %arg6[%get3A_386, %get3A_387, %get3A_388] {strides = array<i32>} : memref<4x128x32xf32, #tpu.memory_space<vmem>>, vector<16xf32>,
          %add3A_390 = vector.broadcast %add3A_379 : i32 to vector<16xi32>
          %add3A_391 = arith.addi %mul3A_3, %add3A_390 : vector<16xi32>
          %scatter3A_392 = arith.constant 0 : i32
          %scatter3A_393 = tpu.memref_slice %arg7[%select_n3A_119, %scan3A_166, %scatter3A_392] : memref<2x8x4096xf32, #tpu.memory_space<vmem>> -> memref<1x1x4096xf32, #tpu.memory_space<vmem>>
          %scatter3A_394 = tpu.memref_squeeze %scatter3A_393 : memref<1x1x4096xf32, #tpu.memory_space<vmem>> -> memref<4096xf32, #tpu.memory_space<vmem>>
          tpu.vector_store_idx %scatter3A_394[%add3A_391], %get3A_384 : memref<4096xf32, #tpu.memory_space<vmem>>[vector<16xi32>], vector<16xf32>,
          %add3A_395 = vector.broadcast %add3A_379 : i32 to vector<16xi32>
          %add3A_396 = arith.addi %add3A_6, %add3A_395 : vector<16xi32>
          %scatter3A_397 = arith.constant 0 : i32
          %scatter3A_398 = tpu.memref_slice %arg7[%select_n3A_119, %scan3A_166, %scatter3A_397] : memref<2x8x4096xf32, #tpu.memory_space<vmem>> -> memref<1x1x4096xf32, #tpu.memory_space<vmem>>
          %scatter3A_399 = tpu.memref_squeeze %scatter3A_398 : memref<1x1x4096xf32, #tpu.memory_space<vmem>> -> memref<4096xf32, #tpu.memory_space<vmem>>
          tpu.vector_store_idx %scatter3A_399[%add3A_396], %get3A_389 : memref<4096xf32, #tpu.memory_space<vmem>>[vector<16xi32>], vector<16xf32>,
          %add3A_400 = arith.constant 2 : i32
          %add3A_401 = arith.addi %add3A_357, %add3A_400 : i32
          %get3A_402 = arith.constant 1 : i32
          %get3A_403 = arith.index_cast %get3A_402 : i32 to index
          %get3A_404 = arith.index_cast %add3A_401 : i32 to index
          %get3A_405 = arith.constant 0 : index
          %get3A_406 = tpu.vector_load %arg6[%get3A_403, %get3A_404, %get3A_405] {strides = array<i32>} : memref<4x128x32xf32, #tpu.memory_space<vmem>>, vector<16xf32>,
          %get3A_407 = arith.constant 1 : i32
          %get3A_408 = arith.index_cast %get3A_407 : i32 to index
          %get3A_409 = arith.index_cast %add3A_401 : i32 to index
          %get3A_410 = arith.constant 16 : index
          %get3A_411 = tpu.vector_load %arg6[%get3A_408, %get3A_409, %get3A_410] {strides = array<i32>} : memref<4x128x32xf32, #tpu.memory_space<vmem>>, vector<16xf32>,
          %add3A_412 = vector.broadcast %add3A_401 : i32 to vector<16xi32>
          %add3A_413 = arith.addi %mul3A_3, %add3A_412 : vector<16xi32>
          %scatter3A_414 = arith.constant 0 : i32
          %scatter3A_415 = tpu.memref_slice %arg7[%select_n3A_119, %scan3A_166, %scatter3A_414] : memref<2x8x4096xf32, #tpu.memory_space<vmem>> -> memref<1x1x4096xf32, #tpu.memory_space<vmem>>
          %scatter3A_416 = tpu.memref_squeeze %scatter3A_415 : memref<1x1x4096xf32, #tpu.memory_space<vmem>> -> memref<4096xf32, #tpu.memory_space<vmem>>
          tpu.vector_store_idx %scatter3A_416[%add3A_413], %get3A_406 : memref<4096xf32, #tpu.memory_space<vmem>>[vector<16xi32>], vector<16xf32>,
          %add3A_417 = vector.broadcast %add3A_401 : i32 to vector<16xi32>
          %add3A_418 = arith.addi %add3A_6, %add3A_417 : vector<16xi32>
          %scatter3A_419 = arith.constant 0 : i32
          %scatter3A_420 = tpu.memref_slice %arg7[%select_n3A_119, %scan3A_166, %scatter3A_419] : memref<2x8x4096xf32, #tpu.memory_space<vmem>> -> memref<1x1x4096xf32, #tpu.memory_space<vmem>>
          %scatter3A_421 = tpu.memref_squeeze %scatter3A_420 : memref<1x1x4096xf32, #tpu.memory_space<vmem>> -> memref<4096xf32, #tpu.memory_space<vmem>>
          tpu.vector_store_idx %scatter3A_421[%add3A_418], %get3A_411 : memref<4096xf32, #tpu.memory_space<vmem>>[vector<16xi32>], vector<16xf32>,
          %add3A_422 = arith.constant 3 : i32
          %add3A_423 = arith.addi %add3A_357, %add3A_422 : i32
          %get3A_424 = arith.constant 1 : i32
          %get3A_425 = arith.index_cast %get3A_424 : i32 to index
          %get3A_426 = arith.index_cast %add3A_423 : i32 to index
          %get3A_427 = arith.constant 0 : index
          %get3A_428 = tpu.vector_load %arg6[%get3A_425, %get3A_426, %get3A_427] {strides = array<i32>} : memref<4x128x32xf32, #tpu.memory_space<vmem>>, vector<16xf32>,
          %get3A_429 = arith.constant 1 : i32
          %get3A_430 = arith.index_cast %get3A_429 : i32 to index
          %get3A_431 = arith.index_cast %add3A_423 : i32 to index
          %get3A_432 = arith.constant 16 : index
          %get3A_433 = tpu.vector_load %arg6[%get3A_430, %get3A_431, %get3A_432] {strides = array<i32>} : memref<4x128x32xf32, #tpu.memory_space<vmem>>, vector<16xf32>,
          %add3A_434 = vector.broadcast %add3A_423 : i32 to vector<16xi32>
          %add3A_435 = arith.addi %mul3A_3, %add3A_434 : vector<16xi32>
          %scatter3A_436 = arith.constant 0 : i32
          %scatter3A_437 = tpu.memref_slice %arg7[%select_n3A_119, %scan3A_166, %scatter3A_436] : memref<2x8x4096xf32, #tpu.memory_space<vmem>> -> memref<1x1x4096xf32, #tpu.memory_space<vmem>>
          %scatter3A_438 = tpu.memref_squeeze %scatter3A_437 : memref<1x1x4096xf32, #tpu.memory_space<vmem>> -> memref<4096xf32, #tpu.memory_space<vmem>>
          tpu.vector_store_idx %scatter3A_438[%add3A_435], %get3A_428 : memref<4096xf32, #tpu.memory_space<vmem>>[vector<16xi32>], vector<16xf32>,
          %add3A_439 = vector.broadcast %add3A_423 : i32 to vector<16xi32>
          %add3A_440 = arith.addi %add3A_6, %add3A_439 : vector<16xi32>
          %scatter3A_441 = arith.constant 0 : i32
          %scatter3A_442 = tpu.memref_slice %arg7[%select_n3A_119, %scan3A_166, %scatter3A_441] : memref<2x8x4096xf32, #tpu.memory_space<vmem>> -> memref<1x1x4096xf32, #tpu.memory_space<vmem>>
          %scatter3A_443 = tpu.memref_squeeze %scatter3A_442 : memref<1x1x4096xf32, #tpu.memory_space<vmem>> -> memref<4096xf32, #tpu.memory_space<vmem>>
          tpu.vector_store_idx %scatter3A_443[%add3A_440], %get3A_433 : memref<4096xf32, #tpu.memory_space<vmem>>[vector<16xi32>], vector<16xf32>,
          %add3A_444 = arith.constant 4 : i32
          %add3A_445 = arith.addi %add3A_357, %add3A_444 : i32
          %get3A_446 = arith.constant 1 : i32
          %get3A_447 = arith.index_cast %get3A_446 : i32 to index
          %get3A_448 = arith.index_cast %add3A_445 : i32 to index
          %get3A_449 = arith.constant 0 : index
          %get3A_450 = tpu.vector_load %arg6[%get3A_447, %get3A_448, %get3A_449] {strides = array<i32>} : memref<4x128x32xf32, #tpu.memory_space<vmem>>, vector<16xf32>,
          %get3A_451 = arith.constant 1 : i32
          %get3A_452 = arith.index_cast %get3A_451 : i32 to index
          %get3A_453 = arith.index_cast %add3A_445 : i32 to index
          %get3A_454 = arith.constant 16 : index
          %get3A_455 = tpu.vector_load %arg6[%get3A_452, %get3A_453, %get3A_454] {strides = array<i32>} : memref<4x128x32xf32, #tpu.memory_space<vmem>>, vector<16xf32>,
          %add3A_456 = vector.broadcast %add3A_445 : i32 to vector<16xi32>
          %add3A_457 = arith.addi %mul3A_3, %add3A_456 : vector<16xi32>
          %scatter3A_458 = arith.constant 0 : i32
          %scatter3A_459 = tpu.memref_slice %arg7[%select_n3A_119, %scan3A_166, %scatter3A_458] : memref<2x8x4096xf32, #tpu.memory_space<vmem>> -> memref<1x1x4096xf32, #tpu.memory_space<vmem>>
          %scatter3A_460 = tpu.memref_squeeze %scatter3A_459 : memref<1x1x4096xf32, #tpu.memory_space<vmem>> -> memref<4096xf32, #tpu.memory_space<vmem>>
          tpu.vector_store_idx %scatter3A_460[%add3A_457], %get3A_450 : memref<4096xf32, #tpu.memory_space<vmem>>[vector<16xi32>], vector<16xf32>,
          %add3A_461 = vector.broadcast %add3A_445 : i32 to vector<16xi32>
          %add3A_462 = arith.addi %add3A_6, %add3A_461 : vector<16xi32>
          %scatter3A_463 = arith.constant 0 : i32
          %scatter3A_464 = tpu.memref_slice %arg7[%select_n3A_119, %scan3A_166, %scatter3A_463] : memref<2x8x4096xf32, #tpu.memory_space<vmem>> -> memref<1x1x4096xf32, #tpu.memory_space<vmem>>
          %scatter3A_465 = tpu.memref_squeeze %scatter3A_464 : memref<1x1x4096xf32, #tpu.memory_space<vmem>> -> memref<4096xf32, #tpu.memory_space<vmem>>
          tpu.vector_store_idx %scatter3A_465[%add3A_462], %get3A_455 : memref<4096xf32, #tpu.memory_space<vmem>>[vector<16xi32>], vector<16xf32>,
          %add3A_466 = arith.constant 5 : i32
          %add3A_467 = arith.addi %add3A_357, %add3A_466 : i32
          %get3A_468 = arith.constant 1 : i32
          %get3A_469 = arith.index_cast %get3A_468 : i32 to index
          %get3A_470 = arith.index_cast %add3A_467 : i32 to index
          %get3A_471 = arith.constant 0 : index
          %get3A_472 = tpu.vector_load %arg6[%get3A_469, %get3A_470, %get3A_471] {strides = array<i32>} : memref<4x128x32xf32, #tpu.memory_space<vmem>>, vector<16xf32>,
          %get3A_473 = arith.constant 1 : i32
          %get3A_474 = arith.index_cast %get3A_473 : i32 to index
          %get3A_475 = arith.index_cast %add3A_467 : i32 to index
          %get3A_476 = arith.constant 16 : index
          %get3A_477 = tpu.vector_load %arg6[%get3A_474, %get3A_475, %get3A_476] {strides = array<i32>} : memref<4x128x32xf32, #tpu.memory_space<vmem>>, vector<16xf32>,
          %add3A_478 = vector.broadcast %add3A_467 : i32 to vector<16xi32>
          %add3A_479 = arith.addi %mul3A_3, %add3A_478 : vector<16xi32>
          %scatter3A_480 = arith.constant 0 : i32
          %scatter3A_481 = tpu.memref_slice %arg7[%select_n3A_119, %scan3A_166, %scatter3A_480] : memref<2x8x4096xf32, #tpu.memory_space<vmem>> -> memref<1x1x4096xf32, #tpu.memory_space<vmem>>
          %scatter3A_482 = tpu.memref_squeeze %scatter3A_481 : memref<1x1x4096xf32, #tpu.memory_space<vmem>> -> memref<4096xf32, #tpu.memory_space<vmem>>
          tpu.vector_store_idx %scatter3A_482[%add3A_479], %get3A_472 : memref<4096xf32, #tpu.memory_space<vmem>>[vector<16xi32>], vector<16xf32>,
          %add3A_483 = vector.broadcast %add3A_467 : i32 to vector<16xi32>
          %add3A_484 = arith.addi %add3A_6, %add3A_483 : vector<16xi32>
          %scatter3A_485 = arith.constant 0 : i32
          %scatter3A_486 = tpu.memref_slice %arg7[%select_n3A_119, %scan3A_166, %scatter3A_485] : memref<2x8x4096xf32, #tpu.memory_space<vmem>> -> memref<1x1x4096xf32, #tpu.memory_space<vmem>>
          %scatter3A_487 = tpu.memref_squeeze %scatter3A_486 : memref<1x1x4096xf32, #tpu.memory_space<vmem>> -> memref<4096xf32, #tpu.memory_space<vmem>>
          tpu.vector_store_idx %scatter3A_487[%add3A_484], %get3A_477 : memref<4096xf32, #tpu.memory_space<vmem>>[vector<16xi32>], vector<16xf32>,
          %add3A_488 = arith.constant 6 : i32
          %add3A_489 = arith.addi %add3A_357, %add3A_488 : i32
          %get3A_490 = arith.constant 1 : i32
          %get3A_491 = arith.index_cast %get3A_490 : i32 to index
          %get3A_492 = arith.index_cast %add3A_489 : i32 to index
          %get3A_493 = arith.constant 0 : index
          %get3A_494 = tpu.vector_load %arg6[%get3A_491, %get3A_492, %get3A_493] {strides = array<i32>} : memref<4x128x32xf32, #tpu.memory_space<vmem>>, vector<16xf32>,
          %get3A_495 = arith.constant 1 : i32
          %get3A_496 = arith.index_cast %get3A_495 : i32 to index
          %get3A_497 = arith.index_cast %add3A_489 : i32 to index
          %get3A_498 = arith.constant 16 : index
          %get3A_499 = tpu.vector_load %arg6[%get3A_496, %get3A_497, %get3A_498] {strides = array<i32>} : memref<4x128x32xf32, #tpu.memory_space<vmem>>, vector<16xf32>,
          %add3A_500 = vector.broadcast %add3A_489 : i32 to vector<16xi32>
          %add3A_501 = arith.addi %mul3A_3, %add3A_500 : vector<16xi32>
          %scatter3A_502 = arith.constant 0 : i32
          %scatter3A_503 = tpu.memref_slice %arg7[%select_n3A_119, %scan3A_166, %scatter3A_502] : memref<2x8x4096xf32, #tpu.memory_space<vmem>> -> memref<1x1x4096xf32, #tpu.memory_space<vmem>>
          %scatter3A_504 = tpu.memref_squeeze %scatter3A_503 : memref<1x1x4096xf32, #tpu.memory_space<vmem>> -> memref<4096xf32, #tpu.memory_space<vmem>>
          tpu.vector_store_idx %scatter3A_504[%add3A_501], %get3A_494 : memref<4096xf32, #tpu.memory_space<vmem>>[vector<16xi32>], vector<16xf32>,
          %add3A_505 = vector.broadcast %add3A_489 : i32 to vector<16xi32>
          %add3A_506 = arith.addi %add3A_6, %add3A_505 : vector<16xi32>
          %scatter3A_507 = arith.constant 0 : i32
          %scatter3A_508 = tpu.memref_slice %arg7[%select_n3A_119, %scan3A_166, %scatter3A_507] : memref<2x8x4096xf32, #tpu.memory_space<vmem>> -> memref<1x1x4096xf32, #tpu.memory_space<vmem>>
          %scatter3A_509 = tpu.memref_squeeze %scatter3A_508 : memref<1x1x4096xf32, #tpu.memory_space<vmem>> -> memref<4096xf32, #tpu.memory_space<vmem>>
          tpu.vector_store_idx %scatter3A_509[%add3A_506], %get3A_499 : memref<4096xf32, #tpu.memory_space<vmem>>[vector<16xi32>], vector<16xf32>,
          %add3A_510 = arith.constant 7 : i32
          %add3A_511 = arith.addi %add3A_357, %add3A_510 : i32
          %get3A_512 = arith.constant 1 : i32
          %get3A_513 = arith.index_cast %get3A_512 : i32 to index
          %get3A_514 = arith.index_cast %add3A_511 : i32 to index
          %get3A_515 = arith.constant 0 : index
          %get3A_516 = tpu.vector_load %arg6[%get3A_513, %get3A_514, %get3A_515] {strides = array<i32>} : memref<4x128x32xf32, #tpu.memory_space<vmem>>, vector<16xf32>,
          %get3A_517 = arith.constant 1 : i32
          %get3A_518 = arith.index_cast %get3A_517 : i32 to index
          %get3A_519 = arith.index_cast %add3A_511 : i32 to index
          %get3A_520 = arith.constant 16 : index
          %get3A_521 = tpu.vector_load %arg6[%get3A_518, %get3A_519, %get3A_520] {strides = array<i32>} : memref<4x128x32xf32, #tpu.memory_space<vmem>>, vector<16xf32>,
          %add3A_522 = vector.broadcast %add3A_511 : i32 to vector<16xi32>
          %add3A_523 = arith.addi %mul3A_3, %add3A_522 : vector<16xi32>
          %scatter3A_524 = arith.constant 0 : i32
          %scatter3A_525 = tpu.memref_slice %arg7[%select_n3A_119, %scan3A_166, %scatter3A_524] : memref<2x8x4096xf32, #tpu.memory_space<vmem>> -> memref<1x1x4096xf32, #tpu.memory_space<vmem>>
          %scatter3A_526 = tpu.memref_squeeze %scatter3A_525 : memref<1x1x4096xf32, #tpu.memory_space<vmem>> -> memref<4096xf32, #tpu.memory_space<vmem>>
          tpu.vector_store_idx %scatter3A_526[%add3A_523], %get3A_516 : memref<4096xf32, #tpu.memory_space<vmem>>[vector<16xi32>], vector<16xf32>,
          %add3A_527 = vector.broadcast %add3A_511 : i32 to vector<16xi32>
          %add3A_528 = arith.addi %add3A_6, %add3A_527 : vector<16xi32>
          %scatter3A_529 = arith.constant 0 : i32
          %scatter3A_530 = tpu.memref_slice %arg7[%select_n3A_119, %scan3A_166, %scatter3A_529] : memref<2x8x4096xf32, #tpu.memory_space<vmem>> -> memref<1x1x4096xf32, #tpu.memory_space<vmem>>
          %scatter3A_531 = tpu.memref_squeeze %scatter3A_530 : memref<1x1x4096xf32, #tpu.memory_space<vmem>> -> memref<4096xf32, #tpu.memory_space<vmem>>
          tpu.vector_store_idx %scatter3A_531[%add3A_528], %get3A_521 : memref<4096xf32, #tpu.memory_space<vmem>>[vector<16xi32>], vector<16xf32>,
        }
        %scan3A_171 = arith.constant 16 : i32
        %add3A_172 = arith.constant 4 : i32
        %add3A_173 = arith.addi %add3A_151, %add3A_172 : i32
        %lt3A_174 = arith.constant 200 : i32
        %lt3A_175 = arith.cmpi slt, %add3A_173, %lt3A_174 : i32
        %convert_element_type3A_176 = arith.extui %lt3A_175 : i1 to i32
        %cond3A_177 = arith.constant 0 : i32
        %cond3A_178 = arith.cmpi ne, %convert_element_type3A_176, %cond3A_177 : i32
        scf.if %cond3A_178 {
          %add3A_353 = arith.constant 4 : i32
          %add3A_354 = arith.addi %add3A_151, %add3A_353 : i32
          %dma_start3A_355 = arith.constant 1 : i32
          %dma_start3A_356 = arith.constant 1 : i32
          %dma_start3A_357 = arith.constant 0 : i32
          %dma_start3A_358 = arith.constant 0 : i32
          %dma_start3A_359 = tpu.memref_slice %arg6[%dma_start3A_355, %dma_start3A_357, %dma_start3A_358] : memref<4x128x32xf32, #tpu.memory_space<vmem>> -> memref<1x128x32xf32, #tpu.memory_space<vmem>>
          %dma_start3A_360 = tpu.memref_squeeze %dma_start3A_359 : memref<1x128x32xf32, #tpu.memory_space<vmem>> -> memref<128x32xf32, #tpu.memory_space<vmem>>
          %dma_start3A_361 = arith.constant 0 : i32
          %dma_start3A_362 = tpu.memref_slice %arg5[%add3A_354, %dma_start3A_361] : memref<200x128xi32, #tpu.memory_space<vmem>> -> memref<1x128xi32, #tpu.memory_space<vmem>>
          %dma_start3A_363 = tpu.memref_squeeze %dma_start3A_362 : memref<1x128xi32, #tpu.memory_space<vmem>> -> memref<128xi32, #tpu.memory_space<vmem>>
          %dma_start3A_364 = arith.constant 0 : i32
          %dma_start3A_365 = arith.constant 0 : i32
          %dma_start3A_366 = tpu.memref_slice %arg2[%dma_start3A_364, %dma_start3A_365] : memref<100000x32xf32, #tpu.memory_space<hbm>> -> memref<100000x32xf32, #tpu.memory_space<hbm>>
          %dma_start3A_367 = tpu.memref_slice %arg8[%dma_start3A_356] : memref<4x!tpu.dma_semaphore, #tpu.memory_space<semaphore_mem>> -> memref<1x!tpu.dma_semaphore, #tpu.memory_space<semaphore_mem>>
          %dma_start3A_368 = tpu.memref_squeeze %dma_start3A_367 : memref<1x!tpu.dma_semaphore, #tpu.memory_space<semaphore_mem>> -> memref<!tpu.dma_semaphore, #tpu.memory_space<semaphore_mem>>
          tpu.enqueue_indirect_dma source(%dma_start3A_366 : memref<100000x32xf32, #tpu.memory_space<hbm>>) target(%dma_start3A_360 : memref<128x32xf32, #tpu.memory_space<vmem>>) offsets(%dma_start3A_363 : memref<128xi32, #tpu.memory_space<vmem>>) semaphore(%dma_start3A_368 : memref<!tpu.dma_semaphore, #tpu.memory_space<semaphore_mem>>)
        } else {
        }
        %add3A_179 = arith.constant 2 : i32
        %add3A_180 = arith.addi %add3A_89, %add3A_179 : i32
        %dma_wait3A_181 = arith.constant 2 : i32
        %dma_wait3A_182 = arith.constant 2 : i32
        %dma_wait3A_183 = arith.constant 0 : i32
        %dma_wait3A_184 = arith.constant 0 : i32
        %dma_wait3A_185 = tpu.memref_slice %arg6[%dma_wait3A_181, %dma_wait3A_183, %dma_wait3A_184] : memref<4x128x32xf32, #tpu.memory_space<vmem>> -> memref<1x128x32xf32, #tpu.memory_space<vmem>>
        %dma_wait3A_186 = tpu.memref_squeeze %dma_wait3A_185 : memref<1x128x32xf32, #tpu.memory_space<vmem>> -> memref<128x32xf32, #tpu.memory_space<vmem>>
        %dma_wait3A_187 = arith.constant 0 : i32
        %dma_wait3A_188 = tpu.memref_slice %arg5[%add3A_180, %dma_wait3A_187] : memref<200x128xi32, #tpu.memory_space<vmem>> -> memref<1x128xi32, #tpu.memory_space<vmem>>
        %dma_wait3A_189 = tpu.memref_squeeze %dma_wait3A_188 : memref<1x128xi32, #tpu.memory_space<vmem>> -> memref<128xi32, #tpu.memory_space<vmem>>
        %dma_wait3A_190 = arith.constant 0 : i32
        %dma_wait3A_191 = arith.constant 0 : i32
        %dma_wait3A_192 = tpu.memref_slice %arg2[%dma_wait3A_190, %dma_wait3A_191] : memref<100000x32xf32, #tpu.memory_space<hbm>> -> memref<100000x32xf32, #tpu.memory_space<hbm>>
        %dma_wait3A_193 = tpu.memref_slice %arg8[%dma_wait3A_182] : memref<4x!tpu.dma_semaphore, #tpu.memory_space<semaphore_mem>> -> memref<1x!tpu.dma_semaphore, #tpu.memory_space<semaphore_mem>>
        %dma_wait3A_194 = tpu.memref_squeeze %dma_wait3A_193 : memref<1x!tpu.dma_semaphore, #tpu.memory_space<semaphore_mem>> -> memref<!tpu.dma_semaphore, #tpu.memory_space<semaphore_mem>>
        tpu.wait_indirect_dma semaphore(%dma_wait3A_194 : memref<!tpu.dma_semaphore, #tpu.memory_space<semaphore_mem>>) src(%dma_wait3A_192 : memref<100000x32xf32, #tpu.memory_space<hbm>>) dst(%dma_wait3A_186 : memref<128x32xf32, #tpu.memory_space<vmem>>)
        %scan3A_195 = arith.constant 2 : i32
        %scan3A_196 = arith.constant 0 : i32
        %scan3A_197 = arith.constant 16 : i32
        %scan3A_198 = arith.addi %scan3A_196, %scan3A_197 : i32
        %scan3A_199 = arith.constant 1 : i32
        scf.for %scan3A_353 = %scan3A_196 to %scan3A_198 step %scan3A_199  : i32 {
          %mul3A_354 = arith.constant 8 : i32
          %mul3A_355 = arith.muli %scan3A_353, %mul3A_354 : i32
          %add3A_356 = arith.constant 0 : i32
          %add3A_357 = arith.addi %add3A_356, %mul3A_355 : i32
          %add3A_358 = arith.constant 0 : i32
          %add3A_359 = arith.addi %add3A_357, %add3A_358 : i32
          %get3A = arith.constant 2 : i32
          %get3A_360 = arith.index_cast %get3A : i32 to index
          %get3A_361 = arith.index_cast %add3A_359 : i32 to index
          %get3A_362 = arith.constant 0 : index
          %get3A_363 = tpu.vector_load %arg6[%get3A_360, %get3A_361, %get3A_362] {strides = array<i32>} : memref<4x128x32xf32, #tpu.memory_space<vmem>>, vector<16xf32>,
          %get3A_364 = arith.constant 2 : i32
          %get3A_365 = arith.index_cast %get3A_364 : i32 to index
          %get3A_366 = arith.index_cast %add3A_359 : i32 to index
          %get3A_367 = arith.constant 16 : index
          %get3A_368 = tpu.vector_load %arg6[%get3A_365, %get3A_366, %get3A_367] {strides = array<i32>} : memref<4x128x32xf32, #tpu.memory_space<vmem>>, vector<16xf32>,
          %add3A_369 = vector.broadcast %add3A_359 : i32 to vector<16xi32>
          %add3A_370 = arith.addi %mul3A_3, %add3A_369 : vector<16xi32>
          %scatter3A = arith.constant 0 : i32
          %scatter3A_371 = tpu.memref_slice %arg7[%select_n3A_119, %scan3A_195, %scatter3A] : memref<2x8x4096xf32, #tpu.memory_space<vmem>> -> memref<1x1x4096xf32, #tpu.memory_space<vmem>>
          %scatter3A_372 = tpu.memref_squeeze %scatter3A_371 : memref<1x1x4096xf32, #tpu.memory_space<vmem>> -> memref<4096xf32, #tpu.memory_space<vmem>>
          tpu.vector_store_idx %scatter3A_372[%add3A_370], %get3A_363 : memref<4096xf32, #tpu.memory_space<vmem>>[vector<16xi32>], vector<16xf32>,
          %add3A_373 = vector.broadcast %add3A_359 : i32 to vector<16xi32>
          %add3A_374 = arith.addi %add3A_6, %add3A_373 : vector<16xi32>
          %scatter3A_375 = arith.constant 0 : i32
          %scatter3A_376 = tpu.memref_slice %arg7[%select_n3A_119, %scan3A_195, %scatter3A_375] : memref<2x8x4096xf32, #tpu.memory_space<vmem>> -> memref<1x1x4096xf32, #tpu.memory_space<vmem>>
          %scatter3A_377 = tpu.memref_squeeze %scatter3A_376 : memref<1x1x4096xf32, #tpu.memory_space<vmem>> -> memref<4096xf32, #tpu.memory_space<vmem>>
          tpu.vector_store_idx %scatter3A_377[%add3A_374], %get3A_368 : memref<4096xf32, #tpu.memory_space<vmem>>[vector<16xi32>], vector<16xf32>,
          %add3A_378 = arith.constant 1 : i32
          %add3A_379 = arith.addi %add3A_357, %add3A_378 : i32
          %get3A_380 = arith.constant 2 : i32
          %get3A_381 = arith.index_cast %get3A_380 : i32 to index
          %get3A_382 = arith.index_cast %add3A_379 : i32 to index
          %get3A_383 = arith.constant 0 : index
          %get3A_384 = tpu.vector_load %arg6[%get3A_381, %get3A_382, %get3A_383] {strides = array<i32>} : memref<4x128x32xf32, #tpu.memory_space<vmem>>, vector<16xf32>,
          %get3A_385 = arith.constant 2 : i32
          %get3A_386 = arith.index_cast %get3A_385 : i32 to index
          %get3A_387 = arith.index_cast %add3A_379 : i32 to index
          %get3A_388 = arith.constant 16 : index
          %get3A_389 = tpu.vector_load %arg6[%get3A_386, %get3A_387, %get3A_388] {strides = array<i32>} : memref<4x128x32xf32, #tpu.memory_space<vmem>>, vector<16xf32>,
          %add3A_390 = vector.broadcast %add3A_379 : i32 to vector<16xi32>
          %add3A_391 = arith.addi %mul3A_3, %add3A_390 : vector<16xi32>
          %scatter3A_392 = arith.constant 0 : i32
          %scatter3A_393 = tpu.memref_slice %arg7[%select_n3A_119, %scan3A_195, %scatter3A_392] : memref<2x8x4096xf32, #tpu.memory_space<vmem>> -> memref<1x1x4096xf32, #tpu.memory_space<vmem>>
          %scatter3A_394 = tpu.memref_squeeze %scatter3A_393 : memref<1x1x4096xf32, #tpu.memory_space<vmem>> -> memref<4096xf32, #tpu.memory_space<vmem>>
          tpu.vector_store_idx %scatter3A_394[%add3A_391], %get3A_384 : memref<4096xf32, #tpu.memory_space<vmem>>[vector<16xi32>], vector<16xf32>,
          %add3A_395 = vector.broadcast %add3A_379 : i32 to vector<16xi32>
          %add3A_396 = arith.addi %add3A_6, %add3A_395 : vector<16xi32>
          %scatter3A_397 = arith.constant 0 : i32
          %scatter3A_398 = tpu.memref_slice %arg7[%select_n3A_119, %scan3A_195, %scatter3A_397] : memref<2x8x4096xf32, #tpu.memory_space<vmem>> -> memref<1x1x4096xf32, #tpu.memory_space<vmem>>
          %scatter3A_399 = tpu.memref_squeeze %scatter3A_398 : memref<1x1x4096xf32, #tpu.memory_space<vmem>> -> memref<4096xf32, #tpu.memory_space<vmem>>
          tpu.vector_store_idx %scatter3A_399[%add3A_396], %get3A_389 : memref<4096xf32, #tpu.memory_space<vmem>>[vector<16xi32>], vector<16xf32>,
          %add3A_400 = arith.constant 2 : i32
          %add3A_401 = arith.addi %add3A_357, %add3A_400 : i32
          %get3A_402 = arith.constant 2 : i32
          %get3A_403 = arith.index_cast %get3A_402 : i32 to index
          %get3A_404 = arith.index_cast %add3A_401 : i32 to index
          %get3A_405 = arith.constant 0 : index
          %get3A_406 = tpu.vector_load %arg6[%get3A_403, %get3A_404, %get3A_405] {strides = array<i32>} : memref<4x128x32xf32, #tpu.memory_space<vmem>>, vector<16xf32>,
          %get3A_407 = arith.constant 2 : i32
          %get3A_408 = arith.index_cast %get3A_407 : i32 to index
          %get3A_409 = arith.index_cast %add3A_401 : i32 to index
          %get3A_410 = arith.constant 16 : index
          %get3A_411 = tpu.vector_load %arg6[%get3A_408, %get3A_409, %get3A_410] {strides = array<i32>} : memref<4x128x32xf32, #tpu.memory_space<vmem>>, vector<16xf32>,
          %add3A_412 = vector.broadcast %add3A_401 : i32 to vector<16xi32>
          %add3A_413 = arith.addi %mul3A_3, %add3A_412 : vector<16xi32>
          %scatter3A_414 = arith.constant 0 : i32
          %scatter3A_415 = tpu.memref_slice %arg7[%select_n3A_119, %scan3A_195, %scatter3A_414] : memref<2x8x4096xf32, #tpu.memory_space<vmem>> -> memref<1x1x4096xf32, #tpu.memory_space<vmem>>
          %scatter3A_416 = tpu.memref_squeeze %scatter3A_415 : memref<1x1x4096xf32, #tpu.memory_space<vmem>> -> memref<4096xf32, #tpu.memory_space<vmem>>
          tpu.vector_store_idx %scatter3A_416[%add3A_413], %get3A_406 : memref<4096xf32, #tpu.memory_space<vmem>>[vector<16xi32>], vector<16xf32>,
          %add3A_417 = vector.broadcast %add3A_401 : i32 to vector<16xi32>
          %add3A_418 = arith.addi %add3A_6, %add3A_417 : vector<16xi32>
          %scatter3A_419 = arith.constant 0 : i32
          %scatter3A_420 = tpu.memref_slice %arg7[%select_n3A_119, %scan3A_195, %scatter3A_419] : memref<2x8x4096xf32, #tpu.memory_space<vmem>> -> memref<1x1x4096xf32, #tpu.memory_space<vmem>>
          %scatter3A_421 = tpu.memref_squeeze %scatter3A_420 : memref<1x1x4096xf32, #tpu.memory_space<vmem>> -> memref<4096xf32, #tpu.memory_space<vmem>>
          tpu.vector_store_idx %scatter3A_421[%add3A_418], %get3A_411 : memref<4096xf32, #tpu.memory_space<vmem>>[vector<16xi32>], vector<16xf32>,
          %add3A_422 = arith.constant 3 : i32
          %add3A_423 = arith.addi %add3A_357, %add3A_422 : i32
          %get3A_424 = arith.constant 2 : i32
          %get3A_425 = arith.index_cast %get3A_424 : i32 to index
          %get3A_426 = arith.index_cast %add3A_423 : i32 to index
          %get3A_427 = arith.constant 0 : index
          %get3A_428 = tpu.vector_load %arg6[%get3A_425, %get3A_426, %get3A_427] {strides = array<i32>} : memref<4x128x32xf32, #tpu.memory_space<vmem>>, vector<16xf32>,
          %get3A_429 = arith.constant 2 : i32
          %get3A_430 = arith.index_cast %get3A_429 : i32 to index
          %get3A_431 = arith.index_cast %add3A_423 : i32 to index
          %get3A_432 = arith.constant 16 : index
          %get3A_433 = tpu.vector_load %arg6[%get3A_430, %get3A_431, %get3A_432] {strides = array<i32>} : memref<4x128x32xf32, #tpu.memory_space<vmem>>, vector<16xf32>,
          %add3A_434 = vector.broadcast %add3A_423 : i32 to vector<16xi32>
          %add3A_435 = arith.addi %mul3A_3, %add3A_434 : vector<16xi32>
          %scatter3A_436 = arith.constant 0 : i32
          %scatter3A_437 = tpu.memref_slice %arg7[%select_n3A_119, %scan3A_195, %scatter3A_436] : memref<2x8x4096xf32, #tpu.memory_space<vmem>> -> memref<1x1x4096xf32, #tpu.memory_space<vmem>>
          %scatter3A_438 = tpu.memref_squeeze %scatter3A_437 : memref<1x1x4096xf32, #tpu.memory_space<vmem>> -> memref<4096xf32, #tpu.memory_space<vmem>>
          tpu.vector_store_idx %scatter3A_438[%add3A_435], %get3A_428 : memref<4096xf32, #tpu.memory_space<vmem>>[vector<16xi32>], vector<16xf32>,
          %add3A_439 = vector.broadcast %add3A_423 : i32 to vector<16xi32>
          %add3A_440 = arith.addi %add3A_6, %add3A_439 : vector<16xi32>
          %scatter3A_441 = arith.constant 0 : i32
          %scatter3A_442 = tpu.memref_slice %arg7[%select_n3A_119, %scan3A_195, %scatter3A_441] : memref<2x8x4096xf32, #tpu.memory_space<vmem>> -> memref<1x1x4096xf32, #tpu.memory_space<vmem>>
          %scatter3A_443 = tpu.memref_squeeze %scatter3A_442 : memref<1x1x4096xf32, #tpu.memory_space<vmem>> -> memref<4096xf32, #tpu.memory_space<vmem>>
          tpu.vector_store_idx %scatter3A_443[%add3A_440], %get3A_433 : memref<4096xf32, #tpu.memory_space<vmem>>[vector<16xi32>], vector<16xf32>,
          %add3A_444 = arith.constant 4 : i32
          %add3A_445 = arith.addi %add3A_357, %add3A_444 : i32
          %get3A_446 = arith.constant 2 : i32
          %get3A_447 = arith.index_cast %get3A_446 : i32 to index
          %get3A_448 = arith.index_cast %add3A_445 : i32 to index
          %get3A_449 = arith.constant 0 : index
          %get3A_450 = tpu.vector_load %arg6[%get3A_447, %get3A_448, %get3A_449] {strides = array<i32>} : memref<4x128x32xf32, #tpu.memory_space<vmem>>, vector<16xf32>,
          %get3A_451 = arith.constant 2 : i32
          %get3A_452 = arith.index_cast %get3A_451 : i32 to index
          %get3A_453 = arith.index_cast %add3A_445 : i32 to index
          %get3A_454 = arith.constant 16 : index
          %get3A_455 = tpu.vector_load %arg6[%get3A_452, %get3A_453, %get3A_454] {strides = array<i32>} : memref<4x128x32xf32, #tpu.memory_space<vmem>>, vector<16xf32>,
          %add3A_456 = vector.broadcast %add3A_445 : i32 to vector<16xi32>
          %add3A_457 = arith.addi %mul3A_3, %add3A_456 : vector<16xi32>
          %scatter3A_458 = arith.constant 0 : i32
          %scatter3A_459 = tpu.memref_slice %arg7[%select_n3A_119, %scan3A_195, %scatter3A_458] : memref<2x8x4096xf32, #tpu.memory_space<vmem>> -> memref<1x1x4096xf32, #tpu.memory_space<vmem>>
          %scatter3A_460 = tpu.memref_squeeze %scatter3A_459 : memref<1x1x4096xf32, #tpu.memory_space<vmem>> -> memref<4096xf32, #tpu.memory_space<vmem>>
          tpu.vector_store_idx %scatter3A_460[%add3A_457], %get3A_450 : memref<4096xf32, #tpu.memory_space<vmem>>[vector<16xi32>], vector<16xf32>,
          %add3A_461 = vector.broadcast %add3A_445 : i32 to vector<16xi32>
          %add3A_462 = arith.addi %add3A_6, %add3A_461 : vector<16xi32>
          %scatter3A_463 = arith.constant 0 : i32
          %scatter3A_464 = tpu.memref_slice %arg7[%select_n3A_119, %scan3A_195, %scatter3A_463] : memref<2x8x4096xf32, #tpu.memory_space<vmem>> -> memref<1x1x4096xf32, #tpu.memory_space<vmem>>
          %scatter3A_465 = tpu.memref_squeeze %scatter3A_464 : memref<1x1x4096xf32, #tpu.memory_space<vmem>> -> memref<4096xf32, #tpu.memory_space<vmem>>
          tpu.vector_store_idx %scatter3A_465[%add3A_462], %get3A_455 : memref<4096xf32, #tpu.memory_space<vmem>>[vector<16xi32>], vector<16xf32>,
          %add3A_466 = arith.constant 5 : i32
          %add3A_467 = arith.addi %add3A_357, %add3A_466 : i32
          %get3A_468 = arith.constant 2 : i32
          %get3A_469 = arith.index_cast %get3A_468 : i32 to index
          %get3A_470 = arith.index_cast %add3A_467 : i32 to index
          %get3A_471 = arith.constant 0 : index
          %get3A_472 = tpu.vector_load %arg6[%get3A_469, %get3A_470, %get3A_471] {strides = array<i32>} : memref<4x128x32xf32, #tpu.memory_space<vmem>>, vector<16xf32>,
          %get3A_473 = arith.constant 2 : i32
          %get3A_474 = arith.index_cast %get3A_473 : i32 to index
          %get3A_475 = arith.index_cast %add3A_467 : i32 to index
          %get3A_476 = arith.constant 16 : index
          %get3A_477 = tpu.vector_load %arg6[%get3A_474, %get3A_475, %get3A_476] {strides = array<i32>} : memref<4x128x32xf32, #tpu.memory_space<vmem>>, vector<16xf32>,
          %add3A_478 = vector.broadcast %add3A_467 : i32 to vector<16xi32>
          %add3A_479 = arith.addi %mul3A_3, %add3A_478 : vector<16xi32>
          %scatter3A_480 = arith.constant 0 : i32
          %scatter3A_481 = tpu.memref_slice %arg7[%select_n3A_119, %scan3A_195, %scatter3A_480] : memref<2x8x4096xf32, #tpu.memory_space<vmem>> -> memref<1x1x4096xf32, #tpu.memory_space<vmem>>
          %scatter3A_482 = tpu.memref_squeeze %scatter3A_481 : memref<1x1x4096xf32, #tpu.memory_space<vmem>> -> memref<4096xf32, #tpu.memory_space<vmem>>
          tpu.vector_store_idx %scatter3A_482[%add3A_479], %get3A_472 : memref<4096xf32, #tpu.memory_space<vmem>>[vector<16xi32>], vector<16xf32>,
          %add3A_483 = vector.broadcast %add3A_467 : i32 to vector<16xi32>
          %add3A_484 = arith.addi %add3A_6, %add3A_483 : vector<16xi32>
          %scatter3A_485 = arith.constant 0 : i32
          %scatter3A_486 = tpu.memref_slice %arg7[%select_n3A_119, %scan3A_195, %scatter3A_485] : memref<2x8x4096xf32, #tpu.memory_space<vmem>> -> memref<1x1x4096xf32, #tpu.memory_space<vmem>>
          %scatter3A_487 = tpu.memref_squeeze %scatter3A_486 : memref<1x1x4096xf32, #tpu.memory_space<vmem>> -> memref<4096xf32, #tpu.memory_space<vmem>>
          tpu.vector_store_idx %scatter3A_487[%add3A_484], %get3A_477 : memref<4096xf32, #tpu.memory_space<vmem>>[vector<16xi32>], vector<16xf32>,
          %add3A_488 = arith.constant 6 : i32
          %add3A_489 = arith.addi %add3A_357, %add3A_488 : i32
          %get3A_490 = arith.constant 2 : i32
          %get3A_491 = arith.index_cast %get3A_490 : i32 to index
          %get3A_492 = arith.index_cast %add3A_489 : i32 to index
          %get3A_493 = arith.constant 0 : index
          %get3A_494 = tpu.vector_load %arg6[%get3A_491, %get3A_492, %get3A_493] {strides = array<i32>} : memref<4x128x32xf32, #tpu.memory_space<vmem>>, vector<16xf32>,
          %get3A_495 = arith.constant 2 : i32
          %get3A_496 = arith.index_cast %get3A_495 : i32 to index
          %get3A_497 = arith.index_cast %add3A_489 : i32 to index
          %get3A_498 = arith.constant 16 : index
          %get3A_499 = tpu.vector_load %arg6[%get3A_496, %get3A_497, %get3A_498] {strides = array<i32>} : memref<4x128x32xf32, #tpu.memory_space<vmem>>, vector<16xf32>,
          %add3A_500 = vector.broadcast %add3A_489 : i32 to vector<16xi32>
          %add3A_501 = arith.addi %mul3A_3, %add3A_500 : vector<16xi32>
          %scatter3A_502 = arith.constant 0 : i32
          %scatter3A_503 = tpu.memref_slice %arg7[%select_n3A_119, %scan3A_195, %scatter3A_502] : memref<2x8x4096xf32, #tpu.memory_space<vmem>> -> memref<1x1x4096xf32, #tpu.memory_space<vmem>>
          %scatter3A_504 = tpu.memref_squeeze %scatter3A_503 : memref<1x1x4096xf32, #tpu.memory_space<vmem>> -> memref<4096xf32, #tpu.memory_space<vmem>>
          tpu.vector_store_idx %scatter3A_504[%add3A_501], %get3A_494 : memref<4096xf32, #tpu.memory_space<vmem>>[vector<16xi32>], vector<16xf32>,
          %add3A_505 = vector.broadcast %add3A_489 : i32 to vector<16xi32>
          %add3A_506 = arith.addi %add3A_6, %add3A_505 : vector<16xi32>
          %scatter3A_507 = arith.constant 0 : i32
          %scatter3A_508 = tpu.memref_slice %arg7[%select_n3A_119, %scan3A_195, %scatter3A_507] : memref<2x8x4096xf32, #tpu.memory_space<vmem>> -> memref<1x1x4096xf32, #tpu.memory_space<vmem>>
          %scatter3A_509 = tpu.memref_squeeze %scatter3A_508 : memref<1x1x4096xf32, #tpu.memory_space<vmem>> -> memref<4096xf32, #tpu.memory_space<vmem>>
          tpu.vector_store_idx %scatter3A_509[%add3A_506], %get3A_499 : memref<4096xf32, #tpu.memory_space<vmem>>[vector<16xi32>], vector<16xf32>,
          %add3A_510 = arith.constant 7 : i32
          %add3A_511 = arith.addi %add3A_357, %add3A_510 : i32
          %get3A_512 = arith.constant 2 : i32
          %get3A_513 = arith.index_cast %get3A_512 : i32 to index
          %get3A_514 = arith.index_cast %add3A_511 : i32 to index
          %get3A_515 = arith.constant 0 : index
          %get3A_516 = tpu.vector_load %arg6[%get3A_513, %get3A_514, %get3A_515] {strides = array<i32>} : memref<4x128x32xf32, #tpu.memory_space<vmem>>, vector<16xf32>,
          %get3A_517 = arith.constant 2 : i32
          %get3A_518 = arith.index_cast %get3A_517 : i32 to index
          %get3A_519 = arith.index_cast %add3A_511 : i32 to index
          %get3A_520 = arith.constant 16 : index
          %get3A_521 = tpu.vector_load %arg6[%get3A_518, %get3A_519, %get3A_520] {strides = array<i32>} : memref<4x128x32xf32, #tpu.memory_space<vmem>>, vector<16xf32>,
          %add3A_522 = vector.broadcast %add3A_511 : i32 to vector<16xi32>
          %add3A_523 = arith.addi %mul3A_3, %add3A_522 : vector<16xi32>
          %scatter3A_524 = arith.constant 0 : i32
          %scatter3A_525 = tpu.memref_slice %arg7[%select_n3A_119, %scan3A_195, %scatter3A_524] : memref<2x8x4096xf32, #tpu.memory_space<vmem>> -> memref<1x1x4096xf32, #tpu.memory_space<vmem>>
          %scatter3A_526 = tpu.memref_squeeze %scatter3A_525 : memref<1x1x4096xf32, #tpu.memory_space<vmem>> -> memref<4096xf32, #tpu.memory_space<vmem>>
          tpu.vector_store_idx %scatter3A_526[%add3A_523], %get3A_516 : memref<4096xf32, #tpu.memory_space<vmem>>[vector<16xi32>], vector<16xf32>,
          %add3A_527 = vector.broadcast %add3A_511 : i32 to vector<16xi32>
          %add3A_528 = arith.addi %add3A_6, %add3A_527 : vector<16xi32>
          %scatter3A_529 = arith.constant 0 : i32
          %scatter3A_530 = tpu.memref_slice %arg7[%select_n3A_119, %scan3A_195, %scatter3A_529] : memref<2x8x4096xf32, #tpu.memory_space<vmem>> -> memref<1x1x4096xf32, #tpu.memory_space<vmem>>
          %scatter3A_531 = tpu.memref_squeeze %scatter3A_530 : memref<1x1x4096xf32, #tpu.memory_space<vmem>> -> memref<4096xf32, #tpu.memory_space<vmem>>
          tpu.vector_store_idx %scatter3A_531[%add3A_528], %get3A_521 : memref<4096xf32, #tpu.memory_space<vmem>>[vector<16xi32>], vector<16xf32>,
        }
        %scan3A_200 = arith.constant 16 : i32
        %add3A_201 = arith.constant 4 : i32
        %add3A_202 = arith.addi %add3A_180, %add3A_201 : i32
        %lt3A_203 = arith.constant 200 : i32
        %lt3A_204 = arith.cmpi slt, %add3A_202, %lt3A_203 : i32
        %convert_element_type3A_205 = arith.extui %lt3A_204 : i1 to i32
        %cond3A_206 = arith.constant 0 : i32
        %cond3A_207 = arith.cmpi ne, %convert_element_type3A_205, %cond3A_206 : i32
        scf.if %cond3A_207 {
          %add3A_353 = arith.constant 4 : i32
          %add3A_354 = arith.addi %add3A_180, %add3A_353 : i32
          %dma_start3A_355 = arith.constant 2 : i32
          %dma_start3A_356 = arith.constant 2 : i32
          %dma_start3A_357 = arith.constant 0 : i32
          %dma_start3A_358 = arith.constant 0 : i32
          %dma_start3A_359 = tpu.memref_slice %arg6[%dma_start3A_355, %dma_start3A_357, %dma_start3A_358] : memref<4x128x32xf32, #tpu.memory_space<vmem>> -> memref<1x128x32xf32, #tpu.memory_space<vmem>>
          %dma_start3A_360 = tpu.memref_squeeze %dma_start3A_359 : memref<1x128x32xf32, #tpu.memory_space<vmem>> -> memref<128x32xf32, #tpu.memory_space<vmem>>
          %dma_start3A_361 = arith.constant 0 : i32
          %dma_start3A_362 = tpu.memref_slice %arg5[%add3A_354, %dma_start3A_361] : memref<200x128xi32, #tpu.memory_space<vmem>> -> memref<1x128xi32, #tpu.memory_space<vmem>>
          %dma_start3A_363 = tpu.memref_squeeze %dma_start3A_362 : memref<1x128xi32, #tpu.memory_space<vmem>> -> memref<128xi32, #tpu.memory_space<vmem>>
          %dma_start3A_364 = arith.constant 0 : i32
          %dma_start3A_365 = arith.constant 0 : i32
          %dma_start3A_366 = tpu.memref_slice %arg2[%dma_start3A_364, %dma_start3A_365] : memref<100000x32xf32, #tpu.memory_space<hbm>> -> memref<100000x32xf32, #tpu.memory_space<hbm>>
          %dma_start3A_367 = tpu.memref_slice %arg8[%dma_start3A_356] : memref<4x!tpu.dma_semaphore, #tpu.memory_space<semaphore_mem>> -> memref<1x!tpu.dma_semaphore, #tpu.memory_space<semaphore_mem>>
          %dma_start3A_368 = tpu.memref_squeeze %dma_start3A_367 : memref<1x!tpu.dma_semaphore, #tpu.memory_space<semaphore_mem>> -> memref<!tpu.dma_semaphore, #tpu.memory_space<semaphore_mem>>
          tpu.enqueue_indirect_dma source(%dma_start3A_366 : memref<100000x32xf32, #tpu.memory_space<hbm>>) target(%dma_start3A_360 : memref<128x32xf32, #tpu.memory_space<vmem>>) offsets(%dma_start3A_363 : memref<128xi32, #tpu.memory_space<vmem>>) semaphore(%dma_start3A_368 : memref<!tpu.dma_semaphore, #tpu.memory_space<semaphore_mem>>)
        } else {
        }
        %add3A_208 = arith.constant 3 : i32
        %add3A_209 = arith.addi %add3A_89, %add3A_208 : i32
        %dma_wait3A_210 = arith.constant 3 : i32
        %dma_wait3A_211 = arith.constant 3 : i32
        %dma_wait3A_212 = arith.constant 0 : i32
        %dma_wait3A_213 = arith.constant 0 : i32
        %dma_wait3A_214 = tpu.memref_slice %arg6[%dma_wait3A_210, %dma_wait3A_212, %dma_wait3A_213] : memref<4x128x32xf32, #tpu.memory_space<vmem>> -> memref<1x128x32xf32, #tpu.memory_space<vmem>>
        %dma_wait3A_215 = tpu.memref_squeeze %dma_wait3A_214 : memref<1x128x32xf32, #tpu.memory_space<vmem>> -> memref<128x32xf32, #tpu.memory_space<vmem>>
        %dma_wait3A_216 = arith.constant 0 : i32
        %dma_wait3A_217 = tpu.memref_slice %arg5[%add3A_209, %dma_wait3A_216] : memref<200x128xi32, #tpu.memory_space<vmem>> -> memref<1x128xi32, #tpu.memory_space<vmem>>
        %dma_wait3A_218 = tpu.memref_squeeze %dma_wait3A_217 : memref<1x128xi32, #tpu.memory_space<vmem>> -> memref<128xi32, #tpu.memory_space<vmem>>
        %dma_wait3A_219 = arith.constant 0 : i32
        %dma_wait3A_220 = arith.constant 0 : i32
        %dma_wait3A_221 = tpu.memref_slice %arg2[%dma_wait3A_219, %dma_wait3A_220] : memref<100000x32xf32, #tpu.memory_space<hbm>> -> memref<100000x32xf32, #tpu.memory_space<hbm>>
        %dma_wait3A_222 = tpu.memref_slice %arg8[%dma_wait3A_211] : memref<4x!tpu.dma_semaphore, #tpu.memory_space<semaphore_mem>> -> memref<1x!tpu.dma_semaphore, #tpu.memory_space<semaphore_mem>>
        %dma_wait3A_223 = tpu.memref_squeeze %dma_wait3A_222 : memref<1x!tpu.dma_semaphore, #tpu.memory_space<semaphore_mem>> -> memref<!tpu.dma_semaphore, #tpu.memory_space<semaphore_mem>>
        tpu.wait_indirect_dma semaphore(%dma_wait3A_223 : memref<!tpu.dma_semaphore, #tpu.memory_space<semaphore_mem>>) src(%dma_wait3A_221 : memref<100000x32xf32, #tpu.memory_space<hbm>>) dst(%dma_wait3A_215 : memref<128x32xf32, #tpu.memory_space<vmem>>)
        %scan3A_224 = arith.constant 3 : i32
        %scan3A_225 = arith.constant 0 : i32
        %scan3A_226 = arith.constant 16 : i32
        %scan3A_227 = arith.addi %scan3A_225, %scan3A_226 : i32
        %scan3A_228 = arith.constant 1 : i32
        scf.for %scan3A_353 = %scan3A_225 to %scan3A_227 step %scan3A_228  : i32 {
          %mul3A_354 = arith.constant 8 : i32
          %mul3A_355 = arith.muli %scan3A_353, %mul3A_354 : i32
          %add3A_356 = arith.constant 0 : i32
          %add3A_357 = arith.addi %add3A_356, %mul3A_355 : i32
          %add3A_358 = arith.constant 0 : i32
          %add3A_359 = arith.addi %add3A_357, %add3A_358 : i32
          %get3A = arith.constant 3 : i32
          %get3A_360 = arith.index_cast %get3A : i32 to index
          %get3A_361 = arith.index_cast %add3A_359 : i32 to index
          %get3A_362 = arith.constant 0 : index
          %get3A_363 = tpu.vector_load %arg6[%get3A_360, %get3A_361, %get3A_362] {strides = array<i32>} : memref<4x128x32xf32, #tpu.memory_space<vmem>>, vector<16xf32>,
          %get3A_364 = arith.constant 3 : i32
          %get3A_365 = arith.index_cast %get3A_364 : i32 to index
          %get3A_366 = arith.index_cast %add3A_359 : i32 to index
          %get3A_367 = arith.constant 16 : index
          %get3A_368 = tpu.vector_load %arg6[%get3A_365, %get3A_366, %get3A_367] {strides = array<i32>} : memref<4x128x32xf32, #tpu.memory_space<vmem>>, vector<16xf32>,
          %add3A_369 = vector.broadcast %add3A_359 : i32 to vector<16xi32>
          %add3A_370 = arith.addi %mul3A_3, %add3A_369 : vector<16xi32>
          %scatter3A = arith.constant 0 : i32
          %scatter3A_371 = tpu.memref_slice %arg7[%select_n3A_119, %scan3A_224, %scatter3A] : memref<2x8x4096xf32, #tpu.memory_space<vmem>> -> memref<1x1x4096xf32, #tpu.memory_space<vmem>>
          %scatter3A_372 = tpu.memref_squeeze %scatter3A_371 : memref<1x1x4096xf32, #tpu.memory_space<vmem>> -> memref<4096xf32, #tpu.memory_space<vmem>>
          tpu.vector_store_idx %scatter3A_372[%add3A_370], %get3A_363 : memref<4096xf32, #tpu.memory_space<vmem>>[vector<16xi32>], vector<16xf32>,
          %add3A_373 = vector.broadcast %add3A_359 : i32 to vector<16xi32>
          %add3A_374 = arith.addi %add3A_6, %add3A_373 : vector<16xi32>
          %scatter3A_375 = arith.constant 0 : i32
          %scatter3A_376 = tpu.memref_slice %arg7[%select_n3A_119, %scan3A_224, %scatter3A_375] : memref<2x8x4096xf32, #tpu.memory_space<vmem>> -> memref<1x1x4096xf32, #tpu.memory_space<vmem>>
          %scatter3A_377 = tpu.memref_squeeze %scatter3A_376 : memref<1x1x4096xf32, #tpu.memory_space<vmem>> -> memref<4096xf32, #tpu.memory_space<vmem>>
          tpu.vector_store_idx %scatter3A_377[%add3A_374], %get3A_368 : memref<4096xf32, #tpu.memory_space<vmem>>[vector<16xi32>], vector<16xf32>,
          %add3A_378 = arith.constant 1 : i32
          %add3A_379 = arith.addi %add3A_357, %add3A_378 : i32
          %get3A_380 = arith.constant 3 : i32
          %get3A_381 = arith.index_cast %get3A_380 : i32 to index
          %get3A_382 = arith.index_cast %add3A_379 : i32 to index
          %get3A_383 = arith.constant 0 : index
          %get3A_384 = tpu.vector_load %arg6[%get3A_381, %get3A_382, %get3A_383] {strides = array<i32>} : memref<4x128x32xf32, #tpu.memory_space<vmem>>, vector<16xf32>,
          %get3A_385 = arith.constant 3 : i32
          %get3A_386 = arith.index_cast %get3A_385 : i32 to index
          %get3A_387 = arith.index_cast %add3A_379 : i32 to index
          %get3A_388 = arith.constant 16 : index
          %get3A_389 = tpu.vector_load %arg6[%get3A_386, %get3A_387, %get3A_388] {strides = array<i32>} : memref<4x128x32xf32, #tpu.memory_space<vmem>>, vector<16xf32>,
          %add3A_390 = vector.broadcast %add3A_379 : i32 to vector<16xi32>
          %add3A_391 = arith.addi %mul3A_3, %add3A_390 : vector<16xi32>
          %scatter3A_392 = arith.constant 0 : i32
          %scatter3A_393 = tpu.memref_slice %arg7[%select_n3A_119, %scan3A_224, %scatter3A_392] : memref<2x8x4096xf32, #tpu.memory_space<vmem>> -> memref<1x1x4096xf32, #tpu.memory_space<vmem>>
          %scatter3A_394 = tpu.memref_squeeze %scatter3A_393 : memref<1x1x4096xf32, #tpu.memory_space<vmem>> -> memref<4096xf32, #tpu.memory_space<vmem>>
          tpu.vector_store_idx %scatter3A_394[%add3A_391], %get3A_384 : memref<4096xf32, #tpu.memory_space<vmem>>[vector<16xi32>], vector<16xf32>,
          %add3A_395 = vector.broadcast %add3A_379 : i32 to vector<16xi32>
          %add3A_396 = arith.addi %add3A_6, %add3A_395 : vector<16xi32>
          %scatter3A_397 = arith.constant 0 : i32
          %scatter3A_398 = tpu.memref_slice %arg7[%select_n3A_119, %scan3A_224, %scatter3A_397] : memref<2x8x4096xf32, #tpu.memory_space<vmem>> -> memref<1x1x4096xf32, #tpu.memory_space<vmem>>
          %scatter3A_399 = tpu.memref_squeeze %scatter3A_398 : memref<1x1x4096xf32, #tpu.memory_space<vmem>> -> memref<4096xf32, #tpu.memory_space<vmem>>
          tpu.vector_store_idx %scatter3A_399[%add3A_396], %get3A_389 : memref<4096xf32, #tpu.memory_space<vmem>>[vector<16xi32>], vector<16xf32>,
          %add3A_400 = arith.constant 2 : i32
          %add3A_401 = arith.addi %add3A_357, %add3A_400 : i32
          %get3A_402 = arith.constant 3 : i32
          %get3A_403 = arith.index_cast %get3A_402 : i32 to index
          %get3A_404 = arith.index_cast %add3A_401 : i32 to index
          %get3A_405 = arith.constant 0 : index
          %get3A_406 = tpu.vector_load %arg6[%get3A_403, %get3A_404, %get3A_405] {strides = array<i32>} : memref<4x128x32xf32, #tpu.memory_space<vmem>>, vector<16xf32>,
          %get3A_407 = arith.constant 3 : i32
          %get3A_408 = arith.index_cast %get3A_407 : i32 to index
          %get3A_409 = arith.index_cast %add3A_401 : i32 to index
          %get3A_410 = arith.constant 16 : index
          %get3A_411 = tpu.vector_load %arg6[%get3A_408, %get3A_409, %get3A_410] {strides = array<i32>} : memref<4x128x32xf32, #tpu.memory_space<vmem>>, vector<16xf32>,
          %add3A_412 = vector.broadcast %add3A_401 : i32 to vector<16xi32>
          %add3A_413 = arith.addi %mul3A_3, %add3A_412 : vector<16xi32>
          %scatter3A_414 = arith.constant 0 : i32
          %scatter3A_415 = tpu.memref_slice %arg7[%select_n3A_119, %scan3A_224, %scatter3A_414] : memref<2x8x4096xf32, #tpu.memory_space<vmem>> -> memref<1x1x4096xf32, #tpu.memory_space<vmem>>
          %scatter3A_416 = tpu.memref_squeeze %scatter3A_415 : memref<1x1x4096xf32, #tpu.memory_space<vmem>> -> memref<4096xf32, #tpu.memory_space<vmem>>
          tpu.vector_store_idx %scatter3A_416[%add3A_413], %get3A_406 : memref<4096xf32, #tpu.memory_space<vmem>>[vector<16xi32>], vector<16xf32>,
          %add3A_417 = vector.broadcast %add3A_401 : i32 to vector<16xi32>
          %add3A_418 = arith.addi %add3A_6, %add3A_417 : vector<16xi32>
          %scatter3A_419 = arith.constant 0 : i32
          %scatter3A_420 = tpu.memref_slice %arg7[%select_n3A_119, %scan3A_224, %scatter3A_419] : memref<2x8x4096xf32, #tpu.memory_space<vmem>> -> memref<1x1x4096xf32, #tpu.memory_space<vmem>>
          %scatter3A_421 = tpu.memref_squeeze %scatter3A_420 : memref<1x1x4096xf32, #tpu.memory_space<vmem>> -> memref<4096xf32, #tpu.memory_space<vmem>>
          tpu.vector_store_idx %scatter3A_421[%add3A_418], %get3A_411 : memref<4096xf32, #tpu.memory_space<vmem>>[vector<16xi32>], vector<16xf32>,
          %add3A_422 = arith.constant 3 : i32
          %add3A_423 = arith.addi %add3A_357, %add3A_422 : i32
          %get3A_424 = arith.constant 3 : i32
          %get3A_425 = arith.index_cast %get3A_424 : i32 to index
          %get3A_426 = arith.index_cast %add3A_423 : i32 to index
          %get3A_427 = arith.constant 0 : index
          %get3A_428 = tpu.vector_load %arg6[%get3A_425, %get3A_426, %get3A_427] {strides = array<i32>} : memref<4x128x32xf32, #tpu.memory_space<vmem>>, vector<16xf32>,
          %get3A_429 = arith.constant 3 : i32
          %get3A_430 = arith.index_cast %get3A_429 : i32 to index
          %get3A_431 = arith.index_cast %add3A_423 : i32 to index
          %get3A_432 = arith.constant 16 : index
          %get3A_433 = tpu.vector_load %arg6[%get3A_430, %get3A_431, %get3A_432] {strides = array<i32>} : memref<4x128x32xf32, #tpu.memory_space<vmem>>, vector<16xf32>,
          %add3A_434 = vector.broadcast %add3A_423 : i32 to vector<16xi32>
          %add3A_435 = arith.addi %mul3A_3, %add3A_434 : vector<16xi32>
          %scatter3A_436 = arith.constant 0 : i32
          %scatter3A_437 = tpu.memref_slice %arg7[%select_n3A_119, %scan3A_224, %scatter3A_436] : memref<2x8x4096xf32, #tpu.memory_space<vmem>> -> memref<1x1x4096xf32, #tpu.memory_space<vmem>>
          %scatter3A_438 = tpu.memref_squeeze %scatter3A_437 : memref<1x1x4096xf32, #tpu.memory_space<vmem>> -> memref<4096xf32, #tpu.memory_space<vmem>>
          tpu.vector_store_idx %scatter3A_438[%add3A_435], %get3A_428 : memref<4096xf32, #tpu.memory_space<vmem>>[vector<16xi32>], vector<16xf32>,
          %add3A_439 = vector.broadcast %add3A_423 : i32 to vector<16xi32>
          %add3A_440 = arith.addi %add3A_6, %add3A_439 : vector<16xi32>
          %scatter3A_441 = arith.constant 0 : i32
          %scatter3A_442 = tpu.memref_slice %arg7[%select_n3A_119, %scan3A_224, %scatter3A_441] : memref<2x8x4096xf32, #tpu.memory_space<vmem>> -> memref<1x1x4096xf32, #tpu.memory_space<vmem>>
          %scatter3A_443 = tpu.memref_squeeze %scatter3A_442 : memref<1x1x4096xf32, #tpu.memory_space<vmem>> -> memref<4096xf32, #tpu.memory_space<vmem>>
          tpu.vector_store_idx %scatter3A_443[%add3A_440], %get3A_433 : memref<4096xf32, #tpu.memory_space<vmem>>[vector<16xi32>], vector<16xf32>,
          %add3A_444 = arith.constant 4 : i32
          %add3A_445 = arith.addi %add3A_357, %add3A_444 : i32
          %get3A_446 = arith.constant 3 : i32
          %get3A_447 = arith.index_cast %get3A_446 : i32 to index
          %get3A_448 = arith.index_cast %add3A_445 : i32 to index
          %get3A_449 = arith.constant 0 : index
          %get3A_450 = tpu.vector_load %arg6[%get3A_447, %get3A_448, %get3A_449] {strides = array<i32>} : memref<4x128x32xf32, #tpu.memory_space<vmem>>, vector<16xf32>,
          %get3A_451 = arith.constant 3 : i32
          %get3A_452 = arith.index_cast %get3A_451 : i32 to index
          %get3A_453 = arith.index_cast %add3A_445 : i32 to index
          %get3A_454 = arith.constant 16 : index
          %get3A_455 = tpu.vector_load %arg6[%get3A_452, %get3A_453, %get3A_454] {strides = array<i32>} : memref<4x128x32xf32, #tpu.memory_space<vmem>>, vector<16xf32>,
          %add3A_456 = vector.broadcast %add3A_445 : i32 to vector<16xi32>
          %add3A_457 = arith.addi %mul3A_3, %add3A_456 : vector<16xi32>
          %scatter3A_458 = arith.constant 0 : i32
          %scatter3A_459 = tpu.memref_slice %arg7[%select_n3A_119, %scan3A_224, %scatter3A_458] : memref<2x8x4096xf32, #tpu.memory_space<vmem>> -> memref<1x1x4096xf32, #tpu.memory_space<vmem>>
          %scatter3A_460 = tpu.memref_squeeze %scatter3A_459 : memref<1x1x4096xf32, #tpu.memory_space<vmem>> -> memref<4096xf32, #tpu.memory_space<vmem>>
          tpu.vector_store_idx %scatter3A_460[%add3A_457], %get3A_450 : memref<4096xf32, #tpu.memory_space<vmem>>[vector<16xi32>], vector<16xf32>,
          %add3A_461 = vector.broadcast %add3A_445 : i32 to vector<16xi32>
          %add3A_462 = arith.addi %add3A_6, %add3A_461 : vector<16xi32>
          %scatter3A_463 = arith.constant 0 : i32
          %scatter3A_464 = tpu.memref_slice %arg7[%select_n3A_119, %scan3A_224, %scatter3A_463] : memref<2x8x4096xf32, #tpu.memory_space<vmem>> -> memref<1x1x4096xf32, #tpu.memory_space<vmem>>
          %scatter3A_465 = tpu.memref_squeeze %scatter3A_464 : memref<1x1x4096xf32, #tpu.memory_space<vmem>> -> memref<4096xf32, #tpu.memory_space<vmem>>
          tpu.vector_store_idx %scatter3A_465[%add3A_462], %get3A_455 : memref<4096xf32, #tpu.memory_space<vmem>>[vector<16xi32>], vector<16xf32>,
          %add3A_466 = arith.constant 5 : i32
          %add3A_467 = arith.addi %add3A_357, %add3A_466 : i32
          %get3A_468 = arith.constant 3 : i32
          %get3A_469 = arith.index_cast %get3A_468 : i32 to index
          %get3A_470 = arith.index_cast %add3A_467 : i32 to index
          %get3A_471 = arith.constant 0 : index
          %get3A_472 = tpu.vector_load %arg6[%get3A_469, %get3A_470, %get3A_471] {strides = array<i32>} : memref<4x128x32xf32, #tpu.memory_space<vmem>>, vector<16xf32>,
          %get3A_473 = arith.constant 3 : i32
          %get3A_474 = arith.index_cast %get3A_473 : i32 to index
          %get3A_475 = arith.index_cast %add3A_467 : i32 to index
          %get3A_476 = arith.constant 16 : index
          %get3A_477 = tpu.vector_load %arg6[%get3A_474, %get3A_475, %get3A_476] {strides = array<i32>} : memref<4x128x32xf32, #tpu.memory_space<vmem>>, vector<16xf32>,
          %add3A_478 = vector.broadcast %add3A_467 : i32 to vector<16xi32>
          %add3A_479 = arith.addi %mul3A_3, %add3A_478 : vector<16xi32>
          %scatter3A_480 = arith.constant 0 : i32
          %scatter3A_481 = tpu.memref_slice %arg7[%select_n3A_119, %scan3A_224, %scatter3A_480] : memref<2x8x4096xf32, #tpu.memory_space<vmem>> -> memref<1x1x4096xf32, #tpu.memory_space<vmem>>
          %scatter3A_482 = tpu.memref_squeeze %scatter3A_481 : memref<1x1x4096xf32, #tpu.memory_space<vmem>> -> memref<4096xf32, #tpu.memory_space<vmem>>
          tpu.vector_store_idx %scatter3A_482[%add3A_479], %get3A_472 : memref<4096xf32, #tpu.memory_space<vmem>>[vector<16xi32>], vector<16xf32>,
          %add3A_483 = vector.broadcast %add3A_467 : i32 to vector<16xi32>
          %add3A_484 = arith.addi %add3A_6, %add3A_483 : vector<16xi32>
          %scatter3A_485 = arith.constant 0 : i32
          %scatter3A_486 = tpu.memref_slice %arg7[%select_n3A_119, %scan3A_224, %scatter3A_485] : memref<2x8x4096xf32, #tpu.memory_space<vmem>> -> memref<1x1x4096xf32, #tpu.memory_space<vmem>>
          %scatter3A_487 = tpu.memref_squeeze %scatter3A_486 : memref<1x1x4096xf32, #tpu.memory_space<vmem>> -> memref<4096xf32, #tpu.memory_space<vmem>>
          tpu.vector_store_idx %scatter3A_487[%add3A_484], %get3A_477 : memref<4096xf32, #tpu.memory_space<vmem>>[vector<16xi32>], vector<16xf32>,
          %add3A_488 = arith.constant 6 : i32
          %add3A_489 = arith.addi %add3A_357, %add3A_488 : i32
          %get3A_490 = arith.constant 3 : i32
          %get3A_491 = arith.index_cast %get3A_490 : i32 to index
          %get3A_492 = arith.index_cast %add3A_489 : i32 to index
          %get3A_493 = arith.constant 0 : index
          %get3A_494 = tpu.vector_load %arg6[%get3A_491, %get3A_492, %get3A_493] {strides = array<i32>} : memref<4x128x32xf32, #tpu.memory_space<vmem>>, vector<16xf32>,
          %get3A_495 = arith.constant 3 : i32
          %get3A_496 = arith.index_cast %get3A_495 : i32 to index
          %get3A_497 = arith.index_cast %add3A_489 : i32 to index
          %get3A_498 = arith.constant 16 : index
          %get3A_499 = tpu.vector_load %arg6[%get3A_496, %get3A_497, %get3A_498] {strides = array<i32>} : memref<4x128x32xf32, #tpu.memory_space<vmem>>, vector<16xf32>,
          %add3A_500 = vector.broadcast %add3A_489 : i32 to vector<16xi32>
          %add3A_501 = arith.addi %mul3A_3, %add3A_500 : vector<16xi32>
          %scatter3A_502 = arith.constant 0 : i32
          %scatter3A_503 = tpu.memref_slice %arg7[%select_n3A_119, %scan3A_224, %scatter3A_502] : memref<2x8x4096xf32, #tpu.memory_space<vmem>> -> memref<1x1x4096xf32, #tpu.memory_space<vmem>>
          %scatter3A_504 = tpu.memref_squeeze %scatter3A_503 : memref<1x1x4096xf32, #tpu.memory_space<vmem>> -> memref<4096xf32, #tpu.memory_space<vmem>>
          tpu.vector_store_idx %scatter3A_504[%add3A_501], %get3A_494 : memref<4096xf32, #tpu.memory_space<vmem>>[vector<16xi32>], vector<16xf32>,
          %add3A_505 = vector.broadcast %add3A_489 : i32 to vector<16xi32>
          %add3A_506 = arith.addi %add3A_6, %add3A_505 : vector<16xi32>
          %scatter3A_507 = arith.constant 0 : i32
          %scatter3A_508 = tpu.memref_slice %arg7[%select_n3A_119, %scan3A_224, %scatter3A_507] : memref<2x8x4096xf32, #tpu.memory_space<vmem>> -> memref<1x1x4096xf32, #tpu.memory_space<vmem>>
          %scatter3A_509 = tpu.memref_squeeze %scatter3A_508 : memref<1x1x4096xf32, #tpu.memory_space<vmem>> -> memref<4096xf32, #tpu.memory_space<vmem>>
          tpu.vector_store_idx %scatter3A_509[%add3A_506], %get3A_499 : memref<4096xf32, #tpu.memory_space<vmem>>[vector<16xi32>], vector<16xf32>,
          %add3A_510 = arith.constant 7 : i32
          %add3A_511 = arith.addi %add3A_357, %add3A_510 : i32
          %get3A_512 = arith.constant 3 : i32
          %get3A_513 = arith.index_cast %get3A_512 : i32 to index
          %get3A_514 = arith.index_cast %add3A_511 : i32 to index
          %get3A_515 = arith.constant 0 : index
          %get3A_516 = tpu.vector_load %arg6[%get3A_513, %get3A_514, %get3A_515] {strides = array<i32>} : memref<4x128x32xf32, #tpu.memory_space<vmem>>, vector<16xf32>,
          %get3A_517 = arith.constant 3 : i32
          %get3A_518 = arith.index_cast %get3A_517 : i32 to index
          %get3A_519 = arith.index_cast %add3A_511 : i32 to index
          %get3A_520 = arith.constant 16 : index
          %get3A_521 = tpu.vector_load %arg6[%get3A_518, %get3A_519, %get3A_520] {strides = array<i32>} : memref<4x128x32xf32, #tpu.memory_space<vmem>>, vector<16xf32>,
          %add3A_522 = vector.broadcast %add3A_511 : i32 to vector<16xi32>
          %add3A_523 = arith.addi %mul3A_3, %add3A_522 : vector<16xi32>
          %scatter3A_524 = arith.constant 0 : i32
          %scatter3A_525 = tpu.memref_slice %arg7[%select_n3A_119, %scan3A_224, %scatter3A_524] : memref<2x8x4096xf32, #tpu.memory_space<vmem>> -> memref<1x1x4096xf32, #tpu.memory_space<vmem>>
          %scatter3A_526 = tpu.memref_squeeze %scatter3A_525 : memref<1x1x4096xf32, #tpu.memory_space<vmem>> -> memref<4096xf32, #tpu.memory_space<vmem>>
          tpu.vector_store_idx %scatter3A_526[%add3A_523], %get3A_516 : memref<4096xf32, #tpu.memory_space<vmem>>[vector<16xi32>], vector<16xf32>,
          %add3A_527 = vector.broadcast %add3A_511 : i32 to vector<16xi32>
          %add3A_528 = arith.addi %add3A_6, %add3A_527 : vector<16xi32>
          %scatter3A_529 = arith.constant 0 : i32
          %scatter3A_530 = tpu.memref_slice %arg7[%select_n3A_119, %scan3A_224, %scatter3A_529] : memref<2x8x4096xf32, #tpu.memory_space<vmem>> -> memref<1x1x4096xf32, #tpu.memory_space<vmem>>
          %scatter3A_531 = tpu.memref_squeeze %scatter3A_530 : memref<1x1x4096xf32, #tpu.memory_space<vmem>> -> memref<4096xf32, #tpu.memory_space<vmem>>
          tpu.vector_store_idx %scatter3A_531[%add3A_528], %get3A_521 : memref<4096xf32, #tpu.memory_space<vmem>>[vector<16xi32>], vector<16xf32>,
        }
        %scan3A_229 = arith.constant 16 : i32
        %add3A_230 = arith.constant 4 : i32
        %add3A_231 = arith.addi %add3A_209, %add3A_230 : i32
        %lt3A_232 = arith.constant 200 : i32
        %lt3A_233 = arith.cmpi slt, %add3A_231, %lt3A_232 : i32
        %convert_element_type3A_234 = arith.extui %lt3A_233 : i1 to i32
        %cond3A_235 = arith.constant 0 : i32
        %cond3A_236 = arith.cmpi ne, %convert_element_type3A_234, %cond3A_235 : i32
        scf.if %cond3A_236 {
          %add3A_353 = arith.constant 4 : i32
          %add3A_354 = arith.addi %add3A_209, %add3A_353 : i32
          %dma_start3A_355 = arith.constant 3 : i32
          %dma_start3A_356 = arith.constant 3 : i32
          %dma_start3A_357 = arith.constant 0 : i32
          %dma_start3A_358 = arith.constant 0 : i32
          %dma_start3A_359 = tpu.memref_slice %arg6[%dma_start3A_355, %dma_start3A_357, %dma_start3A_358] : memref<4x128x32xf32, #tpu.memory_space<vmem>> -> memref<1x128x32xf32, #tpu.memory_space<vmem>>
          %dma_start3A_360 = tpu.memref_squeeze %dma_start3A_359 : memref<1x128x32xf32, #tpu.memory_space<vmem>> -> memref<128x32xf32, #tpu.memory_space<vmem>>
          %dma_start3A_361 = arith.constant 0 : i32
          %dma_start3A_362 = tpu.memref_slice %arg5[%add3A_354, %dma_start3A_361] : memref<200x128xi32, #tpu.memory_space<vmem>> -> memref<1x128xi32, #tpu.memory_space<vmem>>
          %dma_start3A_363 = tpu.memref_squeeze %dma_start3A_362 : memref<1x128xi32, #tpu.memory_space<vmem>> -> memref<128xi32, #tpu.memory_space<vmem>>
          %dma_start3A_364 = arith.constant 0 : i32
          %dma_start3A_365 = arith.constant 0 : i32
          %dma_start3A_366 = tpu.memref_slice %arg2[%dma_start3A_364, %dma_start3A_365] : memref<100000x32xf32, #tpu.memory_space<hbm>> -> memref<100000x32xf32, #tpu.memory_space<hbm>>
          %dma_start3A_367 = tpu.memref_slice %arg8[%dma_start3A_356] : memref<4x!tpu.dma_semaphore, #tpu.memory_space<semaphore_mem>> -> memref<1x!tpu.dma_semaphore, #tpu.memory_space<semaphore_mem>>
          %dma_start3A_368 = tpu.memref_squeeze %dma_start3A_367 : memref<1x!tpu.dma_semaphore, #tpu.memory_space<semaphore_mem>> -> memref<!tpu.dma_semaphore, #tpu.memory_space<semaphore_mem>>
          tpu.enqueue_indirect_dma source(%dma_start3A_366 : memref<100000x32xf32, #tpu.memory_space<hbm>>) target(%dma_start3A_360 : memref<128x32xf32, #tpu.memory_space<vmem>>) offsets(%dma_start3A_363 : memref<128xi32, #tpu.memory_space<vmem>>) semaphore(%dma_start3A_368 : memref<!tpu.dma_semaphore, #tpu.memory_space<semaphore_mem>>)
        } else {
        }
        %add3A_237 = arith.constant 4 : i32
        %add3A_238 = arith.addi %add3A_89, %add3A_237 : i32
        %dma_wait3A_239 = arith.constant 0 : i32
        %dma_wait3A_240 = arith.constant 0 : i32
        %dma_wait3A_241 = arith.constant 0 : i32
        %dma_wait3A_242 = arith.constant 0 : i32
        %dma_wait3A_243 = tpu.memref_slice %arg6[%dma_wait3A_239, %dma_wait3A_241, %dma_wait3A_242] : memref<4x128x32xf32, #tpu.memory_space<vmem>> -> memref<1x128x32xf32, #tpu.memory_space<vmem>>
        %dma_wait3A_244 = tpu.memref_squeeze %dma_wait3A_243 : memref<1x128x32xf32, #tpu.memory_space<vmem>> -> memref<128x32xf32, #tpu.memory_space<vmem>>
        %dma_wait3A_245 = arith.constant 0 : i32
        %dma_wait3A_246 = tpu.memref_slice %arg5[%add3A_238, %dma_wait3A_245] : memref<200x128xi32, #tpu.memory_space<vmem>> -> memref<1x128xi32, #tpu.memory_space<vmem>>
        %dma_wait3A_247 = tpu.memref_squeeze %dma_wait3A_246 : memref<1x128xi32, #tpu.memory_space<vmem>> -> memref<128xi32, #tpu.memory_space<vmem>>
        %dma_wait3A_248 = arith.constant 0 : i32
        %dma_wait3A_249 = arith.constant 0 : i32
        %dma_wait3A_250 = tpu.memref_slice %arg2[%dma_wait3A_248, %dma_wait3A_249] : memref<100000x32xf32, #tpu.memory_space<hbm>> -> memref<100000x32xf32, #tpu.memory_space<hbm>>
        %dma_wait3A_251 = tpu.memref_slice %arg8[%dma_wait3A_240] : memref<4x!tpu.dma_semaphore, #tpu.memory_space<semaphore_mem>> -> memref<1x!tpu.dma_semaphore, #tpu.memory_space<semaphore_mem>>
        %dma_wait3A_252 = tpu.memref_squeeze %dma_wait3A_251 : memref<1x!tpu.dma_semaphore, #tpu.memory_space<semaphore_mem>> -> memref<!tpu.dma_semaphore, #tpu.memory_space<semaphore_mem>>
        tpu.wait_indirect_dma semaphore(%dma_wait3A_252 : memref<!tpu.dma_semaphore, #tpu.memory_space<semaphore_mem>>) src(%dma_wait3A_250 : memref<100000x32xf32, #tpu.memory_space<hbm>>) dst(%dma_wait3A_244 : memref<128x32xf32, #tpu.memory_space<vmem>>)
        %scan3A_253 = arith.constant 4 : i32
        %scan3A_254 = arith.constant 0 : i32
        %scan3A_255 = arith.constant 16 : i32
        %scan3A_256 = arith.addi %scan3A_254, %scan3A_255 : i32
        %scan3A_257 = arith.constant 1 : i32
        scf.for %scan3A_353 = %scan3A_254 to %scan3A_256 step %scan3A_257  : i32 {
          %mul3A_354 = arith.constant 8 : i32
          %mul3A_355 = arith.muli %scan3A_353, %mul3A_354 : i32
          %add3A_356 = arith.constant 0 : i32
          %add3A_357 = arith.addi %add3A_356, %mul3A_355 : i32
          %add3A_358 = arith.constant 0 : i32
          %add3A_359 = arith.addi %add3A_357, %add3A_358 : i32
          %get3A = arith.constant 0 : i32
          %get3A_360 = arith.index_cast %get3A : i32 to index
          %get3A_361 = arith.index_cast %add3A_359 : i32 to index
          %get3A_362 = arith.constant 0 : index
          %get3A_363 = tpu.vector_load %arg6[%get3A_360, %get3A_361, %get3A_362] {strides = array<i32>} : memref<4x128x32xf32, #tpu.memory_space<vmem>>, vector<16xf32>,
          %get3A_364 = arith.constant 0 : i32
          %get3A_365 = arith.index_cast %get3A_364 : i32 to index
          %get3A_366 = arith.index_cast %add3A_359 : i32 to index
          %get3A_367 = arith.constant 16 : index
          %get3A_368 = tpu.vector_load %arg6[%get3A_365, %get3A_366, %get3A_367] {strides = array<i32>} : memref<4x128x32xf32, #tpu.memory_space<vmem>>, vector<16xf32>,
          %add3A_369 = vector.broadcast %add3A_359 : i32 to vector<16xi32>
          %add3A_370 = arith.addi %mul3A_3, %add3A_369 : vector<16xi32>
          %scatter3A = arith.constant 0 : i32
          %scatter3A_371 = tpu.memref_slice %arg7[%select_n3A_119, %scan3A_253, %scatter3A] : memref<2x8x4096xf32, #tpu.memory_space<vmem>> -> memref<1x1x4096xf32, #tpu.memory_space<vmem>>
          %scatter3A_372 = tpu.memref_squeeze %scatter3A_371 : memref<1x1x4096xf32, #tpu.memory_space<vmem>> -> memref<4096xf32, #tpu.memory_space<vmem>>
          tpu.vector_store_idx %scatter3A_372[%add3A_370], %get3A_363 : memref<4096xf32, #tpu.memory_space<vmem>>[vector<16xi32>], vector<16xf32>,
          %add3A_373 = vector.broadcast %add3A_359 : i32 to vector<16xi32>
          %add3A_374 = arith.addi %add3A_6, %add3A_373 : vector<16xi32>
          %scatter3A_375 = arith.constant 0 : i32
          %scatter3A_376 = tpu.memref_slice %arg7[%select_n3A_119, %scan3A_253, %scatter3A_375] : memref<2x8x4096xf32, #tpu.memory_space<vmem>> -> memref<1x1x4096xf32, #tpu.memory_space<vmem>>
          %scatter3A_377 = tpu.memref_squeeze %scatter3A_376 : memref<1x1x4096xf32, #tpu.memory_space<vmem>> -> memref<4096xf32, #tpu.memory_space<vmem>>
          tpu.vector_store_idx %scatter3A_377[%add3A_374], %get3A_368 : memref<4096xf32, #tpu.memory_space<vmem>>[vector<16xi32>], vector<16xf32>,
          %add3A_378 = arith.constant 1 : i32
          %add3A_379 = arith.addi %add3A_357, %add3A_378 : i32
          %get3A_380 = arith.constant 0 : i32
          %get3A_381 = arith.index_cast %get3A_380 : i32 to index
          %get3A_382 = arith.index_cast %add3A_379 : i32 to index
          %get3A_383 = arith.constant 0 : index
          %get3A_384 = tpu.vector_load %arg6[%get3A_381, %get3A_382, %get3A_383] {strides = array<i32>} : memref<4x128x32xf32, #tpu.memory_space<vmem>>, vector<16xf32>,
          %get3A_385 = arith.constant 0 : i32
          %get3A_386 = arith.index_cast %get3A_385 : i32 to index
          %get3A_387 = arith.index_cast %add3A_379 : i32 to index
          %get3A_388 = arith.constant 16 : index
          %get3A_389 = tpu.vector_load %arg6[%get3A_386, %get3A_387, %get3A_388] {strides = array<i32>} : memref<4x128x32xf32, #tpu.memory_space<vmem>>, vector<16xf32>,
          %add3A_390 = vector.broadcast %add3A_379 : i32 to vector<16xi32>
          %add3A_391 = arith.addi %mul3A_3, %add3A_390 : vector<16xi32>
          %scatter3A_392 = arith.constant 0 : i32
          %scatter3A_393 = tpu.memref_slice %arg7[%select_n3A_119, %scan3A_253, %scatter3A_392] : memref<2x8x4096xf32, #tpu.memory_space<vmem>> -> memref<1x1x4096xf32, #tpu.memory_space<vmem>>
          %scatter3A_394 = tpu.memref_squeeze %scatter3A_393 : memref<1x1x4096xf32, #tpu.memory_space<vmem>> -> memref<4096xf32, #tpu.memory_space<vmem>>
          tpu.vector_store_idx %scatter3A_394[%add3A_391], %get3A_384 : memref<4096xf32, #tpu.memory_space<vmem>>[vector<16xi32>], vector<16xf32>,
          %add3A_395 = vector.broadcast %add3A_379 : i32 to vector<16xi32>
          %add3A_396 = arith.addi %add3A_6, %add3A_395 : vector<16xi32>
          %scatter3A_397 = arith.constant 0 : i32
          %scatter3A_398 = tpu.memref_slice %arg7[%select_n3A_119, %scan3A_253, %scatter3A_397] : memref<2x8x4096xf32, #tpu.memory_space<vmem>> -> memref<1x1x4096xf32, #tpu.memory_space<vmem>>
          %scatter3A_399 = tpu.memref_squeeze %scatter3A_398 : memref<1x1x4096xf32, #tpu.memory_space<vmem>> -> memref<4096xf32, #tpu.memory_space<vmem>>
          tpu.vector_store_idx %scatter3A_399[%add3A_396], %get3A_389 : memref<4096xf32, #tpu.memory_space<vmem>>[vector<16xi32>], vector<16xf32>,
          %add3A_400 = arith.constant 2 : i32
          %add3A_401 = arith.addi %add3A_357, %add3A_400 : i32
          %get3A_402 = arith.constant 0 : i32
          %get3A_403 = arith.index_cast %get3A_402 : i32 to index
          %get3A_404 = arith.index_cast %add3A_401 : i32 to index
          %get3A_405 = arith.constant 0 : index
          %get3A_406 = tpu.vector_load %arg6[%get3A_403, %get3A_404, %get3A_405] {strides = array<i32>} : memref<4x128x32xf32, #tpu.memory_space<vmem>>, vector<16xf32>,
          %get3A_407 = arith.constant 0 : i32
          %get3A_408 = arith.index_cast %get3A_407 : i32 to index
          %get3A_409 = arith.index_cast %add3A_401 : i32 to index
          %get3A_410 = arith.constant 16 : index
          %get3A_411 = tpu.vector_load %arg6[%get3A_408, %get3A_409, %get3A_410] {strides = array<i32>} : memref<4x128x32xf32, #tpu.memory_space<vmem>>, vector<16xf32>,
          %add3A_412 = vector.broadcast %add3A_401 : i32 to vector<16xi32>
          %add3A_413 = arith.addi %mul3A_3, %add3A_412 : vector<16xi32>
          %scatter3A_414 = arith.constant 0 : i32
          %scatter3A_415 = tpu.memref_slice %arg7[%select_n3A_119, %scan3A_253, %scatter3A_414] : memref<2x8x4096xf32, #tpu.memory_space<vmem>> -> memref<1x1x4096xf32, #tpu.memory_space<vmem>>
          %scatter3A_416 = tpu.memref_squeeze %scatter3A_415 : memref<1x1x4096xf32, #tpu.memory_space<vmem>> -> memref<4096xf32, #tpu.memory_space<vmem>>
          tpu.vector_store_idx %scatter3A_416[%add3A_413], %get3A_406 : memref<4096xf32, #tpu.memory_space<vmem>>[vector<16xi32>], vector<16xf32>,
          %add3A_417 = vector.broadcast %add3A_401 : i32 to vector<16xi32>
          %add3A_418 = arith.addi %add3A_6, %add3A_417 : vector<16xi32>
          %scatter3A_419 = arith.constant 0 : i32
          %scatter3A_420 = tpu.memref_slice %arg7[%select_n3A_119, %scan3A_253, %scatter3A_419] : memref<2x8x4096xf32, #tpu.memory_space<vmem>> -> memref<1x1x4096xf32, #tpu.memory_space<vmem>>
          %scatter3A_421 = tpu.memref_squeeze %scatter3A_420 : memref<1x1x4096xf32, #tpu.memory_space<vmem>> -> memref<4096xf32, #tpu.memory_space<vmem>>
          tpu.vector_store_idx %scatter3A_421[%add3A_418], %get3A_411 : memref<4096xf32, #tpu.memory_space<vmem>>[vector<16xi32>], vector<16xf32>,
          %add3A_422 = arith.constant 3 : i32
          %add3A_423 = arith.addi %add3A_357, %add3A_422 : i32
          %get3A_424 = arith.constant 0 : i32
          %get3A_425 = arith.index_cast %get3A_424 : i32 to index
          %get3A_426 = arith.index_cast %add3A_423 : i32 to index
          %get3A_427 = arith.constant 0 : index
          %get3A_428 = tpu.vector_load %arg6[%get3A_425, %get3A_426, %get3A_427] {strides = array<i32>} : memref<4x128x32xf32, #tpu.memory_space<vmem>>, vector<16xf32>,
          %get3A_429 = arith.constant 0 : i32
          %get3A_430 = arith.index_cast %get3A_429 : i32 to index
          %get3A_431 = arith.index_cast %add3A_423 : i32 to index
          %get3A_432 = arith.constant 16 : index
          %get3A_433 = tpu.vector_load %arg6[%get3A_430, %get3A_431, %get3A_432] {strides = array<i32>} : memref<4x128x32xf32, #tpu.memory_space<vmem>>, vector<16xf32>,
          %add3A_434 = vector.broadcast %add3A_423 : i32 to vector<16xi32>
          %add3A_435 = arith.addi %mul3A_3, %add3A_434 : vector<16xi32>
          %scatter3A_436 = arith.constant 0 : i32
          %scatter3A_437 = tpu.memref_slice %arg7[%select_n3A_119, %scan3A_253, %scatter3A_436] : memref<2x8x4096xf32, #tpu.memory_space<vmem>> -> memref<1x1x4096xf32, #tpu.memory_space<vmem>>
          %scatter3A_438 = tpu.memref_squeeze %scatter3A_437 : memref<1x1x4096xf32, #tpu.memory_space<vmem>> -> memref<4096xf32, #tpu.memory_space<vmem>>
          tpu.vector_store_idx %scatter3A_438[%add3A_435], %get3A_428 : memref<4096xf32, #tpu.memory_space<vmem>>[vector<16xi32>], vector<16xf32>,
          %add3A_439 = vector.broadcast %add3A_423 : i32 to vector<16xi32>
          %add3A_440 = arith.addi %add3A_6, %add3A_439 : vector<16xi32>
          %scatter3A_441 = arith.constant 0 : i32
          %scatter3A_442 = tpu.memref_slice %arg7[%select_n3A_119, %scan3A_253, %scatter3A_441] : memref<2x8x4096xf32, #tpu.memory_space<vmem>> -> memref<1x1x4096xf32, #tpu.memory_space<vmem>>
          %scatter3A_443 = tpu.memref_squeeze %scatter3A_442 : memref<1x1x4096xf32, #tpu.memory_space<vmem>> -> memref<4096xf32, #tpu.memory_space<vmem>>
          tpu.vector_store_idx %scatter3A_443[%add3A_440], %get3A_433 : memref<4096xf32, #tpu.memory_space<vmem>>[vector<16xi32>], vector<16xf32>,
          %add3A_444 = arith.constant 4 : i32
          %add3A_445 = arith.addi %add3A_357, %add3A_444 : i32
          %get3A_446 = arith.constant 0 : i32
          %get3A_447 = arith.index_cast %get3A_446 : i32 to index
          %get3A_448 = arith.index_cast %add3A_445 : i32 to index
          %get3A_449 = arith.constant 0 : index
          %get3A_450 = tpu.vector_load %arg6[%get3A_447, %get3A_448, %get3A_449] {strides = array<i32>} : memref<4x128x32xf32, #tpu.memory_space<vmem>>, vector<16xf32>,
          %get3A_451 = arith.constant 0 : i32
          %get3A_452 = arith.index_cast %get3A_451 : i32 to index
          %get3A_453 = arith.index_cast %add3A_445 : i32 to index
          %get3A_454 = arith.constant 16 : index
          %get3A_455 = tpu.vector_load %arg6[%get3A_452, %get3A_453, %get3A_454] {strides = array<i32>} : memref<4x128x32xf32, #tpu.memory_space<vmem>>, vector<16xf32>,
          %add3A_456 = vector.broadcast %add3A_445 : i32 to vector<16xi32>
          %add3A_457 = arith.addi %mul3A_3, %add3A_456 : vector<16xi32>
          %scatter3A_458 = arith.constant 0 : i32
          %scatter3A_459 = tpu.memref_slice %arg7[%select_n3A_119, %scan3A_253, %scatter3A_458] : memref<2x8x4096xf32, #tpu.memory_space<vmem>> -> memref<1x1x4096xf32, #tpu.memory_space<vmem>>
          %scatter3A_460 = tpu.memref_squeeze %scatter3A_459 : memref<1x1x4096xf32, #tpu.memory_space<vmem>> -> memref<4096xf32, #tpu.memory_space<vmem>>
          tpu.vector_store_idx %scatter3A_460[%add3A_457], %get3A_450 : memref<4096xf32, #tpu.memory_space<vmem>>[vector<16xi32>], vector<16xf32>,
          %add3A_461 = vector.broadcast %add3A_445 : i32 to vector<16xi32>
          %add3A_462 = arith.addi %add3A_6, %add3A_461 : vector<16xi32>
          %scatter3A_463 = arith.constant 0 : i32
          %scatter3A_464 = tpu.memref_slice %arg7[%select_n3A_119, %scan3A_253, %scatter3A_463] : memref<2x8x4096xf32, #tpu.memory_space<vmem>> -> memref<1x1x4096xf32, #tpu.memory_space<vmem>>
          %scatter3A_465 = tpu.memref_squeeze %scatter3A_464 : memref<1x1x4096xf32, #tpu.memory_space<vmem>> -> memref<4096xf32, #tpu.memory_space<vmem>>
          tpu.vector_store_idx %scatter3A_465[%add3A_462], %get3A_455 : memref<4096xf32, #tpu.memory_space<vmem>>[vector<16xi32>], vector<16xf32>,
          %add3A_466 = arith.constant 5 : i32
          %add3A_467 = arith.addi %add3A_357, %add3A_466 : i32
          %get3A_468 = arith.constant 0 : i32
          %get3A_469 = arith.index_cast %get3A_468 : i32 to index
          %get3A_470 = arith.index_cast %add3A_467 : i32 to index
          %get3A_471 = arith.constant 0 : index
          %get3A_472 = tpu.vector_load %arg6[%get3A_469, %get3A_470, %get3A_471] {strides = array<i32>} : memref<4x128x32xf32, #tpu.memory_space<vmem>>, vector<16xf32>,
          %get3A_473 = arith.constant 0 : i32
          %get3A_474 = arith.index_cast %get3A_473 : i32 to index
          %get3A_475 = arith.index_cast %add3A_467 : i32 to index
          %get3A_476 = arith.constant 16 : index
          %get3A_477 = tpu.vector_load %arg6[%get3A_474, %get3A_475, %get3A_476] {strides = array<i32>} : memref<4x128x32xf32, #tpu.memory_space<vmem>>, vector<16xf32>,
          %add3A_478 = vector.broadcast %add3A_467 : i32 to vector<16xi32>
          %add3A_479 = arith.addi %mul3A_3, %add3A_478 : vector<16xi32>
          %scatter3A_480 = arith.constant 0 : i32
          %scatter3A_481 = tpu.memref_slice %arg7[%select_n3A_119, %scan3A_253, %scatter3A_480] : memref<2x8x4096xf32, #tpu.memory_space<vmem>> -> memref<1x1x4096xf32, #tpu.memory_space<vmem>>
          %scatter3A_482 = tpu.memref_squeeze %scatter3A_481 : memref<1x1x4096xf32, #tpu.memory_space<vmem>> -> memref<4096xf32, #tpu.memory_space<vmem>>
          tpu.vector_store_idx %scatter3A_482[%add3A_479], %get3A_472 : memref<4096xf32, #tpu.memory_space<vmem>>[vector<16xi32>], vector<16xf32>,
          %add3A_483 = vector.broadcast %add3A_467 : i32 to vector<16xi32>
          %add3A_484 = arith.addi %add3A_6, %add3A_483 : vector<16xi32>
          %scatter3A_485 = arith.constant 0 : i32
          %scatter3A_486 = tpu.memref_slice %arg7[%select_n3A_119, %scan3A_253, %scatter3A_485] : memref<2x8x4096xf32, #tpu.memory_space<vmem>> -> memref<1x1x4096xf32, #tpu.memory_space<vmem>>
          %scatter3A_487 = tpu.memref_squeeze %scatter3A_486 : memref<1x1x4096xf32, #tpu.memory_space<vmem>> -> memref<4096xf32, #tpu.memory_space<vmem>>
          tpu.vector_store_idx %scatter3A_487[%add3A_484], %get3A_477 : memref<4096xf32, #tpu.memory_space<vmem>>[vector<16xi32>], vector<16xf32>,
          %add3A_488 = arith.constant 6 : i32
          %add3A_489 = arith.addi %add3A_357, %add3A_488 : i32
          %get3A_490 = arith.constant 0 : i32
          %get3A_491 = arith.index_cast %get3A_490 : i32 to index
          %get3A_492 = arith.index_cast %add3A_489 : i32 to index
          %get3A_493 = arith.constant 0 : index
          %get3A_494 = tpu.vector_load %arg6[%get3A_491, %get3A_492, %get3A_493] {strides = array<i32>} : memref<4x128x32xf32, #tpu.memory_space<vmem>>, vector<16xf32>,
          %get3A_495 = arith.constant 0 : i32
          %get3A_496 = arith.index_cast %get3A_495 : i32 to index
          %get3A_497 = arith.index_cast %add3A_489 : i32 to index
          %get3A_498 = arith.constant 16 : index
          %get3A_499 = tpu.vector_load %arg6[%get3A_496, %get3A_497, %get3A_498] {strides = array<i32>} : memref<4x128x32xf32, #tpu.memory_space<vmem>>, vector<16xf32>,
          %add3A_500 = vector.broadcast %add3A_489 : i32 to vector<16xi32>
          %add3A_501 = arith.addi %mul3A_3, %add3A_500 : vector<16xi32>
          %scatter3A_502 = arith.constant 0 : i32
          %scatter3A_503 = tpu.memref_slice %arg7[%select_n3A_119, %scan3A_253, %scatter3A_502] : memref<2x8x4096xf32, #tpu.memory_space<vmem>> -> memref<1x1x4096xf32, #tpu.memory_space<vmem>>
          %scatter3A_504 = tpu.memref_squeeze %scatter3A_503 : memref<1x1x4096xf32, #tpu.memory_space<vmem>> -> memref<4096xf32, #tpu.memory_space<vmem>>
          tpu.vector_store_idx %scatter3A_504[%add3A_501], %get3A_494 : memref<4096xf32, #tpu.memory_space<vmem>>[vector<16xi32>], vector<16xf32>,
          %add3A_505 = vector.broadcast %add3A_489 : i32 to vector<16xi32>
          %add3A_506 = arith.addi %add3A_6, %add3A_505 : vector<16xi32>
          %scatter3A_507 = arith.constant 0 : i32
          %scatter3A_508 = tpu.memref_slice %arg7[%select_n3A_119, %scan3A_253, %scatter3A_507] : memref<2x8x4096xf32, #tpu.memory_space<vmem>> -> memref<1x1x4096xf32, #tpu.memory_space<vmem>>
          %scatter3A_509 = tpu.memref_squeeze %scatter3A_508 : memref<1x1x4096xf32, #tpu.memory_space<vmem>> -> memref<4096xf32, #tpu.memory_space<vmem>>
          tpu.vector_store_idx %scatter3A_509[%add3A_506], %get3A_499 : memref<4096xf32, #tpu.memory_space<vmem>>[vector<16xi32>], vector<16xf32>,
          %add3A_510 = arith.constant 7 : i32
          %add3A_511 = arith.addi %add3A_357, %add3A_510 : i32
          %get3A_512 = arith.constant 0 : i32
          %get3A_513 = arith.index_cast %get3A_512 : i32 to index
          %get3A_514 = arith.index_cast %add3A_511 : i32 to index
          %get3A_515 = arith.constant 0 : index
          %get3A_516 = tpu.vector_load %arg6[%get3A_513, %get3A_514, %get3A_515] {strides = array<i32>} : memref<4x128x32xf32, #tpu.memory_space<vmem>>, vector<16xf32>,
          %get3A_517 = arith.constant 0 : i32
          %get3A_518 = arith.index_cast %get3A_517 : i32 to index
          %get3A_519 = arith.index_cast %add3A_511 : i32 to index
          %get3A_520 = arith.constant 16 : index
          %get3A_521 = tpu.vector_load %arg6[%get3A_518, %get3A_519, %get3A_520] {strides = array<i32>} : memref<4x128x32xf32, #tpu.memory_space<vmem>>, vector<16xf32>,
          %add3A_522 = vector.broadcast %add3A_511 : i32 to vector<16xi32>
          %add3A_523 = arith.addi %mul3A_3, %add3A_522 : vector<16xi32>
          %scatter3A_524 = arith.constant 0 : i32
          %scatter3A_525 = tpu.memref_slice %arg7[%select_n3A_119, %scan3A_253, %scatter3A_524] : memref<2x8x4096xf32, #tpu.memory_space<vmem>> -> memref<1x1x4096xf32, #tpu.memory_space<vmem>>
          %scatter3A_526 = tpu.memref_squeeze %scatter3A_525 : memref<1x1x4096xf32, #tpu.memory_space<vmem>> -> memref<4096xf32, #tpu.memory_space<vmem>>
          tpu.vector_store_idx %scatter3A_526[%add3A_523], %get3A_516 : memref<4096xf32, #tpu.memory_space<vmem>>[vector<16xi32>], vector<16xf32>,
          %add3A_527 = vector.broadcast %add3A_511 : i32 to vector<16xi32>
          %add3A_528 = arith.addi %add3A_6, %add3A_527 : vector<16xi32>
          %scatter3A_529 = arith.constant 0 : i32
          %scatter3A_530 = tpu.memref_slice %arg7[%select_n3A_119, %scan3A_253, %scatter3A_529] : memref<2x8x4096xf32, #tpu.memory_space<vmem>> -> memref<1x1x4096xf32, #tpu.memory_space<vmem>>
          %scatter3A_531 = tpu.memref_squeeze %scatter3A_530 : memref<1x1x4096xf32, #tpu.memory_space<vmem>> -> memref<4096xf32, #tpu.memory_space<vmem>>
          tpu.vector_store_idx %scatter3A_531[%add3A_528], %get3A_521 : memref<4096xf32, #tpu.memory_space<vmem>>[vector<16xi32>], vector<16xf32>,
        }
        %scan3A_258 = arith.constant 16 : i32
        %add3A_259 = arith.constant 4 : i32
        %add3A_260 = arith.addi %add3A_238, %add3A_259 : i32
        %lt3A_261 = arith.constant 200 : i32
        %lt3A_262 = arith.cmpi slt, %add3A_260, %lt3A_261 : i32
        %convert_element_type3A_263 = arith.extui %lt3A_262 : i1 to i32
        %cond3A_264 = arith.constant 0 : i32
        %cond3A_265 = arith.cmpi ne, %convert_element_type3A_263, %cond3A_264 : i32
        scf.if %cond3A_265 {
          %add3A_353 = arith.constant 4 : i32
          %add3A_354 = arith.addi %add3A_238, %add3A_353 : i32
          %dma_start3A_355 = arith.constant 0 : i32
          %dma_start3A_356 = arith.constant 0 : i32
          %dma_start3A_357 = arith.constant 0 : i32
          %dma_start3A_358 = arith.constant 0 : i32
          %dma_start3A_359 = tpu.memref_slice %arg6[%dma_start3A_355, %dma_start3A_357, %dma_start3A_358] : memref<4x128x32xf32, #tpu.memory_space<vmem>> -> memref<1x128x32xf32, #tpu.memory_space<vmem>>
          %dma_start3A_360 = tpu.memref_squeeze %dma_start3A_359 : memref<1x128x32xf32, #tpu.memory_space<vmem>> -> memref<128x32xf32, #tpu.memory_space<vmem>>
          %dma_start3A_361 = arith.constant 0 : i32
          %dma_start3A_362 = tpu.memref_slice %arg5[%add3A_354, %dma_start3A_361] : memref<200x128xi32, #tpu.memory_space<vmem>> -> memref<1x128xi32, #tpu.memory_space<vmem>>
          %dma_start3A_363 = tpu.memref_squeeze %dma_start3A_362 : memref<1x128xi32, #tpu.memory_space<vmem>> -> memref<128xi32, #tpu.memory_space<vmem>>
          %dma_start3A_364 = arith.constant 0 : i32
          %dma_start3A_365 = arith.constant 0 : i32
          %dma_start3A_366 = tpu.memref_slice %arg2[%dma_start3A_364, %dma_start3A_365] : memref<100000x32xf32, #tpu.memory_space<hbm>> -> memref<100000x32xf32, #tpu.memory_space<hbm>>
          %dma_start3A_367 = tpu.memref_slice %arg8[%dma_start3A_356] : memref<4x!tpu.dma_semaphore, #tpu.memory_space<semaphore_mem>> -> memref<1x!tpu.dma_semaphore, #tpu.memory_space<semaphore_mem>>
          %dma_start3A_368 = tpu.memref_squeeze %dma_start3A_367 : memref<1x!tpu.dma_semaphore, #tpu.memory_space<semaphore_mem>> -> memref<!tpu.dma_semaphore, #tpu.memory_space<semaphore_mem>>
          tpu.enqueue_indirect_dma source(%dma_start3A_366 : memref<100000x32xf32, #tpu.memory_space<hbm>>) target(%dma_start3A_360 : memref<128x32xf32, #tpu.memory_space<vmem>>) offsets(%dma_start3A_363 : memref<128xi32, #tpu.memory_space<vmem>>) semaphore(%dma_start3A_368 : memref<!tpu.dma_semaphore, #tpu.memory_space<semaphore_mem>>)
        } else {
        }
        %add3A_266 = arith.constant 5 : i32
        %add3A_267 = arith.addi %add3A_89, %add3A_266 : i32
        %dma_wait3A_268 = arith.constant 1 : i32
        %dma_wait3A_269 = arith.constant 1 : i32
        %dma_wait3A_270 = arith.constant 0 : i32
        %dma_wait3A_271 = arith.constant 0 : i32
        %dma_wait3A_272 = tpu.memref_slice %arg6[%dma_wait3A_268, %dma_wait3A_270, %dma_wait3A_271] : memref<4x128x32xf32, #tpu.memory_space<vmem>> -> memref<1x128x32xf32, #tpu.memory_space<vmem>>
        %dma_wait3A_273 = tpu.memref_squeeze %dma_wait3A_272 : memref<1x128x32xf32, #tpu.memory_space<vmem>> -> memref<128x32xf32, #tpu.memory_space<vmem>>
        %dma_wait3A_274 = arith.constant 0 : i32
        %dma_wait3A_275 = tpu.memref_slice %arg5[%add3A_267, %dma_wait3A_274] : memref<200x128xi32, #tpu.memory_space<vmem>> -> memref<1x128xi32, #tpu.memory_space<vmem>>
        %dma_wait3A_276 = tpu.memref_squeeze %dma_wait3A_275 : memref<1x128xi32, #tpu.memory_space<vmem>> -> memref<128xi32, #tpu.memory_space<vmem>>
        %dma_wait3A_277 = arith.constant 0 : i32
        %dma_wait3A_278 = arith.constant 0 : i32
        %dma_wait3A_279 = tpu.memref_slice %arg2[%dma_wait3A_277, %dma_wait3A_278] : memref<100000x32xf32, #tpu.memory_space<hbm>> -> memref<100000x32xf32, #tpu.memory_space<hbm>>
        %dma_wait3A_280 = tpu.memref_slice %arg8[%dma_wait3A_269] : memref<4x!tpu.dma_semaphore, #tpu.memory_space<semaphore_mem>> -> memref<1x!tpu.dma_semaphore, #tpu.memory_space<semaphore_mem>>
        %dma_wait3A_281 = tpu.memref_squeeze %dma_wait3A_280 : memref<1x!tpu.dma_semaphore, #tpu.memory_space<semaphore_mem>> -> memref<!tpu.dma_semaphore, #tpu.memory_space<semaphore_mem>>
        tpu.wait_indirect_dma semaphore(%dma_wait3A_281 : memref<!tpu.dma_semaphore, #tpu.memory_space<semaphore_mem>>) src(%dma_wait3A_279 : memref<100000x32xf32, #tpu.memory_space<hbm>>) dst(%dma_wait3A_273 : memref<128x32xf32, #tpu.memory_space<vmem>>)
        %scan3A_282 = arith.constant 5 : i32
        %scan3A_283 = arith.constant 0 : i32
        %scan3A_284 = arith.constant 16 : i32
        %scan3A_285 = arith.addi %scan3A_283, %scan3A_284 : i32
        %scan3A_286 = arith.constant 1 : i32
        scf.for %scan3A_353 = %scan3A_283 to %scan3A_285 step %scan3A_286  : i32 {
          %mul3A_354 = arith.constant 8 : i32
          %mul3A_355 = arith.muli %scan3A_353, %mul3A_354 : i32
          %add3A_356 = arith.constant 0 : i32
          %add3A_357 = arith.addi %add3A_356, %mul3A_355 : i32
          %add3A_358 = arith.constant 0 : i32
          %add3A_359 = arith.addi %add3A_357, %add3A_358 : i32
          %get3A = arith.constant 1 : i32
          %get3A_360 = arith.index_cast %get3A : i32 to index
          %get3A_361 = arith.index_cast %add3A_359 : i32 to index
          %get3A_362 = arith.constant 0 : index
          %get3A_363 = tpu.vector_load %arg6[%get3A_360, %get3A_361, %get3A_362] {strides = array<i32>} : memref<4x128x32xf32, #tpu.memory_space<vmem>>, vector<16xf32>,
          %get3A_364 = arith.constant 1 : i32
          %get3A_365 = arith.index_cast %get3A_364 : i32 to index
          %get3A_366 = arith.index_cast %add3A_359 : i32 to index
          %get3A_367 = arith.constant 16 : index
          %get3A_368 = tpu.vector_load %arg6[%get3A_365, %get3A_366, %get3A_367] {strides = array<i32>} : memref<4x128x32xf32, #tpu.memory_space<vmem>>, vector<16xf32>,
          %add3A_369 = vector.broadcast %add3A_359 : i32 to vector<16xi32>
          %add3A_370 = arith.addi %mul3A_3, %add3A_369 : vector<16xi32>
          %scatter3A = arith.constant 0 : i32
          %scatter3A_371 = tpu.memref_slice %arg7[%select_n3A_119, %scan3A_282, %scatter3A] : memref<2x8x4096xf32, #tpu.memory_space<vmem>> -> memref<1x1x4096xf32, #tpu.memory_space<vmem>>
          %scatter3A_372 = tpu.memref_squeeze %scatter3A_371 : memref<1x1x4096xf32, #tpu.memory_space<vmem>> -> memref<4096xf32, #tpu.memory_space<vmem>>
          tpu.vector_store_idx %scatter3A_372[%add3A_370], %get3A_363 : memref<4096xf32, #tpu.memory_space<vmem>>[vector<16xi32>], vector<16xf32>,
          %add3A_373 = vector.broadcast %add3A_359 : i32 to vector<16xi32>
          %add3A_374 = arith.addi %add3A_6, %add3A_373 : vector<16xi32>
          %scatter3A_375 = arith.constant 0 : i32
          %scatter3A_376 = tpu.memref_slice %arg7[%select_n3A_119, %scan3A_282, %scatter3A_375] : memref<2x8x4096xf32, #tpu.memory_space<vmem>> -> memref<1x1x4096xf32, #tpu.memory_space<vmem>>
          %scatter3A_377 = tpu.memref_squeeze %scatter3A_376 : memref<1x1x4096xf32, #tpu.memory_space<vmem>> -> memref<4096xf32, #tpu.memory_space<vmem>>
          tpu.vector_store_idx %scatter3A_377[%add3A_374], %get3A_368 : memref<4096xf32, #tpu.memory_space<vmem>>[vector<16xi32>], vector<16xf32>,
          %add3A_378 = arith.constant 1 : i32
          %add3A_379 = arith.addi %add3A_357, %add3A_378 : i32
          %get3A_380 = arith.constant 1 : i32
          %get3A_381 = arith.index_cast %get3A_380 : i32 to index
          %get3A_382 = arith.index_cast %add3A_379 : i32 to index
          %get3A_383 = arith.constant 0 : index
          %get3A_384 = tpu.vector_load %arg6[%get3A_381, %get3A_382, %get3A_383] {strides = array<i32>} : memref<4x128x32xf32, #tpu.memory_space<vmem>>, vector<16xf32>,
          %get3A_385 = arith.constant 1 : i32
          %get3A_386 = arith.index_cast %get3A_385 : i32 to index
          %get3A_387 = arith.index_cast %add3A_379 : i32 to index
          %get3A_388 = arith.constant 16 : index
          %get3A_389 = tpu.vector_load %arg6[%get3A_386, %get3A_387, %get3A_388] {strides = array<i32>} : memref<4x128x32xf32, #tpu.memory_space<vmem>>, vector<16xf32>,
          %add3A_390 = vector.broadcast %add3A_379 : i32 to vector<16xi32>
          %add3A_391 = arith.addi %mul3A_3, %add3A_390 : vector<16xi32>
          %scatter3A_392 = arith.constant 0 : i32
          %scatter3A_393 = tpu.memref_slice %arg7[%select_n3A_119, %scan3A_282, %scatter3A_392] : memref<2x8x4096xf32, #tpu.memory_space<vmem>> -> memref<1x1x4096xf32, #tpu.memory_space<vmem>>
          %scatter3A_394 = tpu.memref_squeeze %scatter3A_393 : memref<1x1x4096xf32, #tpu.memory_space<vmem>> -> memref<4096xf32, #tpu.memory_space<vmem>>
          tpu.vector_store_idx %scatter3A_394[%add3A_391], %get3A_384 : memref<4096xf32, #tpu.memory_space<vmem>>[vector<16xi32>], vector<16xf32>,
          %add3A_395 = vector.broadcast %add3A_379 : i32 to vector<16xi32>
          %add3A_396 = arith.addi %add3A_6, %add3A_395 : vector<16xi32>
          %scatter3A_397 = arith.constant 0 : i32
          %scatter3A_398 = tpu.memref_slice %arg7[%select_n3A_119, %scan3A_282, %scatter3A_397] : memref<2x8x4096xf32, #tpu.memory_space<vmem>> -> memref<1x1x4096xf32, #tpu.memory_space<vmem>>
          %scatter3A_399 = tpu.memref_squeeze %scatter3A_398 : memref<1x1x4096xf32, #tpu.memory_space<vmem>> -> memref<4096xf32, #tpu.memory_space<vmem>>
          tpu.vector_store_idx %scatter3A_399[%add3A_396], %get3A_389 : memref<4096xf32, #tpu.memory_space<vmem>>[vector<16xi32>], vector<16xf32>,
          %add3A_400 = arith.constant 2 : i32
          %add3A_401 = arith.addi %add3A_357, %add3A_400 : i32
          %get3A_402 = arith.constant 1 : i32
          %get3A_403 = arith.index_cast %get3A_402 : i32 to index
          %get3A_404 = arith.index_cast %add3A_401 : i32 to index
          %get3A_405 = arith.constant 0 : index
          %get3A_406 = tpu.vector_load %arg6[%get3A_403, %get3A_404, %get3A_405] {strides = array<i32>} : memref<4x128x32xf32, #tpu.memory_space<vmem>>, vector<16xf32>,
          %get3A_407 = arith.constant 1 : i32
          %get3A_408 = arith.index_cast %get3A_407 : i32 to index
          %get3A_409 = arith.index_cast %add3A_401 : i32 to index
          %get3A_410 = arith.constant 16 : index
          %get3A_411 = tpu.vector_load %arg6[%get3A_408, %get3A_409, %get3A_410] {strides = array<i32>} : memref<4x128x32xf32, #tpu.memory_space<vmem>>, vector<16xf32>,
          %add3A_412 = vector.broadcast %add3A_401 : i32 to vector<16xi32>
          %add3A_413 = arith.addi %mul3A_3, %add3A_412 : vector<16xi32>
          %scatter3A_414 = arith.constant 0 : i32
          %scatter3A_415 = tpu.memref_slice %arg7[%select_n3A_119, %scan3A_282, %scatter3A_414] : memref<2x8x4096xf32, #tpu.memory_space<vmem>> -> memref<1x1x4096xf32, #tpu.memory_space<vmem>>
          %scatter3A_416 = tpu.memref_squeeze %scatter3A_415 : memref<1x1x4096xf32, #tpu.memory_space<vmem>> -> memref<4096xf32, #tpu.memory_space<vmem>>
          tpu.vector_store_idx %scatter3A_416[%add3A_413], %get3A_406 : memref<4096xf32, #tpu.memory_space<vmem>>[vector<16xi32>], vector<16xf32>,
          %add3A_417 = vector.broadcast %add3A_401 : i32 to vector<16xi32>
          %add3A_418 = arith.addi %add3A_6, %add3A_417 : vector<16xi32>
          %scatter3A_419 = arith.constant 0 : i32
          %scatter3A_420 = tpu.memref_slice %arg7[%select_n3A_119, %scan3A_282, %scatter3A_419] : memref<2x8x4096xf32, #tpu.memory_space<vmem>> -> memref<1x1x4096xf32, #tpu.memory_space<vmem>>
          %scatter3A_421 = tpu.memref_squeeze %scatter3A_420 : memref<1x1x4096xf32, #tpu.memory_space<vmem>> -> memref<4096xf32, #tpu.memory_space<vmem>>
          tpu.vector_store_idx %scatter3A_421[%add3A_418], %get3A_411 : memref<4096xf32, #tpu.memory_space<vmem>>[vector<16xi32>], vector<16xf32>,
          %add3A_422 = arith.constant 3 : i32
          %add3A_423 = arith.addi %add3A_357, %add3A_422 : i32
          %get3A_424 = arith.constant 1 : i32
          %get3A_425 = arith.index_cast %get3A_424 : i32 to index
          %get3A_426 = arith.index_cast %add3A_423 : i32 to index
          %get3A_427 = arith.constant 0 : index
          %get3A_428 = tpu.vector_load %arg6[%get3A_425, %get3A_426, %get3A_427] {strides = array<i32>} : memref<4x128x32xf32, #tpu.memory_space<vmem>>, vector<16xf32>,
          %get3A_429 = arith.constant 1 : i32
          %get3A_430 = arith.index_cast %get3A_429 : i32 to index
          %get3A_431 = arith.index_cast %add3A_423 : i32 to index
          %get3A_432 = arith.constant 16 : index
          %get3A_433 = tpu.vector_load %arg6[%get3A_430, %get3A_431, %get3A_432] {strides = array<i32>} : memref<4x128x32xf32, #tpu.memory_space<vmem>>, vector<16xf32>,
          %add3A_434 = vector.broadcast %add3A_423 : i32 to vector<16xi32>
          %add3A_435 = arith.addi %mul3A_3, %add3A_434 : vector<16xi32>
          %scatter3A_436 = arith.constant 0 : i32
          %scatter3A_437 = tpu.memref_slice %arg7[%select_n3A_119, %scan3A_282, %scatter3A_436] : memref<2x8x4096xf32, #tpu.memory_space<vmem>> -> memref<1x1x4096xf32, #tpu.memory_space<vmem>>
          %scatter3A_438 = tpu.memref_squeeze %scatter3A_437 : memref<1x1x4096xf32, #tpu.memory_space<vmem>> -> memref<4096xf32, #tpu.memory_space<vmem>>
          tpu.vector_store_idx %scatter3A_438[%add3A_435], %get3A_428 : memref<4096xf32, #tpu.memory_space<vmem>>[vector<16xi32>], vector<16xf32>,
          %add3A_439 = vector.broadcast %add3A_423 : i32 to vector<16xi32>
          %add3A_440 = arith.addi %add3A_6, %add3A_439 : vector<16xi32>
          %scatter3A_441 = arith.constant 0 : i32
          %scatter3A_442 = tpu.memref_slice %arg7[%select_n3A_119, %scan3A_282, %scatter3A_441] : memref<2x8x4096xf32, #tpu.memory_space<vmem>> -> memref<1x1x4096xf32, #tpu.memory_space<vmem>>
          %scatter3A_443 = tpu.memref_squeeze %scatter3A_442 : memref<1x1x4096xf32, #tpu.memory_space<vmem>> -> memref<4096xf32, #tpu.memory_space<vmem>>
          tpu.vector_store_idx %scatter3A_443[%add3A_440], %get3A_433 : memref<4096xf32, #tpu.memory_space<vmem>>[vector<16xi32>], vector<16xf32>,
          %add3A_444 = arith.constant 4 : i32
          %add3A_445 = arith.addi %add3A_357, %add3A_444 : i32
          %get3A_446 = arith.constant 1 : i32
          %get3A_447 = arith.index_cast %get3A_446 : i32 to index
          %get3A_448 = arith.index_cast %add3A_445 : i32 to index
          %get3A_449 = arith.constant 0 : index
          %get3A_450 = tpu.vector_load %arg6[%get3A_447, %get3A_448, %get3A_449] {strides = array<i32>} : memref<4x128x32xf32, #tpu.memory_space<vmem>>, vector<16xf32>,
          %get3A_451 = arith.constant 1 : i32
          %get3A_452 = arith.index_cast %get3A_451 : i32 to index
          %get3A_453 = arith.index_cast %add3A_445 : i32 to index
          %get3A_454 = arith.constant 16 : index
          %get3A_455 = tpu.vector_load %arg6[%get3A_452, %get3A_453, %get3A_454] {strides = array<i32>} : memref<4x128x32xf32, #tpu.memory_space<vmem>>, vector<16xf32>,
          %add3A_456 = vector.broadcast %add3A_445 : i32 to vector<16xi32>
          %add3A_457 = arith.addi %mul3A_3, %add3A_456 : vector<16xi32>
          %scatter3A_458 = arith.constant 0 : i32
          %scatter3A_459 = tpu.memref_slice %arg7[%select_n3A_119, %scan3A_282, %scatter3A_458] : memref<2x8x4096xf32, #tpu.memory_space<vmem>> -> memref<1x1x4096xf32, #tpu.memory_space<vmem>>
          %scatter3A_460 = tpu.memref_squeeze %scatter3A_459 : memref<1x1x4096xf32, #tpu.memory_space<vmem>> -> memref<4096xf32, #tpu.memory_space<vmem>>
          tpu.vector_store_idx %scatter3A_460[%add3A_457], %get3A_450 : memref<4096xf32, #tpu.memory_space<vmem>>[vector<16xi32>], vector<16xf32>,
          %add3A_461 = vector.broadcast %add3A_445 : i32 to vector<16xi32>
          %add3A_462 = arith.addi %add3A_6, %add3A_461 : vector<16xi32>
          %scatter3A_463 = arith.constant 0 : i32
          %scatter3A_464 = tpu.memref_slice %arg7[%select_n3A_119, %scan3A_282, %scatter3A_463] : memref<2x8x4096xf32, #tpu.memory_space<vmem>> -> memref<1x1x4096xf32, #tpu.memory_space<vmem>>
          %scatter3A_465 = tpu.memref_squeeze %scatter3A_464 : memref<1x1x4096xf32, #tpu.memory_space<vmem>> -> memref<4096xf32, #tpu.memory_space<vmem>>
          tpu.vector_store_idx %scatter3A_465[%add3A_462], %get3A_455 : memref<4096xf32, #tpu.memory_space<vmem>>[vector<16xi32>], vector<16xf32>,
          %add3A_466 = arith.constant 5 : i32
          %add3A_467 = arith.addi %add3A_357, %add3A_466 : i32
          %get3A_468 = arith.constant 1 : i32
          %get3A_469 = arith.index_cast %get3A_468 : i32 to index
          %get3A_470 = arith.index_cast %add3A_467 : i32 to index
          %get3A_471 = arith.constant 0 : index
          %get3A_472 = tpu.vector_load %arg6[%get3A_469, %get3A_470, %get3A_471] {strides = array<i32>} : memref<4x128x32xf32, #tpu.memory_space<vmem>>, vector<16xf32>,
          %get3A_473 = arith.constant 1 : i32
          %get3A_474 = arith.index_cast %get3A_473 : i32 to index
          %get3A_475 = arith.index_cast %add3A_467 : i32 to index
          %get3A_476 = arith.constant 16 : index
          %get3A_477 = tpu.vector_load %arg6[%get3A_474, %get3A_475, %get3A_476] {strides = array<i32>} : memref<4x128x32xf32, #tpu.memory_space<vmem>>, vector<16xf32>,
          %add3A_478 = vector.broadcast %add3A_467 : i32 to vector<16xi32>
          %add3A_479 = arith.addi %mul3A_3, %add3A_478 : vector<16xi32>
          %scatter3A_480 = arith.constant 0 : i32
          %scatter3A_481 = tpu.memref_slice %arg7[%select_n3A_119, %scan3A_282, %scatter3A_480] : memref<2x8x4096xf32, #tpu.memory_space<vmem>> -> memref<1x1x4096xf32, #tpu.memory_space<vmem>>
          %scatter3A_482 = tpu.memref_squeeze %scatter3A_481 : memref<1x1x4096xf32, #tpu.memory_space<vmem>> -> memref<4096xf32, #tpu.memory_space<vmem>>
          tpu.vector_store_idx %scatter3A_482[%add3A_479], %get3A_472 : memref<4096xf32, #tpu.memory_space<vmem>>[vector<16xi32>], vector<16xf32>,
          %add3A_483 = vector.broadcast %add3A_467 : i32 to vector<16xi32>
          %add3A_484 = arith.addi %add3A_6, %add3A_483 : vector<16xi32>
          %scatter3A_485 = arith.constant 0 : i32
          %scatter3A_486 = tpu.memref_slice %arg7[%select_n3A_119, %scan3A_282, %scatter3A_485] : memref<2x8x4096xf32, #tpu.memory_space<vmem>> -> memref<1x1x4096xf32, #tpu.memory_space<vmem>>
          %scatter3A_487 = tpu.memref_squeeze %scatter3A_486 : memref<1x1x4096xf32, #tpu.memory_space<vmem>> -> memref<4096xf32, #tpu.memory_space<vmem>>
          tpu.vector_store_idx %scatter3A_487[%add3A_484], %get3A_477 : memref<4096xf32, #tpu.memory_space<vmem>>[vector<16xi32>], vector<16xf32>,
          %add3A_488 = arith.constant 6 : i32
          %add3A_489 = arith.addi %add3A_357, %add3A_488 : i32
          %get3A_490 = arith.constant 1 : i32
          %get3A_491 = arith.index_cast %get3A_490 : i32 to index
          %get3A_492 = arith.index_cast %add3A_489 : i32 to index
          %get3A_493 = arith.constant 0 : index
          %get3A_494 = tpu.vector_load %arg6[%get3A_491, %get3A_492, %get3A_493] {strides = array<i32>} : memref<4x128x32xf32, #tpu.memory_space<vmem>>, vector<16xf32>,
          %get3A_495 = arith.constant 1 : i32
          %get3A_496 = arith.index_cast %get3A_495 : i32 to index
          %get3A_497 = arith.index_cast %add3A_489 : i32 to index
          %get3A_498 = arith.constant 16 : index
          %get3A_499 = tpu.vector_load %arg6[%get3A_496, %get3A_497, %get3A_498] {strides = array<i32>} : memref<4x128x32xf32, #tpu.memory_space<vmem>>, vector<16xf32>,
          %add3A_500 = vector.broadcast %add3A_489 : i32 to vector<16xi32>
          %add3A_501 = arith.addi %mul3A_3, %add3A_500 : vector<16xi32>
          %scatter3A_502 = arith.constant 0 : i32
          %scatter3A_503 = tpu.memref_slice %arg7[%select_n3A_119, %scan3A_282, %scatter3A_502] : memref<2x8x4096xf32, #tpu.memory_space<vmem>> -> memref<1x1x4096xf32, #tpu.memory_space<vmem>>
          %scatter3A_504 = tpu.memref_squeeze %scatter3A_503 : memref<1x1x4096xf32, #tpu.memory_space<vmem>> -> memref<4096xf32, #tpu.memory_space<vmem>>
          tpu.vector_store_idx %scatter3A_504[%add3A_501], %get3A_494 : memref<4096xf32, #tpu.memory_space<vmem>>[vector<16xi32>], vector<16xf32>,
          %add3A_505 = vector.broadcast %add3A_489 : i32 to vector<16xi32>
          %add3A_506 = arith.addi %add3A_6, %add3A_505 : vector<16xi32>
          %scatter3A_507 = arith.constant 0 : i32
          %scatter3A_508 = tpu.memref_slice %arg7[%select_n3A_119, %scan3A_282, %scatter3A_507] : memref<2x8x4096xf32, #tpu.memory_space<vmem>> -> memref<1x1x4096xf32, #tpu.memory_space<vmem>>
          %scatter3A_509 = tpu.memref_squeeze %scatter3A_508 : memref<1x1x4096xf32, #tpu.memory_space<vmem>> -> memref<4096xf32, #tpu.memory_space<vmem>>
          tpu.vector_store_idx %scatter3A_509[%add3A_506], %get3A_499 : memref<4096xf32, #tpu.memory_space<vmem>>[vector<16xi32>], vector<16xf32>,
          %add3A_510 = arith.constant 7 : i32
          %add3A_511 = arith.addi %add3A_357, %add3A_510 : i32
          %get3A_512 = arith.constant 1 : i32
          %get3A_513 = arith.index_cast %get3A_512 : i32 to index
          %get3A_514 = arith.index_cast %add3A_511 : i32 to index
          %get3A_515 = arith.constant 0 : index
          %get3A_516 = tpu.vector_load %arg6[%get3A_513, %get3A_514, %get3A_515] {strides = array<i32>} : memref<4x128x32xf32, #tpu.memory_space<vmem>>, vector<16xf32>,
          %get3A_517 = arith.constant 1 : i32
          %get3A_518 = arith.index_cast %get3A_517 : i32 to index
          %get3A_519 = arith.index_cast %add3A_511 : i32 to index
          %get3A_520 = arith.constant 16 : index
          %get3A_521 = tpu.vector_load %arg6[%get3A_518, %get3A_519, %get3A_520] {strides = array<i32>} : memref<4x128x32xf32, #tpu.memory_space<vmem>>, vector<16xf32>,
          %add3A_522 = vector.broadcast %add3A_511 : i32 to vector<16xi32>
          %add3A_523 = arith.addi %mul3A_3, %add3A_522 : vector<16xi32>
          %scatter3A_524 = arith.constant 0 : i32
          %scatter3A_525 = tpu.memref_slice %arg7[%select_n3A_119, %scan3A_282, %scatter3A_524] : memref<2x8x4096xf32, #tpu.memory_space<vmem>> -> memref<1x1x4096xf32, #tpu.memory_space<vmem>>
          %scatter3A_526 = tpu.memref_squeeze %scatter3A_525 : memref<1x1x4096xf32, #tpu.memory_space<vmem>> -> memref<4096xf32, #tpu.memory_space<vmem>>
          tpu.vector_store_idx %scatter3A_526[%add3A_523], %get3A_516 : memref<4096xf32, #tpu.memory_space<vmem>>[vector<16xi32>], vector<16xf32>,
          %add3A_527 = vector.broadcast %add3A_511 : i32 to vector<16xi32>
          %add3A_528 = arith.addi %add3A_6, %add3A_527 : vector<16xi32>
          %scatter3A_529 = arith.constant 0 : i32
          %scatter3A_530 = tpu.memref_slice %arg7[%select_n3A_119, %scan3A_282, %scatter3A_529] : memref<2x8x4096xf32, #tpu.memory_space<vmem>> -> memref<1x1x4096xf32, #tpu.memory_space<vmem>>
          %scatter3A_531 = tpu.memref_squeeze %scatter3A_530 : memref<1x1x4096xf32, #tpu.memory_space<vmem>> -> memref<4096xf32, #tpu.memory_space<vmem>>
          tpu.vector_store_idx %scatter3A_531[%add3A_528], %get3A_521 : memref<4096xf32, #tpu.memory_space<vmem>>[vector<16xi32>], vector<16xf32>,
        }
        %scan3A_287 = arith.constant 16 : i32
        %add3A_288 = arith.constant 4 : i32
        %add3A_289 = arith.addi %add3A_267, %add3A_288 : i32
        %lt3A_290 = arith.constant 200 : i32
        %lt3A_291 = arith.cmpi slt, %add3A_289, %lt3A_290 : i32
        %convert_element_type3A_292 = arith.extui %lt3A_291 : i1 to i32
        %cond3A_293 = arith.constant 0 : i32
        %cond3A_294 = arith.cmpi ne, %convert_element_type3A_292, %cond3A_293 : i32
        scf.if %cond3A_294 {
          %add3A_353 = arith.constant 4 : i32
          %add3A_354 = arith.addi %add3A_267, %add3A_353 : i32
          %dma_start3A_355 = arith.constant 1 : i32
          %dma_start3A_356 = arith.constant 1 : i32
          %dma_start3A_357 = arith.constant 0 : i32
          %dma_start3A_358 = arith.constant 0 : i32
          %dma_start3A_359 = tpu.memref_slice %arg6[%dma_start3A_355, %dma_start3A_357, %dma_start3A_358] : memref<4x128x32xf32, #tpu.memory_space<vmem>> -> memref<1x128x32xf32, #tpu.memory_space<vmem>>
          %dma_start3A_360 = tpu.memref_squeeze %dma_start3A_359 : memref<1x128x32xf32, #tpu.memory_space<vmem>> -> memref<128x32xf32, #tpu.memory_space<vmem>>
          %dma_start3A_361 = arith.constant 0 : i32
          %dma_start3A_362 = tpu.memref_slice %arg5[%add3A_354, %dma_start3A_361] : memref<200x128xi32, #tpu.memory_space<vmem>> -> memref<1x128xi32, #tpu.memory_space<vmem>>
          %dma_start3A_363 = tpu.memref_squeeze %dma_start3A_362 : memref<1x128xi32, #tpu.memory_space<vmem>> -> memref<128xi32, #tpu.memory_space<vmem>>
          %dma_start3A_364 = arith.constant 0 : i32
          %dma_start3A_365 = arith.constant 0 : i32
          %dma_start3A_366 = tpu.memref_slice %arg2[%dma_start3A_364, %dma_start3A_365] : memref<100000x32xf32, #tpu.memory_space<hbm>> -> memref<100000x32xf32, #tpu.memory_space<hbm>>
          %dma_start3A_367 = tpu.memref_slice %arg8[%dma_start3A_356] : memref<4x!tpu.dma_semaphore, #tpu.memory_space<semaphore_mem>> -> memref<1x!tpu.dma_semaphore, #tpu.memory_space<semaphore_mem>>
          %dma_start3A_368 = tpu.memref_squeeze %dma_start3A_367 : memref<1x!tpu.dma_semaphore, #tpu.memory_space<semaphore_mem>> -> memref<!tpu.dma_semaphore, #tpu.memory_space<semaphore_mem>>
          tpu.enqueue_indirect_dma source(%dma_start3A_366 : memref<100000x32xf32, #tpu.memory_space<hbm>>) target(%dma_start3A_360 : memref<128x32xf32, #tpu.memory_space<vmem>>) offsets(%dma_start3A_363 : memref<128xi32, #tpu.memory_space<vmem>>) semaphore(%dma_start3A_368 : memref<!tpu.dma_semaphore, #tpu.memory_space<semaphore_mem>>)
        } else {
        }
        %add3A_295 = arith.constant 6 : i32
        %add3A_296 = arith.addi %add3A_89, %add3A_295 : i32
        %dma_wait3A_297 = arith.constant 2 : i32
        %dma_wait3A_298 = arith.constant 2 : i32
        %dma_wait3A_299 = arith.constant 0 : i32
        %dma_wait3A_300 = arith.constant 0 : i32
        %dma_wait3A_301 = tpu.memref_slice %arg6[%dma_wait3A_297, %dma_wait3A_299, %dma_wait3A_300] : memref<4x128x32xf32, #tpu.memory_space<vmem>> -> memref<1x128x32xf32, #tpu.memory_space<vmem>>
        %dma_wait3A_302 = tpu.memref_squeeze %dma_wait3A_301 : memref<1x128x32xf32, #tpu.memory_space<vmem>> -> memref<128x32xf32, #tpu.memory_space<vmem>>
        %dma_wait3A_303 = arith.constant 0 : i32
        %dma_wait3A_304 = tpu.memref_slice %arg5[%add3A_296, %dma_wait3A_303] : memref<200x128xi32, #tpu.memory_space<vmem>> -> memref<1x128xi32, #tpu.memory_space<vmem>>
        %dma_wait3A_305 = tpu.memref_squeeze %dma_wait3A_304 : memref<1x128xi32, #tpu.memory_space<vmem>> -> memref<128xi32, #tpu.memory_space<vmem>>
        %dma_wait3A_306 = arith.constant 0 : i32
        %dma_wait3A_307 = arith.constant 0 : i32
        %dma_wait3A_308 = tpu.memref_slice %arg2[%dma_wait3A_306, %dma_wait3A_307] : memref<100000x32xf32, #tpu.memory_space<hbm>> -> memref<100000x32xf32, #tpu.memory_space<hbm>>
        %dma_wait3A_309 = tpu.memref_slice %arg8[%dma_wait3A_298] : memref<4x!tpu.dma_semaphore, #tpu.memory_space<semaphore_mem>> -> memref<1x!tpu.dma_semaphore, #tpu.memory_space<semaphore_mem>>
        %dma_wait3A_310 = tpu.memref_squeeze %dma_wait3A_309 : memref<1x!tpu.dma_semaphore, #tpu.memory_space<semaphore_mem>> -> memref<!tpu.dma_semaphore, #tpu.memory_space<semaphore_mem>>
        tpu.wait_indirect_dma semaphore(%dma_wait3A_310 : memref<!tpu.dma_semaphore, #tpu.memory_space<semaphore_mem>>) src(%dma_wait3A_308 : memref<100000x32xf32, #tpu.memory_space<hbm>>) dst(%dma_wait3A_302 : memref<128x32xf32, #tpu.memory_space<vmem>>)
        %scan3A_311 = arith.constant 6 : i32
        %scan3A_312 = arith.constant 0 : i32
        %scan3A_313 = arith.constant 16 : i32
        %scan3A_314 = arith.addi %scan3A_312, %scan3A_313 : i32
        %scan3A_315 = arith.constant 1 : i32
        scf.for %scan3A_353 = %scan3A_312 to %scan3A_314 step %scan3A_315  : i32 {
          %mul3A_354 = arith.constant 8 : i32
          %mul3A_355 = arith.muli %scan3A_353, %mul3A_354 : i32
          %add3A_356 = arith.constant 0 : i32
          %add3A_357 = arith.addi %add3A_356, %mul3A_355 : i32
          %add3A_358 = arith.constant 0 : i32
          %add3A_359 = arith.addi %add3A_357, %add3A_358 : i32
          %get3A = arith.constant 2 : i32
          %get3A_360 = arith.index_cast %get3A : i32 to index
          %get3A_361 = arith.index_cast %add3A_359 : i32 to index
          %get3A_362 = arith.constant 0 : index
          %get3A_363 = tpu.vector_load %arg6[%get3A_360, %get3A_361, %get3A_362] {strides = array<i32>} : memref<4x128x32xf32, #tpu.memory_space<vmem>>, vector<16xf32>,
          %get3A_364 = arith.constant 2 : i32
          %get3A_365 = arith.index_cast %get3A_364 : i32 to index
          %get3A_366 = arith.index_cast %add3A_359 : i32 to index
          %get3A_367 = arith.constant 16 : index
          %get3A_368 = tpu.vector_load %arg6[%get3A_365, %get3A_366, %get3A_367] {strides = array<i32>} : memref<4x128x32xf32, #tpu.memory_space<vmem>>, vector<16xf32>,
          %add3A_369 = vector.broadcast %add3A_359 : i32 to vector<16xi32>
          %add3A_370 = arith.addi %mul3A_3, %add3A_369 : vector<16xi32>
          %scatter3A = arith.constant 0 : i32
          %scatter3A_371 = tpu.memref_slice %arg7[%select_n3A_119, %scan3A_311, %scatter3A] : memref<2x8x4096xf32, #tpu.memory_space<vmem>> -> memref<1x1x4096xf32, #tpu.memory_space<vmem>>
          %scatter3A_372 = tpu.memref_squeeze %scatter3A_371 : memref<1x1x4096xf32, #tpu.memory_space<vmem>> -> memref<4096xf32, #tpu.memory_space<vmem>>
          tpu.vector_store_idx %scatter3A_372[%add3A_370], %get3A_363 : memref<4096xf32, #tpu.memory_space<vmem>>[vector<16xi32>], vector<16xf32>,
          %add3A_373 = vector.broadcast %add3A_359 : i32 to vector<16xi32>
          %add3A_374 = arith.addi %add3A_6, %add3A_373 : vector<16xi32>
          %scatter3A_375 = arith.constant 0 : i32
          %scatter3A_376 = tpu.memref_slice %arg7[%select_n3A_119, %scan3A_311, %scatter3A_375] : memref<2x8x4096xf32, #tpu.memory_space<vmem>> -> memref<1x1x4096xf32, #tpu.memory_space<vmem>>
          %scatter3A_377 = tpu.memref_squeeze %scatter3A_376 : memref<1x1x4096xf32, #tpu.memory_space<vmem>> -> memref<4096xf32, #tpu.memory_space<vmem>>
          tpu.vector_store_idx %scatter3A_377[%add3A_374], %get3A_368 : memref<4096xf32, #tpu.memory_space<vmem>>[vector<16xi32>], vector<16xf32>,
          %add3A_378 = arith.constant 1 : i32
          %add3A_379 = arith.addi %add3A_357, %add3A_378 : i32
          %get3A_380 = arith.constant 2 : i32
          %get3A_381 = arith.index_cast %get3A_380 : i32 to index
          %get3A_382 = arith.index_cast %add3A_379 : i32 to index
          %get3A_383 = arith.constant 0 : index
          %get3A_384 = tpu.vector_load %arg6[%get3A_381, %get3A_382, %get3A_383] {strides = array<i32>} : memref<4x128x32xf32, #tpu.memory_space<vmem>>, vector<16xf32>,
          %get3A_385 = arith.constant 2 : i32
          %get3A_386 = arith.index_cast %get3A_385 : i32 to index
          %get3A_387 = arith.index_cast %add3A_379 : i32 to index
          %get3A_388 = arith.constant 16 : index
          %get3A_389 = tpu.vector_load %arg6[%get3A_386, %get3A_387, %get3A_388] {strides = array<i32>} : memref<4x128x32xf32, #tpu.memory_space<vmem>>, vector<16xf32>,
          %add3A_390 = vector.broadcast %add3A_379 : i32 to vector<16xi32>
          %add3A_391 = arith.addi %mul3A_3, %add3A_390 : vector<16xi32>
          %scatter3A_392 = arith.constant 0 : i32
          %scatter3A_393 = tpu.memref_slice %arg7[%select_n3A_119, %scan3A_311, %scatter3A_392] : memref<2x8x4096xf32, #tpu.memory_space<vmem>> -> memref<1x1x4096xf32, #tpu.memory_space<vmem>>
          %scatter3A_394 = tpu.memref_squeeze %scatter3A_393 : memref<1x1x4096xf32, #tpu.memory_space<vmem>> -> memref<4096xf32, #tpu.memory_space<vmem>>
          tpu.vector_store_idx %scatter3A_394[%add3A_391], %get3A_384 : memref<4096xf32, #tpu.memory_space<vmem>>[vector<16xi32>], vector<16xf32>,
          %add3A_395 = vector.broadcast %add3A_379 : i32 to vector<16xi32>
          %add3A_396 = arith.addi %add3A_6, %add3A_395 : vector<16xi32>
          %scatter3A_397 = arith.constant 0 : i32
          %scatter3A_398 = tpu.memref_slice %arg7[%select_n3A_119, %scan3A_311, %scatter3A_397] : memref<2x8x4096xf32, #tpu.memory_space<vmem>> -> memref<1x1x4096xf32, #tpu.memory_space<vmem>>
          %scatter3A_399 = tpu.memref_squeeze %scatter3A_398 : memref<1x1x4096xf32, #tpu.memory_space<vmem>> -> memref<4096xf32, #tpu.memory_space<vmem>>
          tpu.vector_store_idx %scatter3A_399[%add3A_396], %get3A_389 : memref<4096xf32, #tpu.memory_space<vmem>>[vector<16xi32>], vector<16xf32>,
          %add3A_400 = arith.constant 2 : i32
          %add3A_401 = arith.addi %add3A_357, %add3A_400 : i32
          %get3A_402 = arith.constant 2 : i32
          %get3A_403 = arith.index_cast %get3A_402 : i32 to index
          %get3A_404 = arith.index_cast %add3A_401 : i32 to index
          %get3A_405 = arith.constant 0 : index
          %get3A_406 = tpu.vector_load %arg6[%get3A_403, %get3A_404, %get3A_405] {strides = array<i32>} : memref<4x128x32xf32, #tpu.memory_space<vmem>>, vector<16xf32>,
          %get3A_407 = arith.constant 2 : i32
          %get3A_408 = arith.index_cast %get3A_407 : i32 to index
          %get3A_409 = arith.index_cast %add3A_401 : i32 to index
          %get3A_410 = arith.constant 16 : index
          %get3A_411 = tpu.vector_load %arg6[%get3A_408, %get3A_409, %get3A_410] {strides = array<i32>} : memref<4x128x32xf32, #tpu.memory_space<vmem>>, vector<16xf32>,
          %add3A_412 = vector.broadcast %add3A_401 : i32 to vector<16xi32>
          %add3A_413 = arith.addi %mul3A_3, %add3A_412 : vector<16xi32>
          %scatter3A_414 = arith.constant 0 : i32
          %scatter3A_415 = tpu.memref_slice %arg7[%select_n3A_119, %scan3A_311, %scatter3A_414] : memref<2x8x4096xf32, #tpu.memory_space<vmem>> -> memref<1x1x4096xf32, #tpu.memory_space<vmem>>
          %scatter3A_416 = tpu.memref_squeeze %scatter3A_415 : memref<1x1x4096xf32, #tpu.memory_space<vmem>> -> memref<4096xf32, #tpu.memory_space<vmem>>
          tpu.vector_store_idx %scatter3A_416[%add3A_413], %get3A_406 : memref<4096xf32, #tpu.memory_space<vmem>>[vector<16xi32>], vector<16xf32>,
          %add3A_417 = vector.broadcast %add3A_401 : i32 to vector<16xi32>
          %add3A_418 = arith.addi %add3A_6, %add3A_417 : vector<16xi32>
          %scatter3A_419 = arith.constant 0 : i32
          %scatter3A_420 = tpu.memref_slice %arg7[%select_n3A_119, %scan3A_311, %scatter3A_419] : memref<2x8x4096xf32, #tpu.memory_space<vmem>> -> memref<1x1x4096xf32, #tpu.memory_space<vmem>>
          %scatter3A_421 = tpu.memref_squeeze %scatter3A_420 : memref<1x1x4096xf32, #tpu.memory_space<vmem>> -> memref<4096xf32, #tpu.memory_space<vmem>>
          tpu.vector_store_idx %scatter3A_421[%add3A_418], %get3A_411 : memref<4096xf32, #tpu.memory_space<vmem>>[vector<16xi32>], vector<16xf32>,
          %add3A_422 = arith.constant 3 : i32
          %add3A_423 = arith.addi %add3A_357, %add3A_422 : i32
          %get3A_424 = arith.constant 2 : i32
          %get3A_425 = arith.index_cast %get3A_424 : i32 to index
          %get3A_426 = arith.index_cast %add3A_423 : i32 to index
          %get3A_427 = arith.constant 0 : index
          %get3A_428 = tpu.vector_load %arg6[%get3A_425, %get3A_426, %get3A_427] {strides = array<i32>} : memref<4x128x32xf32, #tpu.memory_space<vmem>>, vector<16xf32>,
          %get3A_429 = arith.constant 2 : i32
          %get3A_430 = arith.index_cast %get3A_429 : i32 to index
          %get3A_431 = arith.index_cast %add3A_423 : i32 to index
          %get3A_432 = arith.constant 16 : index
          %get3A_433 = tpu.vector_load %arg6[%get3A_430, %get3A_431, %get3A_432] {strides = array<i32>} : memref<4x128x32xf32, #tpu.memory_space<vmem>>, vector<16xf32>,
          %add3A_434 = vector.broadcast %add3A_423 : i32 to vector<16xi32>
          %add3A_435 = arith.addi %mul3A_3, %add3A_434 : vector<16xi32>
          %scatter3A_436 = arith.constant 0 : i32
          %scatter3A_437 = tpu.memref_slice %arg7[%select_n3A_119, %scan3A_311, %scatter3A_436] : memref<2x8x4096xf32, #tpu.memory_space<vmem>> -> memref<1x1x4096xf32, #tpu.memory_space<vmem>>
          %scatter3A_438 = tpu.memref_squeeze %scatter3A_437 : memref<1x1x4096xf32, #tpu.memory_space<vmem>> -> memref<4096xf32, #tpu.memory_space<vmem>>
          tpu.vector_store_idx %scatter3A_438[%add3A_435], %get3A_428 : memref<4096xf32, #tpu.memory_space<vmem>>[vector<16xi32>], vector<16xf32>,
          %add3A_439 = vector.broadcast %add3A_423 : i32 to vector<16xi32>
          %add3A_440 = arith.addi %add3A_6, %add3A_439 : vector<16xi32>
          %scatter3A_441 = arith.constant 0 : i32
          %scatter3A_442 = tpu.memref_slice %arg7[%select_n3A_119, %scan3A_311, %scatter3A_441] : memref<2x8x4096xf32, #tpu.memory_space<vmem>> -> memref<1x1x4096xf32, #tpu.memory_space<vmem>>
          %scatter3A_443 = tpu.memref_squeeze %scatter3A_442 : memref<1x1x4096xf32, #tpu.memory_space<vmem>> -> memref<4096xf32, #tpu.memory_space<vmem>>
          tpu.vector_store_idx %scatter3A_443[%add3A_440], %get3A_433 : memref<4096xf32, #tpu.memory_space<vmem>>[vector<16xi32>], vector<16xf32>,
          %add3A_444 = arith.constant 4 : i32
          %add3A_445 = arith.addi %add3A_357, %add3A_444 : i32
          %get3A_446 = arith.constant 2 : i32
          %get3A_447 = arith.index_cast %get3A_446 : i32 to index
          %get3A_448 = arith.index_cast %add3A_445 : i32 to index
          %get3A_449 = arith.constant 0 : index
          %get3A_450 = tpu.vector_load %arg6[%get3A_447, %get3A_448, %get3A_449] {strides = array<i32>} : memref<4x128x32xf32, #tpu.memory_space<vmem>>, vector<16xf32>,
          %get3A_451 = arith.constant 2 : i32
          %get3A_452 = arith.index_cast %get3A_451 : i32 to index
          %get3A_453 = arith.index_cast %add3A_445 : i32 to index
          %get3A_454 = arith.constant 16 : index
          %get3A_455 = tpu.vector_load %arg6[%get3A_452, %get3A_453, %get3A_454] {strides = array<i32>} : memref<4x128x32xf32, #tpu.memory_space<vmem>>, vector<16xf32>,
          %add3A_456 = vector.broadcast %add3A_445 : i32 to vector<16xi32>
          %add3A_457 = arith.addi %mul3A_3, %add3A_456 : vector<16xi32>
          %scatter3A_458 = arith.constant 0 : i32
          %scatter3A_459 = tpu.memref_slice %arg7[%select_n3A_119, %scan3A_311, %scatter3A_458] : memref<2x8x4096xf32, #tpu.memory_space<vmem>> -> memref<1x1x4096xf32, #tpu.memory_space<vmem>>
          %scatter3A_460 = tpu.memref_squeeze %scatter3A_459 : memref<1x1x4096xf32, #tpu.memory_space<vmem>> -> memref<4096xf32, #tpu.memory_space<vmem>>
          tpu.vector_store_idx %scatter3A_460[%add3A_457], %get3A_450 : memref<4096xf32, #tpu.memory_space<vmem>>[vector<16xi32>], vector<16xf32>,
          %add3A_461 = vector.broadcast %add3A_445 : i32 to vector<16xi32>
          %add3A_462 = arith.addi %add3A_6, %add3A_461 : vector<16xi32>
          %scatter3A_463 = arith.constant 0 : i32
          %scatter3A_464 = tpu.memref_slice %arg7[%select_n3A_119, %scan3A_311, %scatter3A_463] : memref<2x8x4096xf32, #tpu.memory_space<vmem>> -> memref<1x1x4096xf32, #tpu.memory_space<vmem>>
          %scatter3A_465 = tpu.memref_squeeze %scatter3A_464 : memref<1x1x4096xf32, #tpu.memory_space<vmem>> -> memref<4096xf32, #tpu.memory_space<vmem>>
          tpu.vector_store_idx %scatter3A_465[%add3A_462], %get3A_455 : memref<4096xf32, #tpu.memory_space<vmem>>[vector<16xi32>], vector<16xf32>,
          %add3A_466 = arith.constant 5 : i32
          %add3A_467 = arith.addi %add3A_357, %add3A_466 : i32
          %get3A_468 = arith.constant 2 : i32
          %get3A_469 = arith.index_cast %get3A_468 : i32 to index
          %get3A_470 = arith.index_cast %add3A_467 : i32 to index
          %get3A_471 = arith.constant 0 : index
          %get3A_472 = tpu.vector_load %arg6[%get3A_469, %get3A_470, %get3A_471] {strides = array<i32>} : memref<4x128x32xf32, #tpu.memory_space<vmem>>, vector<16xf32>,
          %get3A_473 = arith.constant 2 : i32
          %get3A_474 = arith.index_cast %get3A_473 : i32 to index
          %get3A_475 = arith.index_cast %add3A_467 : i32 to index
          %get3A_476 = arith.constant 16 : index
          %get3A_477 = tpu.vector_load %arg6[%get3A_474, %get3A_475, %get3A_476] {strides = array<i32>} : memref<4x128x32xf32, #tpu.memory_space<vmem>>, vector<16xf32>,
          %add3A_478 = vector.broadcast %add3A_467 : i32 to vector<16xi32>
          %add3A_479 = arith.addi %mul3A_3, %add3A_478 : vector<16xi32>
          %scatter3A_480 = arith.constant 0 : i32
          %scatter3A_481 = tpu.memref_slice %arg7[%select_n3A_119, %scan3A_311, %scatter3A_480] : memref<2x8x4096xf32, #tpu.memory_space<vmem>> -> memref<1x1x4096xf32, #tpu.memory_space<vmem>>
          %scatter3A_482 = tpu.memref_squeeze %scatter3A_481 : memref<1x1x4096xf32, #tpu.memory_space<vmem>> -> memref<4096xf32, #tpu.memory_space<vmem>>
          tpu.vector_store_idx %scatter3A_482[%add3A_479], %get3A_472 : memref<4096xf32, #tpu.memory_space<vmem>>[vector<16xi32>], vector<16xf32>,
          %add3A_483 = vector.broadcast %add3A_467 : i32 to vector<16xi32>
          %add3A_484 = arith.addi %add3A_6, %add3A_483 : vector<16xi32>
          %scatter3A_485 = arith.constant 0 : i32
          %scatter3A_486 = tpu.memref_slice %arg7[%select_n3A_119, %scan3A_311, %scatter3A_485] : memref<2x8x4096xf32, #tpu.memory_space<vmem>> -> memref<1x1x4096xf32, #tpu.memory_space<vmem>>
          %scatter3A_487 = tpu.memref_squeeze %scatter3A_486 : memref<1x1x4096xf32, #tpu.memory_space<vmem>> -> memref<4096xf32, #tpu.memory_space<vmem>>
          tpu.vector_store_idx %scatter3A_487[%add3A_484], %get3A_477 : memref<4096xf32, #tpu.memory_space<vmem>>[vector<16xi32>], vector<16xf32>,
          %add3A_488 = arith.constant 6 : i32
          %add3A_489 = arith.addi %add3A_357, %add3A_488 : i32
          %get3A_490 = arith.constant 2 : i32
          %get3A_491 = arith.index_cast %get3A_490 : i32 to index
          %get3A_492 = arith.index_cast %add3A_489 : i32 to index
          %get3A_493 = arith.constant 0 : index
          %get3A_494 = tpu.vector_load %arg6[%get3A_491, %get3A_492, %get3A_493] {strides = array<i32>} : memref<4x128x32xf32, #tpu.memory_space<vmem>>, vector<16xf32>,
          %get3A_495 = arith.constant 2 : i32
          %get3A_496 = arith.index_cast %get3A_495 : i32 to index
          %get3A_497 = arith.index_cast %add3A_489 : i32 to index
          %get3A_498 = arith.constant 16 : index
          %get3A_499 = tpu.vector_load %arg6[%get3A_496, %get3A_497, %get3A_498] {strides = array<i32>} : memref<4x128x32xf32, #tpu.memory_space<vmem>>, vector<16xf32>,
          %add3A_500 = vector.broadcast %add3A_489 : i32 to vector<16xi32>
          %add3A_501 = arith.addi %mul3A_3, %add3A_500 : vector<16xi32>
          %scatter3A_502 = arith.constant 0 : i32
          %scatter3A_503 = tpu.memref_slice %arg7[%select_n3A_119, %scan3A_311, %scatter3A_502] : memref<2x8x4096xf32, #tpu.memory_space<vmem>> -> memref<1x1x4096xf32, #tpu.memory_space<vmem>>
          %scatter3A_504 = tpu.memref_squeeze %scatter3A_503 : memref<1x1x4096xf32, #tpu.memory_space<vmem>> -> memref<4096xf32, #tpu.memory_space<vmem>>
          tpu.vector_store_idx %scatter3A_504[%add3A_501], %get3A_494 : memref<4096xf32, #tpu.memory_space<vmem>>[vector<16xi32>], vector<16xf32>,
          %add3A_505 = vector.broadcast %add3A_489 : i32 to vector<16xi32>
          %add3A_506 = arith.addi %add3A_6, %add3A_505 : vector<16xi32>
          %scatter3A_507 = arith.constant 0 : i32
          %scatter3A_508 = tpu.memref_slice %arg7[%select_n3A_119, %scan3A_311, %scatter3A_507] : memref<2x8x4096xf32, #tpu.memory_space<vmem>> -> memref<1x1x4096xf32, #tpu.memory_space<vmem>>
          %scatter3A_509 = tpu.memref_squeeze %scatter3A_508 : memref<1x1x4096xf32, #tpu.memory_space<vmem>> -> memref<4096xf32, #tpu.memory_space<vmem>>
          tpu.vector_store_idx %scatter3A_509[%add3A_506], %get3A_499 : memref<4096xf32, #tpu.memory_space<vmem>>[vector<16xi32>], vector<16xf32>,
          %add3A_510 = arith.constant 7 : i32
          %add3A_511 = arith.addi %add3A_357, %add3A_510 : i32
          %get3A_512 = arith.constant 2 : i32
          %get3A_513 = arith.index_cast %get3A_512 : i32 to index
          %get3A_514 = arith.index_cast %add3A_511 : i32 to index
          %get3A_515 = arith.constant 0 : index
          %get3A_516 = tpu.vector_load %arg6[%get3A_513, %get3A_514, %get3A_515] {strides = array<i32>} : memref<4x128x32xf32, #tpu.memory_space<vmem>>, vector<16xf32>,
          %get3A_517 = arith.constant 2 : i32
          %get3A_518 = arith.index_cast %get3A_517 : i32 to index
          %get3A_519 = arith.index_cast %add3A_511 : i32 to index
          %get3A_520 = arith.constant 16 : index
          %get3A_521 = tpu.vector_load %arg6[%get3A_518, %get3A_519, %get3A_520] {strides = array<i32>} : memref<4x128x32xf32, #tpu.memory_space<vmem>>, vector<16xf32>,
          %add3A_522 = vector.broadcast %add3A_511 : i32 to vector<16xi32>
          %add3A_523 = arith.addi %mul3A_3, %add3A_522 : vector<16xi32>
          %scatter3A_524 = arith.constant 0 : i32
          %scatter3A_525 = tpu.memref_slice %arg7[%select_n3A_119, %scan3A_311, %scatter3A_524] : memref<2x8x4096xf32, #tpu.memory_space<vmem>> -> memref<1x1x4096xf32, #tpu.memory_space<vmem>>
          %scatter3A_526 = tpu.memref_squeeze %scatter3A_525 : memref<1x1x4096xf32, #tpu.memory_space<vmem>> -> memref<4096xf32, #tpu.memory_space<vmem>>
          tpu.vector_store_idx %scatter3A_526[%add3A_523], %get3A_516 : memref<4096xf32, #tpu.memory_space<vmem>>[vector<16xi32>], vector<16xf32>,
          %add3A_527 = vector.broadcast %add3A_511 : i32 to vector<16xi32>
          %add3A_528 = arith.addi %add3A_6, %add3A_527 : vector<16xi32>
          %scatter3A_529 = arith.constant 0 : i32
          %scatter3A_530 = tpu.memref_slice %arg7[%select_n3A_119, %scan3A_311, %scatter3A_529] : memref<2x8x4096xf32, #tpu.memory_space<vmem>> -> memref<1x1x4096xf32, #tpu.memory_space<vmem>>
          %scatter3A_531 = tpu.memref_squeeze %scatter3A_530 : memref<1x1x4096xf32, #tpu.memory_space<vmem>> -> memref<4096xf32, #tpu.memory_space<vmem>>
          tpu.vector_store_idx %scatter3A_531[%add3A_528], %get3A_521 : memref<4096xf32, #tpu.memory_space<vmem>>[vector<16xi32>], vector<16xf32>,
        }
        %scan3A_316 = arith.constant 16 : i32
        %add3A_317 = arith.constant 4 : i32
        %add3A_318 = arith.addi %add3A_296, %add3A_317 : i32
        %lt3A_319 = arith.constant 200 : i32
        %lt3A_320 = arith.cmpi slt, %add3A_318, %lt3A_319 : i32
        %convert_element_type3A_321 = arith.extui %lt3A_320 : i1 to i32
        %cond3A_322 = arith.constant 0 : i32
        %cond3A_323 = arith.cmpi ne, %convert_element_type3A_321, %cond3A_322 : i32
        scf.if %cond3A_323 {
          %add3A_353 = arith.constant 4 : i32
          %add3A_354 = arith.addi %add3A_296, %add3A_353 : i32
          %dma_start3A_355 = arith.constant 2 : i32
          %dma_start3A_356 = arith.constant 2 : i32
          %dma_start3A_357 = arith.constant 0 : i32
          %dma_start3A_358 = arith.constant 0 : i32
          %dma_start3A_359 = tpu.memref_slice %arg6[%dma_start3A_355, %dma_start3A_357, %dma_start3A_358] : memref<4x128x32xf32, #tpu.memory_space<vmem>> -> memref<1x128x32xf32, #tpu.memory_space<vmem>>
          %dma_start3A_360 = tpu.memref_squeeze %dma_start3A_359 : memref<1x128x32xf32, #tpu.memory_space<vmem>> -> memref<128x32xf32, #tpu.memory_space<vmem>>
          %dma_start3A_361 = arith.constant 0 : i32
          %dma_start3A_362 = tpu.memref_slice %arg5[%add3A_354, %dma_start3A_361] : memref<200x128xi32, #tpu.memory_space<vmem>> -> memref<1x128xi32, #tpu.memory_space<vmem>>
          %dma_start3A_363 = tpu.memref_squeeze %dma_start3A_362 : memref<1x128xi32, #tpu.memory_space<vmem>> -> memref<128xi32, #tpu.memory_space<vmem>>
          %dma_start3A_364 = arith.constant 0 : i32
          %dma_start3A_365 = arith.constant 0 : i32
          %dma_start3A_366 = tpu.memref_slice %arg2[%dma_start3A_364, %dma_start3A_365] : memref<100000x32xf32, #tpu.memory_space<hbm>> -> memref<100000x32xf32, #tpu.memory_space<hbm>>
          %dma_start3A_367 = tpu.memref_slice %arg8[%dma_start3A_356] : memref<4x!tpu.dma_semaphore, #tpu.memory_space<semaphore_mem>> -> memref<1x!tpu.dma_semaphore, #tpu.memory_space<semaphore_mem>>
          %dma_start3A_368 = tpu.memref_squeeze %dma_start3A_367 : memref<1x!tpu.dma_semaphore, #tpu.memory_space<semaphore_mem>> -> memref<!tpu.dma_semaphore, #tpu.memory_space<semaphore_mem>>
          tpu.enqueue_indirect_dma source(%dma_start3A_366 : memref<100000x32xf32, #tpu.memory_space<hbm>>) target(%dma_start3A_360 : memref<128x32xf32, #tpu.memory_space<vmem>>) offsets(%dma_start3A_363 : memref<128xi32, #tpu.memory_space<vmem>>) semaphore(%dma_start3A_368 : memref<!tpu.dma_semaphore, #tpu.memory_space<semaphore_mem>>)
        } else {
        }
        %add3A_324 = arith.constant 7 : i32
        %add3A_325 = arith.addi %add3A_89, %add3A_324 : i32
        %dma_wait3A_326 = arith.constant 3 : i32
        %dma_wait3A_327 = arith.constant 3 : i32
        %dma_wait3A_328 = arith.constant 0 : i32
        %dma_wait3A_329 = arith.constant 0 : i32
        %dma_wait3A_330 = tpu.memref_slice %arg6[%dma_wait3A_326, %dma_wait3A_328, %dma_wait3A_329] : memref<4x128x32xf32, #tpu.memory_space<vmem>> -> memref<1x128x32xf32, #tpu.memory_space<vmem>>
        %dma_wait3A_331 = tpu.memref_squeeze %dma_wait3A_330 : memref<1x128x32xf32, #tpu.memory_space<vmem>> -> memref<128x32xf32, #tpu.memory_space<vmem>>
        %dma_wait3A_332 = arith.constant 0 : i32
        %dma_wait3A_333 = tpu.memref_slice %arg5[%add3A_325, %dma_wait3A_332] : memref<200x128xi32, #tpu.memory_space<vmem>> -> memref<1x128xi32, #tpu.memory_space<vmem>>
        %dma_wait3A_334 = tpu.memref_squeeze %dma_wait3A_333 : memref<1x128xi32, #tpu.memory_space<vmem>> -> memref<128xi32, #tpu.memory_space<vmem>>
        %dma_wait3A_335 = arith.constant 0 : i32
        %dma_wait3A_336 = arith.constant 0 : i32
        %dma_wait3A_337 = tpu.memref_slice %arg2[%dma_wait3A_335, %dma_wait3A_336] : memref<100000x32xf32, #tpu.memory_space<hbm>> -> memref<100000x32xf32, #tpu.memory_space<hbm>>
        %dma_wait3A_338 = tpu.memref_slice %arg8[%dma_wait3A_327] : memref<4x!tpu.dma_semaphore, #tpu.memory_space<semaphore_mem>> -> memref<1x!tpu.dma_semaphore, #tpu.memory_space<semaphore_mem>>
        %dma_wait3A_339 = tpu.memref_squeeze %dma_wait3A_338 : memref<1x!tpu.dma_semaphore, #tpu.memory_space<semaphore_mem>> -> memref<!tpu.dma_semaphore, #tpu.memory_space<semaphore_mem>>
        tpu.wait_indirect_dma semaphore(%dma_wait3A_339 : memref<!tpu.dma_semaphore, #tpu.memory_space<semaphore_mem>>) src(%dma_wait3A_337 : memref<100000x32xf32, #tpu.memory_space<hbm>>) dst(%dma_wait3A_331 : memref<128x32xf32, #tpu.memory_space<vmem>>)
        %scan3A_340 = arith.constant 7 : i32
        %scan3A_341 = arith.constant 0 : i32
        %scan3A_342 = arith.constant 16 : i32
        %scan3A_343 = arith.addi %scan3A_341, %scan3A_342 : i32
        %scan3A_344 = arith.constant 1 : i32
        scf.for %scan3A_353 = %scan3A_341 to %scan3A_343 step %scan3A_344  : i32 {
          %mul3A_354 = arith.constant 8 : i32
          %mul3A_355 = arith.muli %scan3A_353, %mul3A_354 : i32
          %add3A_356 = arith.constant 0 : i32
          %add3A_357 = arith.addi %add3A_356, %mul3A_355 : i32
          %add3A_358 = arith.constant 0 : i32
          %add3A_359 = arith.addi %add3A_357, %add3A_358 : i32
          %get3A = arith.constant 3 : i32
          %get3A_360 = arith.index_cast %get3A : i32 to index
          %get3A_361 = arith.index_cast %add3A_359 : i32 to index
          %get3A_362 = arith.constant 0 : index
          %get3A_363 = tpu.vector_load %arg6[%get3A_360, %get3A_361, %get3A_362] {strides = array<i32>} : memref<4x128x32xf32, #tpu.memory_space<vmem>>, vector<16xf32>,
          %get3A_364 = arith.constant 3 : i32
          %get3A_365 = arith.index_cast %get3A_364 : i32 to index
          %get3A_366 = arith.index_cast %add3A_359 : i32 to index
          %get3A_367 = arith.constant 16 : index
          %get3A_368 = tpu.vector_load %arg6[%get3A_365, %get3A_366, %get3A_367] {strides = array<i32>} : memref<4x128x32xf32, #tpu.memory_space<vmem>>, vector<16xf32>,
          %add3A_369 = vector.broadcast %add3A_359 : i32 to vector<16xi32>
          %add3A_370 = arith.addi %mul3A_3, %add3A_369 : vector<16xi32>
          %scatter3A = arith.constant 0 : i32
          %scatter3A_371 = tpu.memref_slice %arg7[%select_n3A_119, %scan3A_340, %scatter3A] : memref<2x8x4096xf32, #tpu.memory_space<vmem>> -> memref<1x1x4096xf32, #tpu.memory_space<vmem>>
          %scatter3A_372 = tpu.memref_squeeze %scatter3A_371 : memref<1x1x4096xf32, #tpu.memory_space<vmem>> -> memref<4096xf32, #tpu.memory_space<vmem>>
          tpu.vector_store_idx %scatter3A_372[%add3A_370], %get3A_363 : memref<4096xf32, #tpu.memory_space<vmem>>[vector<16xi32>], vector<16xf32>,
          %add3A_373 = vector.broadcast %add3A_359 : i32 to vector<16xi32>
          %add3A_374 = arith.addi %add3A_6, %add3A_373 : vector<16xi32>
          %scatter3A_375 = arith.constant 0 : i32
          %scatter3A_376 = tpu.memref_slice %arg7[%select_n3A_119, %scan3A_340, %scatter3A_375] : memref<2x8x4096xf32, #tpu.memory_space<vmem>> -> memref<1x1x4096xf32, #tpu.memory_space<vmem>>
          %scatter3A_377 = tpu.memref_squeeze %scatter3A_376 : memref<1x1x4096xf32, #tpu.memory_space<vmem>> -> memref<4096xf32, #tpu.memory_space<vmem>>
          tpu.vector_store_idx %scatter3A_377[%add3A_374], %get3A_368 : memref<4096xf32, #tpu.memory_space<vmem>>[vector<16xi32>], vector<16xf32>,
          %add3A_378 = arith.constant 1 : i32
          %add3A_379 = arith.addi %add3A_357, %add3A_378 : i32
          %get3A_380 = arith.constant 3 : i32
          %get3A_381 = arith.index_cast %get3A_380 : i32 to index
          %get3A_382 = arith.index_cast %add3A_379 : i32 to index
          %get3A_383 = arith.constant 0 : index
          %get3A_384 = tpu.vector_load %arg6[%get3A_381, %get3A_382, %get3A_383] {strides = array<i32>} : memref<4x128x32xf32, #tpu.memory_space<vmem>>, vector<16xf32>,
          %get3A_385 = arith.constant 3 : i32
          %get3A_386 = arith.index_cast %get3A_385 : i32 to index
          %get3A_387 = arith.index_cast %add3A_379 : i32 to index
          %get3A_388 = arith.constant 16 : index
          %get3A_389 = tpu.vector_load %arg6[%get3A_386, %get3A_387, %get3A_388] {strides = array<i32>} : memref<4x128x32xf32, #tpu.memory_space<vmem>>, vector<16xf32>,
          %add3A_390 = vector.broadcast %add3A_379 : i32 to vector<16xi32>
          %add3A_391 = arith.addi %mul3A_3, %add3A_390 : vector<16xi32>
          %scatter3A_392 = arith.constant 0 : i32
          %scatter3A_393 = tpu.memref_slice %arg7[%select_n3A_119, %scan3A_340, %scatter3A_392] : memref<2x8x4096xf32, #tpu.memory_space<vmem>> -> memref<1x1x4096xf32, #tpu.memory_space<vmem>>
          %scatter3A_394 = tpu.memref_squeeze %scatter3A_393 : memref<1x1x4096xf32, #tpu.memory_space<vmem>> -> memref<4096xf32, #tpu.memory_space<vmem>>
          tpu.vector_store_idx %scatter3A_394[%add3A_391], %get3A_384 : memref<4096xf32, #tpu.memory_space<vmem>>[vector<16xi32>], vector<16xf32>,
          %add3A_395 = vector.broadcast %add3A_379 : i32 to vector<16xi32>
          %add3A_396 = arith.addi %add3A_6, %add3A_395 : vector<16xi32>
          %scatter3A_397 = arith.constant 0 : i32
          %scatter3A_398 = tpu.memref_slice %arg7[%select_n3A_119, %scan3A_340, %scatter3A_397] : memref<2x8x4096xf32, #tpu.memory_space<vmem>> -> memref<1x1x4096xf32, #tpu.memory_space<vmem>>
          %scatter3A_399 = tpu.memref_squeeze %scatter3A_398 : memref<1x1x4096xf32, #tpu.memory_space<vmem>> -> memref<4096xf32, #tpu.memory_space<vmem>>
          tpu.vector_store_idx %scatter3A_399[%add3A_396], %get3A_389 : memref<4096xf32, #tpu.memory_space<vmem>>[vector<16xi32>], vector<16xf32>,
          %add3A_400 = arith.constant 2 : i32
          %add3A_401 = arith.addi %add3A_357, %add3A_400 : i32
          %get3A_402 = arith.constant 3 : i32
          %get3A_403 = arith.index_cast %get3A_402 : i32 to index
          %get3A_404 = arith.index_cast %add3A_401 : i32 to index
          %get3A_405 = arith.constant 0 : index
          %get3A_406 = tpu.vector_load %arg6[%get3A_403, %get3A_404, %get3A_405] {strides = array<i32>} : memref<4x128x32xf32, #tpu.memory_space<vmem>>, vector<16xf32>,
          %get3A_407 = arith.constant 3 : i32
          %get3A_408 = arith.index_cast %get3A_407 : i32 to index
          %get3A_409 = arith.index_cast %add3A_401 : i32 to index
          %get3A_410 = arith.constant 16 : index
          %get3A_411 = tpu.vector_load %arg6[%get3A_408, %get3A_409, %get3A_410] {strides = array<i32>} : memref<4x128x32xf32, #tpu.memory_space<vmem>>, vector<16xf32>,
          %add3A_412 = vector.broadcast %add3A_401 : i32 to vector<16xi32>
          %add3A_413 = arith.addi %mul3A_3, %add3A_412 : vector<16xi32>
          %scatter3A_414 = arith.constant 0 : i32
          %scatter3A_415 = tpu.memref_slice %arg7[%select_n3A_119, %scan3A_340, %scatter3A_414] : memref<2x8x4096xf32, #tpu.memory_space<vmem>> -> memref<1x1x4096xf32, #tpu.memory_space<vmem>>
          %scatter3A_416 = tpu.memref_squeeze %scatter3A_415 : memref<1x1x4096xf32, #tpu.memory_space<vmem>> -> memref<4096xf32, #tpu.memory_space<vmem>>
          tpu.vector_store_idx %scatter3A_416[%add3A_413], %get3A_406 : memref<4096xf32, #tpu.memory_space<vmem>>[vector<16xi32>], vector<16xf32>,
          %add3A_417 = vector.broadcast %add3A_401 : i32 to vector<16xi32>
          %add3A_418 = arith.addi %add3A_6, %add3A_417 : vector<16xi32>
          %scatter3A_419 = arith.constant 0 : i32
          %scatter3A_420 = tpu.memref_slice %arg7[%select_n3A_119, %scan3A_340, %scatter3A_419] : memref<2x8x4096xf32, #tpu.memory_space<vmem>> -> memref<1x1x4096xf32, #tpu.memory_space<vmem>>
          %scatter3A_421 = tpu.memref_squeeze %scatter3A_420 : memref<1x1x4096xf32, #tpu.memory_space<vmem>> -> memref<4096xf32, #tpu.memory_space<vmem>>
          tpu.vector_store_idx %scatter3A_421[%add3A_418], %get3A_411 : memref<4096xf32, #tpu.memory_space<vmem>>[vector<16xi32>], vector<16xf32>,
          %add3A_422 = arith.constant 3 : i32
          %add3A_423 = arith.addi %add3A_357, %add3A_422 : i32
          %get3A_424 = arith.constant 3 : i32
          %get3A_425 = arith.index_cast %get3A_424 : i32 to index
          %get3A_426 = arith.index_cast %add3A_423 : i32 to index
          %get3A_427 = arith.constant 0 : index
          %get3A_428 = tpu.vector_load %arg6[%get3A_425, %get3A_426, %get3A_427] {strides = array<i32>} : memref<4x128x32xf32, #tpu.memory_space<vmem>>, vector<16xf32>,
          %get3A_429 = arith.constant 3 : i32
          %get3A_430 = arith.index_cast %get3A_429 : i32 to index
          %get3A_431 = arith.index_cast %add3A_423 : i32 to index
          %get3A_432 = arith.constant 16 : index
          %get3A_433 = tpu.vector_load %arg6[%get3A_430, %get3A_431, %get3A_432] {strides = array<i32>} : memref<4x128x32xf32, #tpu.memory_space<vmem>>, vector<16xf32>,
          %add3A_434 = vector.broadcast %add3A_423 : i32 to vector<16xi32>
          %add3A_435 = arith.addi %mul3A_3, %add3A_434 : vector<16xi32>
          %scatter3A_436 = arith.constant 0 : i32
          %scatter3A_437 = tpu.memref_slice %arg7[%select_n3A_119, %scan3A_340, %scatter3A_436] : memref<2x8x4096xf32, #tpu.memory_space<vmem>> -> memref<1x1x4096xf32, #tpu.memory_space<vmem>>
          %scatter3A_438 = tpu.memref_squeeze %scatter3A_437 : memref<1x1x4096xf32, #tpu.memory_space<vmem>> -> memref<4096xf32, #tpu.memory_space<vmem>>
          tpu.vector_store_idx %scatter3A_438[%add3A_435], %get3A_428 : memref<4096xf32, #tpu.memory_space<vmem>>[vector<16xi32>], vector<16xf32>,
          %add3A_439 = vector.broadcast %add3A_423 : i32 to vector<16xi32>
          %add3A_440 = arith.addi %add3A_6, %add3A_439 : vector<16xi32>
          %scatter3A_441 = arith.constant 0 : i32
          %scatter3A_442 = tpu.memref_slice %arg7[%select_n3A_119, %scan3A_340, %scatter3A_441] : memref<2x8x4096xf32, #tpu.memory_space<vmem>> -> memref<1x1x4096xf32, #tpu.memory_space<vmem>>
          %scatter3A_443 = tpu.memref_squeeze %scatter3A_442 : memref<1x1x4096xf32, #tpu.memory_space<vmem>> -> memref<4096xf32, #tpu.memory_space<vmem>>
          tpu.vector_store_idx %scatter3A_443[%add3A_440], %get3A_433 : memref<4096xf32, #tpu.memory_space<vmem>>[vector<16xi32>], vector<16xf32>,
          %add3A_444 = arith.constant 4 : i32
          %add3A_445 = arith.addi %add3A_357, %add3A_444 : i32
          %get3A_446 = arith.constant 3 : i32
          %get3A_447 = arith.index_cast %get3A_446 : i32 to index
          %get3A_448 = arith.index_cast %add3A_445 : i32 to index
          %get3A_449 = arith.constant 0 : index
          %get3A_450 = tpu.vector_load %arg6[%get3A_447, %get3A_448, %get3A_449] {strides = array<i32>} : memref<4x128x32xf32, #tpu.memory_space<vmem>>, vector<16xf32>,
          %get3A_451 = arith.constant 3 : i32
          %get3A_452 = arith.index_cast %get3A_451 : i32 to index
          %get3A_453 = arith.index_cast %add3A_445 : i32 to index
          %get3A_454 = arith.constant 16 : index
          %get3A_455 = tpu.vector_load %arg6[%get3A_452, %get3A_453, %get3A_454] {strides = array<i32>} : memref<4x128x32xf32, #tpu.memory_space<vmem>>, vector<16xf32>,
          %add3A_456 = vector.broadcast %add3A_445 : i32 to vector<16xi32>
          %add3A_457 = arith.addi %mul3A_3, %add3A_456 : vector<16xi32>
          %scatter3A_458 = arith.constant 0 : i32
          %scatter3A_459 = tpu.memref_slice %arg7[%select_n3A_119, %scan3A_340, %scatter3A_458] : memref<2x8x4096xf32, #tpu.memory_space<vmem>> -> memref<1x1x4096xf32, #tpu.memory_space<vmem>>
          %scatter3A_460 = tpu.memref_squeeze %scatter3A_459 : memref<1x1x4096xf32, #tpu.memory_space<vmem>> -> memref<4096xf32, #tpu.memory_space<vmem>>
          tpu.vector_store_idx %scatter3A_460[%add3A_457], %get3A_450 : memref<4096xf32, #tpu.memory_space<vmem>>[vector<16xi32>], vector<16xf32>,
          %add3A_461 = vector.broadcast %add3A_445 : i32 to vector<16xi32>
          %add3A_462 = arith.addi %add3A_6, %add3A_461 : vector<16xi32>
          %scatter3A_463 = arith.constant 0 : i32
          %scatter3A_464 = tpu.memref_slice %arg7[%select_n3A_119, %scan3A_340, %scatter3A_463] : memref<2x8x4096xf32, #tpu.memory_space<vmem>> -> memref<1x1x4096xf32, #tpu.memory_space<vmem>>
          %scatter3A_465 = tpu.memref_squeeze %scatter3A_464 : memref<1x1x4096xf32, #tpu.memory_space<vmem>> -> memref<4096xf32, #tpu.memory_space<vmem>>
          tpu.vector_store_idx %scatter3A_465[%add3A_462], %get3A_455 : memref<4096xf32, #tpu.memory_space<vmem>>[vector<16xi32>], vector<16xf32>,
          %add3A_466 = arith.constant 5 : i32
          %add3A_467 = arith.addi %add3A_357, %add3A_466 : i32
          %get3A_468 = arith.constant 3 : i32
          %get3A_469 = arith.index_cast %get3A_468 : i32 to index
          %get3A_470 = arith.index_cast %add3A_467 : i32 to index
          %get3A_471 = arith.constant 0 : index
          %get3A_472 = tpu.vector_load %arg6[%get3A_469, %get3A_470, %get3A_471] {strides = array<i32>} : memref<4x128x32xf32, #tpu.memory_space<vmem>>, vector<16xf32>,
          %get3A_473 = arith.constant 3 : i32
          %get3A_474 = arith.index_cast %get3A_473 : i32 to index
          %get3A_475 = arith.index_cast %add3A_467 : i32 to index
          %get3A_476 = arith.constant 16 : index
          %get3A_477 = tpu.vector_load %arg6[%get3A_474, %get3A_475, %get3A_476] {strides = array<i32>} : memref<4x128x32xf32, #tpu.memory_space<vmem>>, vector<16xf32>,
          %add3A_478 = vector.broadcast %add3A_467 : i32 to vector<16xi32>
          %add3A_479 = arith.addi %mul3A_3, %add3A_478 : vector<16xi32>
          %scatter3A_480 = arith.constant 0 : i32
          %scatter3A_481 = tpu.memref_slice %arg7[%select_n3A_119, %scan3A_340, %scatter3A_480] : memref<2x8x4096xf32, #tpu.memory_space<vmem>> -> memref<1x1x4096xf32, #tpu.memory_space<vmem>>
          %scatter3A_482 = tpu.memref_squeeze %scatter3A_481 : memref<1x1x4096xf32, #tpu.memory_space<vmem>> -> memref<4096xf32, #tpu.memory_space<vmem>>
          tpu.vector_store_idx %scatter3A_482[%add3A_479], %get3A_472 : memref<4096xf32, #tpu.memory_space<vmem>>[vector<16xi32>], vector<16xf32>,
          %add3A_483 = vector.broadcast %add3A_467 : i32 to vector<16xi32>
          %add3A_484 = arith.addi %add3A_6, %add3A_483 : vector<16xi32>
          %scatter3A_485 = arith.constant 0 : i32
          %scatter3A_486 = tpu.memref_slice %arg7[%select_n3A_119, %scan3A_340, %scatter3A_485] : memref<2x8x4096xf32, #tpu.memory_space<vmem>> -> memref<1x1x4096xf32, #tpu.memory_space<vmem>>
          %scatter3A_487 = tpu.memref_squeeze %scatter3A_486 : memref<1x1x4096xf32, #tpu.memory_space<vmem>> -> memref<4096xf32, #tpu.memory_space<vmem>>
          tpu.vector_store_idx %scatter3A_487[%add3A_484], %get3A_477 : memref<4096xf32, #tpu.memory_space<vmem>>[vector<16xi32>], vector<16xf32>,
          %add3A_488 = arith.constant 6 : i32
          %add3A_489 = arith.addi %add3A_357, %add3A_488 : i32
          %get3A_490 = arith.constant 3 : i32
          %get3A_491 = arith.index_cast %get3A_490 : i32 to index
          %get3A_492 = arith.index_cast %add3A_489 : i32 to index
          %get3A_493 = arith.constant 0 : index
          %get3A_494 = tpu.vector_load %arg6[%get3A_491, %get3A_492, %get3A_493] {strides = array<i32>} : memref<4x128x32xf32, #tpu.memory_space<vmem>>, vector<16xf32>,
          %get3A_495 = arith.constant 3 : i32
          %get3A_496 = arith.index_cast %get3A_495 : i32 to index
          %get3A_497 = arith.index_cast %add3A_489 : i32 to index
          %get3A_498 = arith.constant 16 : index
          %get3A_499 = tpu.vector_load %arg6[%get3A_496, %get3A_497, %get3A_498] {strides = array<i32>} : memref<4x128x32xf32, #tpu.memory_space<vmem>>, vector<16xf32>,
          %add3A_500 = vector.broadcast %add3A_489 : i32 to vector<16xi32>
          %add3A_501 = arith.addi %mul3A_3, %add3A_500 : vector<16xi32>
          %scatter3A_502 = arith.constant 0 : i32
          %scatter3A_503 = tpu.memref_slice %arg7[%select_n3A_119, %scan3A_340, %scatter3A_502] : memref<2x8x4096xf32, #tpu.memory_space<vmem>> -> memref<1x1x4096xf32, #tpu.memory_space<vmem>>
          %scatter3A_504 = tpu.memref_squeeze %scatter3A_503 : memref<1x1x4096xf32, #tpu.memory_space<vmem>> -> memref<4096xf32, #tpu.memory_space<vmem>>
          tpu.vector_store_idx %scatter3A_504[%add3A_501], %get3A_494 : memref<4096xf32, #tpu.memory_space<vmem>>[vector<16xi32>], vector<16xf32>,
          %add3A_505 = vector.broadcast %add3A_489 : i32 to vector<16xi32>
          %add3A_506 = arith.addi %add3A_6, %add3A_505 : vector<16xi32>
          %scatter3A_507 = arith.constant 0 : i32
          %scatter3A_508 = tpu.memref_slice %arg7[%select_n3A_119, %scan3A_340, %scatter3A_507] : memref<2x8x4096xf32, #tpu.memory_space<vmem>> -> memref<1x1x4096xf32, #tpu.memory_space<vmem>>
          %scatter3A_509 = tpu.memref_squeeze %scatter3A_508 : memref<1x1x4096xf32, #tpu.memory_space<vmem>> -> memref<4096xf32, #tpu.memory_space<vmem>>
          tpu.vector_store_idx %scatter3A_509[%add3A_506], %get3A_499 : memref<4096xf32, #tpu.memory_space<vmem>>[vector<16xi32>], vector<16xf32>,
          %add3A_510 = arith.constant 7 : i32
          %add3A_511 = arith.addi %add3A_357, %add3A_510 : i32
          %get3A_512 = arith.constant 3 : i32
          %get3A_513 = arith.index_cast %get3A_512 : i32 to index
          %get3A_514 = arith.index_cast %add3A_511 : i32 to index
          %get3A_515 = arith.constant 0 : index
          %get3A_516 = tpu.vector_load %arg6[%get3A_513, %get3A_514, %get3A_515] {strides = array<i32>} : memref<4x128x32xf32, #tpu.memory_space<vmem>>, vector<16xf32>,
          %get3A_517 = arith.constant 3 : i32
          %get3A_518 = arith.index_cast %get3A_517 : i32 to index
          %get3A_519 = arith.index_cast %add3A_511 : i32 to index
          %get3A_520 = arith.constant 16 : index
          %get3A_521 = tpu.vector_load %arg6[%get3A_518, %get3A_519, %get3A_520] {strides = array<i32>} : memref<4x128x32xf32, #tpu.memory_space<vmem>>, vector<16xf32>,
          %add3A_522 = vector.broadcast %add3A_511 : i32 to vector<16xi32>
          %add3A_523 = arith.addi %mul3A_3, %add3A_522 : vector<16xi32>
          %scatter3A_524 = arith.constant 0 : i32
          %scatter3A_525 = tpu.memref_slice %arg7[%select_n3A_119, %scan3A_340, %scatter3A_524] : memref<2x8x4096xf32, #tpu.memory_space<vmem>> -> memref<1x1x4096xf32, #tpu.memory_space<vmem>>
          %scatter3A_526 = tpu.memref_squeeze %scatter3A_525 : memref<1x1x4096xf32, #tpu.memory_space<vmem>> -> memref<4096xf32, #tpu.memory_space<vmem>>
          tpu.vector_store_idx %scatter3A_526[%add3A_523], %get3A_516 : memref<4096xf32, #tpu.memory_space<vmem>>[vector<16xi32>], vector<16xf32>,
          %add3A_527 = vector.broadcast %add3A_511 : i32 to vector<16xi32>
          %add3A_528 = arith.addi %add3A_6, %add3A_527 : vector<16xi32>
          %scatter3A_529 = arith.constant 0 : i32
          %scatter3A_530 = tpu.memref_slice %arg7[%select_n3A_119, %scan3A_340, %scatter3A_529] : memref<2x8x4096xf32, #tpu.memory_space<vmem>> -> memref<1x1x4096xf32, #tpu.memory_space<vmem>>
          %scatter3A_531 = tpu.memref_squeeze %scatter3A_530 : memref<1x1x4096xf32, #tpu.memory_space<vmem>> -> memref<4096xf32, #tpu.memory_space<vmem>>
          tpu.vector_store_idx %scatter3A_531[%add3A_528], %get3A_521 : memref<4096xf32, #tpu.memory_space<vmem>>[vector<16xi32>], vector<16xf32>,
        }
        %scan3A_345 = arith.constant 16 : i32
        %add3A_346 = arith.constant 4 : i32
        %add3A_347 = arith.addi %add3A_325, %add3A_346 : i32
        %lt3A_348 = arith.constant 200 : i32
        %lt3A_349 = arith.cmpi slt, %add3A_347, %lt3A_348 : i32
        %convert_element_type3A_350 = arith.extui %lt3A_349 : i1 to i32
        %cond3A_351 = arith.constant 0 : i32
        %cond3A_352 = arith.cmpi ne, %convert_element_type3A_350, %cond3A_351 : i32
        scf.if %cond3A_352 {
          %add3A_353 = arith.constant 4 : i32
          %add3A_354 = arith.addi %add3A_325, %add3A_353 : i32
          %dma_start3A_355 = arith.constant 3 : i32
          %dma_start3A_356 = arith.constant 3 : i32
          %dma_start3A_357 = arith.constant 0 : i32
          %dma_start3A_358 = arith.constant 0 : i32
          %dma_start3A_359 = tpu.memref_slice %arg6[%dma_start3A_355, %dma_start3A_357, %dma_start3A_358] : memref<4x128x32xf32, #tpu.memory_space<vmem>> -> memref<1x128x32xf32, #tpu.memory_space<vmem>>
          %dma_start3A_360 = tpu.memref_squeeze %dma_start3A_359 : memref<1x128x32xf32, #tpu.memory_space<vmem>> -> memref<128x32xf32, #tpu.memory_space<vmem>>
          %dma_start3A_361 = arith.constant 0 : i32
          %dma_start3A_362 = tpu.memref_slice %arg5[%add3A_354, %dma_start3A_361] : memref<200x128xi32, #tpu.memory_space<vmem>> -> memref<1x128xi32, #tpu.memory_space<vmem>>
          %dma_start3A_363 = tpu.memref_squeeze %dma_start3A_362 : memref<1x128xi32, #tpu.memory_space<vmem>> -> memref<128xi32, #tpu.memory_space<vmem>>
          %dma_start3A_364 = arith.constant 0 : i32
          %dma_start3A_365 = arith.constant 0 : i32
          %dma_start3A_366 = tpu.memref_slice %arg2[%dma_start3A_364, %dma_start3A_365] : memref<100000x32xf32, #tpu.memory_space<hbm>> -> memref<100000x32xf32, #tpu.memory_space<hbm>>
          %dma_start3A_367 = tpu.memref_slice %arg8[%dma_start3A_356] : memref<4x!tpu.dma_semaphore, #tpu.memory_space<semaphore_mem>> -> memref<1x!tpu.dma_semaphore, #tpu.memory_space<semaphore_mem>>
          %dma_start3A_368 = tpu.memref_squeeze %dma_start3A_367 : memref<1x!tpu.dma_semaphore, #tpu.memory_space<semaphore_mem>> -> memref<!tpu.dma_semaphore, #tpu.memory_space<semaphore_mem>>
          tpu.enqueue_indirect_dma source(%dma_start3A_366 : memref<100000x32xf32, #tpu.memory_space<hbm>>) target(%dma_start3A_360 : memref<128x32xf32, #tpu.memory_space<vmem>>) offsets(%dma_start3A_363 : memref<128xi32, #tpu.memory_space<vmem>>) semaphore(%dma_start3A_368 : memref<!tpu.dma_semaphore, #tpu.memory_space<semaphore_mem>>)
        } else {
        }
      }
      %scan3A_84 = arith.constant 25 : i32
    }
    %scan3A_10 = arith.constant 4 : i32
    return
  }
}

module attributes {stable_mosaic.version = 14 : i64} {
  func.func @_sin_body(%arg0: i32, %arg1: memref<1000x128xf32, #tpu.memory_space<vmem>>, %arg2: memref<1000x128xf32, #tpu.memory_space<vmem>>) attributes {dimension_semantics = [#tpu.dimension_semantics<arbitrary>], iteration_bounds = array<i64: 25>, scalar_prefetch = 0 : i64, scratch_operands = 0 : i64, tpu.core_type = #tpu.core_type<tc>, window_params = [{transform_indices = @transform_0, window_bounds = array<i64: 1000, 128>}, {transform_indices = @transform_1, window_bounds = array<i64: 1000, 128>}]} {
    %get3A = arith.constant 0 : index
    %get3A_0 = arith.constant 0 : index
    %get3A_1 = vector.load %arg1[%get3A, %get3A_0] : memref<1000x128xf32, #tpu.memory_space<vmem>>, vector<1000x128xf32>
    %iota3A = tpu.iota {dimensions = array<i32: 1>} : vector<1000x128xi32>
    %jit3A = arith.constant 32 : i32
    %eq3A = arith.constant 0 : i32
    %eq3A_2 = arith.cmpi eq, %jit3A, %eq3A : i32
    %jit3A_3 = arith.constant 1 : i32
    %select_n3A = arith.select %eq3A_2, %jit3A_3, %jit3A : i32
    %rem3A = vector.broadcast %select_n3A : i32 to vector<1000x128xi32>
    %rem3A_4 = arith.remsi %iota3A, %rem3A : vector<1000x128xi32>
    %ne3A = arith.constant 0 : i32
    %ne3A_5 = vector.broadcast %ne3A : i32 to vector<1000x128xi32>
    %ne3A_6 = arith.cmpi ne, %rem3A_4, %ne3A_5 : vector<1000x128xi32>
    %lt3A = arith.constant 0 : i32
    %lt3A_7 = vector.broadcast %lt3A : i32 to vector<1000x128xi32>
    %lt3A_8 = arith.cmpi slt, %rem3A_4, %lt3A_7 : vector<1000x128xi32>
    %lt3A_9 = arith.constant 0 : i32
    %lt3A_10 = arith.cmpi slt, %select_n3A, %lt3A_9 : i32
    %ne3A_11 = vector.broadcast %lt3A_10 : i1 to vector<1000x128xi1>
    %ne3A_12 = vector.broadcast %ne3A_11 : vector<1000x128xi1> to vector<1000x128xi1>
    %ne3A_13 = arith.xori %lt3A_8, %ne3A_12 : vector<1000x128xi1>
    %and3A = arith.andi %ne3A_13, %ne3A_6 : vector<1000x128xi1>
    %add3A = vector.broadcast %select_n3A : i32 to vector<1000x128xi32>
    %add3A_14 = arith.addi %rem3A_4, %add3A : vector<1000x128xi32>
    %select_n3A_15 = arith.select %and3A, %add3A_14, %rem3A_4 : vector<1000x128xi1>, vector<1000x128xi32>
    %eq3A_16 = arith.constant 0 : i32
    %eq3A_17 = vector.broadcast %eq3A_16 : i32 to vector<1000x128xi32>
    %eq3A_18 = arith.cmpi eq, %select_n3A_15, %eq3A_17 : vector<1000x128xi32>
    %sin3A = math.sin %get3A_1 : vector<1000x128xf32>
    %select_n3A_19 = arith.select %eq3A_18, %get3A_1, %sin3A : vector<1000x128xi1>, vector<1000x128xf32>
    %swap3A = arith.constant 0 : index
    %swap3A_20 = arith.constant 0 : index
    %swap3A_21 = vector.load %arg2[%swap3A, %swap3A_20] : memref<1000x128xf32, #tpu.memory_space<vmem>>, vector<1000x128xf32>
    tpu.vector_store %arg2[%swap3A, %swap3A_20], %select_n3A_19 {strides = array<i32>} : memref<1000x128xf32, #tpu.memory_space<vmem>>, vector<1000x128xf32>,
    return
  }
  func.func @transform_0(%arg0: i32) -> (i32, i32) {
    %c0_i32 = arith.constant 0 : i32
    %c0_i32_0 = arith.constant 0 : i32
    return %arg0, %c0_i32 : i32, i32
  }
  func.func @transform_1(%arg0: i32) -> (i32, i32) {
    %c0_i32 = arith.constant 0 : i32
    %c0_i32_0 = arith.constant 0 : i32
    return %arg0, %c0_i32 : i32, i32
  }
}

</mosaic_0001>

<sc_bundles>
// kernel: kernel.4.cloned.1.call-start
scs
__scs_entry_jumppad:
0x0: {  	(pc) =	sbr.rel $0x88, $3  }
0x1: {  	(tag) =	ssettag $0x0;
	lr =	simm.s32 $0x1  }
0x2: {  	[smem:$0x3F9F] =	sst lr;
	_ =	strace $0xD0000000  }
0x3: {  	_ = 	snop  }
0x4: {  	_ = 	snop  }
0x5: {  	_ = 	snop  }
0x6: {  	_ = 	snop  }
0x7: {  	_ = 	snop  }
__scs_overlays_trampoline_lowered:
0x8: {  	[smem:$0x3FAE] =	sst s0  }
0x9: {  	[smem:$0x3FAF] =	sst s1  }
0xa: {  	[smem:$0x3FB0] =	sst s2  }
0xb: {  	[smem:$0x3FB1] =	sst s3  }
0xc: {  	[smem:$0x3FB2] =	sst s4  }
0xd: {  	[smem:$0x3FB3] =	sst s5  }
0xe: {  	[smem:$0x3FB4] =	sst s6  }
0xf: {  	[smem:$0x3FB5] =	sst s7  }
0x10: {  	[smem:$0x3FB6] =	sst s8  }
0x11: {  	[smem:$0x3FB7] =	sst s9;
	s0 =	simm.s32 @!p0 $0x0  }
0x12: {  	s1 =	sld [smem:$0x3F9D];
	s0 =	simm.s32 @p0 $0x1  }
0x13: {  	[smem:$0x3FB8] =	sst s0;
	s0 =	simm.s32 @!p1 $0x0  }
0x14: {  	s2 =	sld [smem:$0x3F9C];
	s0 =	simm.s32 @p1 $0x1  }
0x15: {  	[smem:$0x3FB9] =	sst s0;
	s0 =	simm.s32 @!p2 $0x0  }
0x16: {  	s3 =	sld [smem:$0x3FDB];
	s0 =	simm.s32 @p2 $0x1  }
0x17: {  	s4 =	simm.s32 $0x1BF5;
	[smem:$0x3FBB] =	sst s0  }
0x18: {  	s0 =	sld [smem:$0x3F9E];
	_ =	swait.ge [sflag:s4], $0x0  }
0x19: {  	s7 =	sld [smem:$0x3F9F]  }
0x1a: {  	s8 =	sadd.s32 $0xFFFFE003, lr  }
0x1b: {  	s9 =	sadd.s32 $0xFFFFFEF7, lr;
	s5 =	simm.s32 $0xFFFFFFFF;
	p2 =	slt.u32 s8, $0xFFFFF086  }
0x1c: {  	p1 =	slt.u32 s9, $0xF7A;
	s5 =	simm.s32 @!p2 $0x0  }
0x1d: {  	s5 =	simm.s32 @p1 $0x1;
	p0 =	seq.s32 s7, s2  }
0x1e: {  	s7 =	smul.u32 @!p0 $0xF7A, s2;
	p2 =	seq.s32 @!p0 s5, $0x0  }
0x1f: {  	s9 =	smul.u32 $0xF7A, s1;
	s8 =	simm.s32 @!p0 $0x1BF5;
	p2 =	por !p2, p0  }
0x20: {  	[sflag:s8] =	ssyncset.s32 @!p0 $0xFFFFF086;
	s6 =	sadd.s32 @!p0 s3, s7;
	s7 =	simm.s32 @!p0 $0x108  }
0x21: {  	s3 =	sadd.s32 s3, s9;
	s6 =	sadd.s32 @!p0 $0x88, s6;
	s7 =	simm.s32 @p2 $0x1082  }
0x22: {  	[simem:s7], [sflag:s8] =	dma.local @!p0 [hbm:s6], $0xF7A  }
0x23: {  	s9 =	sor.u32 $0xD0000000, s2;
	s6 =	simm.s32 $0x108;
	_ =	swait.ge @!p0 [sflag:s8], $0x0  }
0x24: {  	s3 =	sadd.s32 $0x88, s3;
	s6 =	simm.s32 @!p1 $0x1082;
	[sflag:s4] =	ssyncset.s32 $0xFFFFF086  }
0x25: {  	[simem:s6], [sflag:s4] =	dma.local [hbm:s3], $0xF7A  }
0x26: {  	[smem:$0x3F9F] =	sst s1;
	(tag) =	ssettag s2;
	_ =	strace s9  }
0x27: {  	s1 =	sld [smem:$0x3FAF]  }
0x28: {  	s2 =	sld [smem:$0x3FB0]  }
0x29: {  	s4 =	sld [smem:$0x3FB2]  }
0x2a: {  	p0 =	seq.s32 s5, $0x0;
	s5 =	sld [smem:$0x3FB3]  }
0x2b: {  	s6 =	sld [smem:$0x3FB4]  }
0x2c: {  	s7 =	sld [smem:$0x3FB5]  }
0x2d: {  	s3 =	simm.s32 $0x108;
	s8 =	sld [smem:$0x3FB6]  }
0x2e: {  	s3 =	simm.s32 @!p0 $0x1082;
	s9 =	sld [smem:$0x3FB7]  }
0x2f: {  	lr =	sadd.s32 s0, s3;
	s0 =	sld [smem:$0x3FAE]  }
0x30: {  	s3 =	sld [smem:$0x3FB1]  }
0x31: {  	[smem:$0x3FBA] =	sst s10  }
0x32: {  	s10 =	sld [smem:$0x3FB8];
	_ =	sdelay $0x3  }
0x33: {  	p0 =	seq.s32 s10, $0x1;
	s10 =	sld [smem:$0x3FBA];
	_ =	sdelay $0x3  }
0x34: {  	[smem:$0x3FBA] =	sst s10  }
0x35: {  	s10 =	sld [smem:$0x3FB9];
	_ =	sdelay $0x3  }
0x36: {  	p1 =	seq.s32 s10, $0x1;
	s10 =	sld [smem:$0x3FBA];
	_ =	sdelay $0x3  }
0x37: {  	[smem:$0x3FBA] =	sst s10  }
0x38: {  	s10 =	sld [smem:$0x3FBB]  }
0x39: {  	_ = 	snop;
	(pc) =	sbr.ind lr, $3  }
0x3a: {  	_ = 	snop  }
0x3b: {  	_ = 	snop  }
0x3c: {  	p2 =	seq.s32 s10, $0x1;
	s10 =	sld [smem:$0x3FBA]  }
0x3d: {  	_ =	shalt  }
0x3e: {  	_ =	shalt  }
0x3f: {  	_ =	shalt  }
0x40: {  	_ =	shalt  }
0x41: {  	_ =	shalt  }
0x42: {  	_ =	shalt  }
0x43: {  	_ =	shalt  }
0x44: {  	_ =	shalt  }
0x45: {  	_ =	shalt  }
0x46: {  	_ =	shalt  }
0x47: {  	_ =	shalt  }
0x48: {  	_ =	shalt  }
0x49: {  	_ =	shalt  }
0x4a: {  	_ =	shalt  }
0x4b: {  	_ =	shalt  }
0x4c: {  	_ =	shalt  }
0x4d: {  	_ =	shalt  }
0x4e: {  	_ =	shalt  }
0x4f: {  	_ =	shalt  }
0x50: {  	_ =	shalt  }
0x51: {  	_ =	shalt  }
0x52: {  	_ =	shalt  }
0x53: {  	_ =	shalt  }
0x54: {  	_ =	shalt  }
0x55: {  	_ =	shalt  }
0x56: {  	_ =	shalt  }
0x57: {  	_ =	shalt  }
0x58: {  	_ =	shalt  }
0x59: {  	_ =	shalt  }
0x5a: {  	_ =	shalt  }
0x5b: {  	_ =	shalt  }
0x5c: {  	_ =	shalt  }
0x5d: {  	_ =	shalt  }
0x5e: {  	_ =	shalt  }
0x5f: {  	_ =	shalt  }
0x60: {  	_ =	shalt  }
0x61: {  	_ =	shalt  }
0x62: {  	_ =	shalt  }
0x63: {  	_ =	shalt  }
0x64: {  	_ =	shalt  }
0x65: {  	_ =	shalt  }
0x66: {  	_ =	shalt  }
0x67: {  	_ =	shalt  }
0x68: {  	_ =	shalt  }
0x69: {  	_ =	shalt  }
0x6a: {  	_ =	shalt  }
0x6b: {  	_ =	shalt  }
0x6c: {  	_ =	shalt  }
0x6d: {  	_ =	shalt  }
0x6e: {  	_ =	shalt  }
0x6f: {  	_ =	shalt  }
0x70: {  	_ =	shalt  }
0x71: {  	_ =	shalt  }
0x72: {  	_ =	shalt  }
0x73: {  	_ =	shalt  }
0x74: {  	_ =	shalt  }
0x75: {  	_ =	shalt  }
0x76: {  	_ =	shalt  }
0x77: {  	_ =	shalt  }
0x78: {  	_ =	shalt  }
0x79: {  	_ =	shalt  }
0x7a: {  	_ =	shalt  }
0x7b: {  	_ =	shalt  }
0x7c: {  	_ =	shalt  }
0x7d: {  	_ =	shalt  }
0x7e: {  	_ =	shalt  }
0x7f: {  	_ =	shalt  }
0x80: {  	_ =	shalt  }
0x81: {  	_ =	shalt  }
0x82: {  	_ =	shalt  }
0x83: {  	_ =	shalt  }
0x84: {  	_ =	shalt  }
0x85: {  	_ =	shalt  }
0x86: {  	_ =	shalt  }
0x87: {  	_ =	shalt  }
.Lfunc_end0:
.L_simem_size_0:
called_computation_lowered:
.L_overlay_start_0:
0x88: {  	s2 =	sld [smem:$0x3FD9]  }
0x89: {  	s3 =	sld [smem:$0x3FFE];
	_ =	sdelay $0x1  }
0x8a: {  	s1 =	srdreg.scid  }
0x8b: {  	s0 =	sand.u32 $0x1, s1  }
0x8c: {  	s16 =	sshll.u32 s0, $0xA;
	s2 =	sadd.s32 s3, s2  }
0x8d: {  	s2 =	sadd.s32 s2, s16  }
0x8e: {  	[smem:$0x3FC6] =	sst s2  }
0x8f: {  	_ = 	snop  }
0x90: {  	(tm) =	ssettm $0x1  }
0x91: {  	s17 =	sld [smem:$0x3FFB];
	_ =	sdelay $0x3  }
0x92: {  	_ =	strace s17  }
0x93: {  	s2 =	sld [smem:$0x3FFC];
	_ =	sdelay $0x3  }
0x94: {  	_ =	strace s2  }
0x95: {  	s2 =	sld [smem:$0x3FFD];
	_ =	sdelay $0x3  }
0x96: {  	_ =	strace s2  }
0x97: {  	_ =	strace $0x8FFFFFFF  }
0x98: {  	s18 =	sld [smem:$0x3FDB];
	_ =	sdelay $0x1  }
0x99: {  	s19 =	simm.s32 $_scs_section_size  }
0x9a: {  	s4 =	simm.s32 $_size__tile_overlayer_lowered;
	s5 =	simm.s32 $_tile_overlayer_lowered  }
0x9b: {  	s22 =	simm.s32 $0x1BFF;
	s21 =	sshll.u32 s5, $0x1;
	s2 =	sadd.s32 s19, s18  }
0x9c: {  	s6 =	simm.s32 $0x0;
	s20 =	sshll.u32 s4, $0x1;
	s4 =	sadd.s32 s21, s2  }
0x9d: {  	[timem:s6], [sflag:s22] =	dma.local [hbm:s4], s20  }
0x9e: {  	_ =	swait.ge [sflag:s22], s20  }
0x9f: {  	s3 =	ssub.s32 $0x0, s20;
	[sflag:s22] =	ssyncset.done $0x0  }
0xa0: {  	[sflag:s22] =	ssyncadd.s32 s3;
	_ =	sdelay $0x1  }
0xa1: {  	s23 =	simm.s32 $0x1B8B  }
0xa2: {  	_ =	swait.ge [sflag:s23], $0x1  }
0xa3: {  	[sflag:s23] =	ssyncset.done $0x0  }
0xa4: {  	s25 =	simm.s32 $0x1B8E;
	s24 =	sld [smem:$0x3FFE];
	[sflag:s23] =	ssyncadd.s32 $0xFFFFFFFF  }
0xa5: {  	s26 =	simm.s32 $execute0_lowered;
	[smem:$0x3FD2] =	sst s25  }
0xa6: {  	s4 =	sshll.u32 s26, $0x1;
	_ =	strace $0x80000046;
	[dreg:$0x1] =	wrdreg $0xFFFFFFFF  }
0xa7: {  	s28 =	simm.s32 $_size_execute0_lowered;
	s2 =	sadd.s32 s2, s4;
	[dreg:$0x0] =	wrdreg $0x0  }
0xa8: {  	s4 =	sshll.u32 s28, $0x1;
	[dreg:$0x2] =	wrdreg s2  }
0xa9: {  	[dreg:$0x3] =	wrdreg s4  }
0xaa: {  	[dreg:$0x4] =	wrdreg $0xC0  }
0xab: {  	_ =	task [dreg:s6], $0x5FFFF  }
0xac: {  	[dreg:$0x1] =	wrdreg $0xFFFFFFFF  }
0xad: {  	[dreg:$0x0] =	wrdreg $0x60  }
0xae: {  	[dreg:$0x2] =	wrdreg s24  }
0xaf: {  	[dreg:$0x3] =	wrdreg $0x9  }
0xb0: {  	_ =	task.clear_ibuf [dreg:s6], $0x4FFFF;
	_ =	strace $0x90000046  }
0xb1: {  	s29 =	simm.s32 $0x9;
	_ =	strace $0x80000048  }
0xb2: {  	_ =	swait.ge [sflag:s29], $0x1  }
0xb3: {  	[sflag:s29] =	ssyncadd.s32 $0xFFFFFFFF  }
0xb4: {  	_ =	strace $0x90000048  }
0xb5: {  	_ =	sfence  }
0xb6: {  	s30 =	sld [smem:$0x0];
	_ =	sdelay $0x2  }
0xb7: {  	s31 =	sshll.u32 s1, $0xD;
	s1 =	sshrl.u32 s1, $0x2  }
0xb8: {  	s3 =	sand.u32 $0x4000, s31;
	s1 =	sadd.s32 s1, s30  }
0xb9: {  	s0 =	sor.u32 s3, s0;
	s1 =	sshll.u32 s1, $0x11  }
0xba: {  	s0 =	sor.u32 s1, s0  }
0xbb: {  	s0 =	sadd.s32 $0x8F2B, s0  }
0xbc: {  	[sflag:s0] =	ssyncadd.remote.s32 $0x1  }
0xbd: {  	_ =	sfence.sel $0xFFFF  }
0xbe: {  	[dreg:$0x0] =	wrdreg $0xFFFFFFFF;
	(pc) =	sbr.abs _section_cstart, $3  }
0xbf: {  	[dreg:$0x1] =	wrdreg $0xFFFFFFFF  }
0xc0: {  	_ =	task.clear_ibuf [dreg:s6], $0x2FFFF;
	_ =	strace $0x9FFFFFFF  }
0xc1: {  	(tm) =	ssettm $0x7FFFFFFF  }
tec
execute0_lowered:
.L_overlay_start_1:
0x0: {  	(tag) =	ssettag $0x1  }
0x1: {  	s2 =	rddreg [dreg:$0x0]  }
0x2: {  	s0 =	rddreg [dreg:$0x1];
	s1 =	simm.s32 $0x0;
	s3 =	srdreg.scid  }
0x3: {  	s8 =	simm.s32 $0x4000;
	s9 =	simm.s32 $0x5;
	s10 =	simm.s32 $0x6400  }
0x4: {  	s11 =	simm.s32 $0x7400;
	s12 =	simm.s32 $0x100;
	s13 =	simm.s32 $0x8400  }
0x5: {  	s14 =	simm.s32 $0x180;
	s15 =	simm.s32 $0x9400;
	s16 =	simm.s32 $0x1  }
0x6: {  	s17 =	simm.s32 $0x2;
	s18 =	simm.s32 $0x3;
	s19 =	simm.s32 $0x4  }
.Ltmp0:
0x7: {  	[smem:$0x7FF] =	sst s1;
	s5 =	sand.u32 $0x1, s3;
	(pc) =	sbr.rel .LBB2_1-.Ltmp0, $4  }
0x8: {  	v0 =	vlaneseq.u32;
	s3 =	sadd.s32 $0x64800, s2;
	s4 =	sadd.s32 $0x800, s2;
	s6 =	ssub.s32 $0x2, s5  }
0x9: {  	s2 =	stileid.u32;
	v0 =	vmul.u32 $0x80, v0;
	_ =	strace $0x80000047;
	s7 =	sshrl.u32 s6, $0x1  }
0xa: {  	s31 =	sshll.u32 s2, $0x3;
	s5 =	sshll.u32 s5, $0x2;
	s6 =	ssub.s32 s6, s7  }
0xb: {  	s5 =	sor.u32 s5, s31;
	v1 =	vor.u32 $0x800, v0;
	s7 =	simm.s32 $0x80;
	s6 =	smax.u32 s6, $0x1  }
.LBB2_22:
0xc: {  	s1 =	sadd.s32 $0x1, s1  }
0xd: {  	p0 =	sne.s32 s1, s6  }
.Ltmp1:
0xe: {  	_ = 	snop;
	(pc) =	sbr.rel @!p0 .LBB2_23-.Ltmp1, $1  }
0xf: {  	_ =	sdelay $0x3  }
.LBB2_1:
.Ltmp2:
0x10: {  	(pc) =	sbr.rel .LBB2_2-.Ltmp2, $2  }
0x11: {  	_ =	sdelay $0x2  }
0x12: {  	s20 =	simm.s32 $0x0  }
.LBB2_21:
0x13: {  	s20 =	sadd.s32 $0x1, s20  }
0x14: {  	p0 =	sne.s32 s20, $0x4  }
.Ltmp3:
0x15: {  	_ = 	snop;
	(pc) =	sbr.rel @!p0 .LBB2_22-.Ltmp3, $1  }
0x16: {  	_ =	sdelay $0x3  }
.LBB2_2:
0x17: {  	s21 =	sadd.s32 s5, s20  }
0x18: {  	s21 =	sshll.u32 s21, $0x4  }
0x19: {  	s22 =	sadd.s32 s4, s21;
	s21 =	simm.s32 $0x0  }
0x1a: {  	[tilespmem:s21], [sflag:$0x5] =	stream.strided.gather [hbm4b:s22+s7], $0x6400, s8, s7, $0x38;
	[tilespmem:$0x1A400] =	vst v63  }
0x1b: {  	_ =	swait.ge [sflag:s9], $0x6400  }
0x1c: {  	[sflag:s9] =	ssyncset.done $0x0  }
0x1d: {  	[sflag:s9] =	ssyncadd.s32 $0xFFFF9C00  }
0x1e: {  	[tilespmem:s10], [sflag:$0x1] =	stream.indirect.gather [hbm4b:s3+s7], $0x20, s21, s7, $0xb8;
	[tilespmem:$0x1A400] =	vst v63  }
0x1f: {  	_ = 	snop  }
0x20: {  	[tilespmem:s11], [sflag:$0x2] =	stream.indirect.gather [hbm4b:s3+s7], $0x20, s7, s7, $0xb8;
	[tilespmem:$0x1A400] =	vst v63  }
0x21: {  	_ = 	snop  }
0x22: {  	[tilespmem:s13], [sflag:$0x3] =	stream.indirect.gather [hbm4b:s3+s7], $0x20, s12, s7, $0xb8;
	[tilespmem:$0x1A400] =	vst v63  }
0x23: {  	_ = 	snop  }
0x24: {  	[tilespmem:s15], [sflag:$0x4] =	stream.indirect.gather [hbm4b:s3+s7], $0x20, s14, s7, $0xb8;
	[tilespmem:$0x1A400] =	vst v63  }
.LBB2_3:
0x25: {  	_ =	swait.ge [sflag:s16], $0x1000  }
0x26: {  	[sflag:s16] =	ssyncset.done $0x0  }
0x27: {  	s22 =	simm.s32 $0x6480;
	s23 =	simm.s32 $0x0;
	[sflag:s16] =	ssyncadd.s32 $0xFFFFF000  }
0x28: {  	v3 =	vor.u32 s23, v0;
	v2 =	vld [tilespmem:s22+$0xFFFFFF80]  }
0x29: {  	v5 =	vor.u32 s23, v1;
	v4 =	vld [tilespmem:s22+$0xFFFFFF90]  }
0x2a: {  	s30 =	sshll.u32 s21, $0xF  }
0x2b: {  	s23 =	sand.u32 $0x8000, s30  }
0x2c: {  	s24 =	sadd.s32 $0xA400, s23  }
0x2d: {  	[tilespmem:v3+s24+$0x0] =	vst.idx.msk $0xffff, v2  }
0x2e: {  	s25 =	simm.s32 $0x1;
	[tilespmem:v5+s24+$0x0] =	vst.idx.msk $0xffff, v4  }
0x2f: {  	v3 =	vor.u32 s25, v0;
	v2 =	vld [tilespmem:s22+$0xFFFFFFA0]  }
0x30: {  	v5 =	vor.u32 s25, v1;
	v4 =	vld [tilespmem:s22+$0xFFFFFFB0];
	_ =	sdelay $0x3  }
0x31: {  	[tilespmem:v3+s24+$0x0] =	vst.idx.msk $0xffff, v2  }
0x32: {  	s31 =	simm.s32 $0x2;
	[tilespmem:v5+s24+$0x0] =	vst.idx.msk $0xffff, v4  }
0x33: {  	v3 =	vor.u32 s31, v0;
	v2 =	vld [tilespmem:s22+$0xFFFFFFC0]  }
0x34: {  	v5 =	vor.u32 s31, v1;
	v4 =	vld [tilespmem:s22+$0xFFFFFFD0];
	_ =	sdelay $0x3  }
0x35: {  	[tilespmem:v3+s24+$0x0] =	vst.idx.msk $0xffff, v2  }
0x36: {  	s26 =	simm.s32 $0x3;
	[tilespmem:v5+s24+$0x0] =	vst.idx.msk $0xffff, v4  }
0x37: {  	v3 =	vor.u32 s26, v0;
	v2 =	vld [tilespmem:s22+$0xFFFFFFE0]  }
0x38: {  	v5 =	vor.u32 s26, v1;
	v4 =	vld [tilespmem:s22+$0xFFFFFFF0];
	_ =	sdelay $0x3  }
0x39: {  	[tilespmem:v3+s24+$0x0] =	vst.idx.msk $0xffff, v2  }
0x3a: {  	s28 =	simm.s32 $0x4;
	[tilespmem:v5+s24+$0x0] =	vst.idx.msk $0xffff, v4  }
0x3b: {  	v3 =	vor.u32 s28, v0;
	v2 =	vld [tilespmem:s22+$0x0]  }
0x3c: {  	v5 =	vor.u32 s28, v1;
	v4 =	vld [tilespmem:s22+$0x10];
	_ =	sdelay $0x3  }
0x3d: {  	[tilespmem:v3+s24+$0x0] =	vst.idx.msk $0xffff, v2  }
0x3e: {  	s30 =	simm.s32 $0x5;
	[tilespmem:v5+s24+$0x0] =	vst.idx.msk $0xffff, v4  }
0x3f: {  	v3 =	vor.u32 s30, v0;
	v2 =	vld [tilespmem:s22+$0x20]  }
0x40: {  	v5 =	vor.u32 s30, v1;
	v4 =	vld [tilespmem:s22+$0x30];
	_ =	sdelay $0x3  }
0x41: {  	[tilespmem:v3+s24+$0x0] =	vst.idx.msk $0xffff, v2  }
0x42: {  	s31 =	simm.s32 $0x6;
	[tilespmem:v5+s24+$0x0] =	vst.idx.msk $0xffff, v4  }
0x43: {  	v3 =	vor.u32 s31, v0;
	v2 =	vld [tilespmem:s22+$0x40]  }
0x44: {  	v5 =	vor.u32 s31, v1;
	v4 =	vld [tilespmem:s22+$0x50];
	_ =	sdelay $0x3  }
0x45: {  	[tilespmem:v3+s24+$0x0] =	vst.idx.msk $0xffff, v2  }
0x46: {  	s26 =	simm.s32 $0x7;
	[tilespmem:v5+s24+$0x0] =	vst.idx.msk $0xffff, v4  }
0x47: {  	v5 =	vor.u32 s26, v0;
	v4 =	vld [tilespmem:s22+$0x60];
	_ =	sdelay $0x1  }
0x48: {  	v3 =	vor.u32 s26, v1;
	v2 =	vld [tilespmem:s22+$0x70];
	_ =	sdelay $0x2  }
0x49: {  	s29 =	simm.s32 $0x17;
	s25 =	simm.s32 $0xF;
	[tilespmem:v5+s24+$0x0] =	vst.idx.msk $0xffff, v4  }
.LBB2_4:
0x4a: {  	s30 =	sadd.s32 $0xFFFFFFF9, s25  }
0x4b: {  	[tilespmem:v3+s24+$0x0] =	vst.idx.msk $0xffff, v2;
	s22 =	sadd.s32 $0x100, s22;
	s28 =	smov.u32 s29;
	s26 =	sadd.s32 $0x8, s29  }
0x4c: {  	p0 =	sne.s32 s29, $0x7F;
	v2 =	vld [tilespmem:s22+$0xFFFFFF80];
	v3 =	vor.u32 s30, v0  }
0x4d: {  	v5 =	vor.u32 s30, v1;
	v4 =	vld [tilespmem:s22+$0xFFFFFF90];
	_ =	sdelay $0x3  }
0x4e: {  	[tilespmem:v3+s24+$0x0] =	vst.idx.msk $0xffff, v2  }
0x4f: {  	s29 =	sadd.s32 $0xFFFFFFFA, s25;
	[tilespmem:v5+s24+$0x0] =	vst.idx.msk $0xffff, v4  }
0x50: {  	v3 =	vor.u32 s29, v0;
	v2 =	vld [tilespmem:s22+$0xFFFFFFA0]  }
0x51: {  	v5 =	vor.u32 s29, v1;
	v4 =	vld [tilespmem:s22+$0xFFFFFFB0];
	_ =	sdelay $0x3  }
0x52: {  	[tilespmem:v3+s24+$0x0] =	vst.idx.msk $0xffff, v2  }
0x53: {  	s29 =	sadd.s32 $0xFFFFFFFB, s25;
	[tilespmem:v5+s24+$0x0] =	vst.idx.msk $0xffff, v4  }
0x54: {  	v3 =	vor.u32 s29, v0;
	v2 =	vld [tilespmem:s22+$0xFFFFFFC0]  }
0x55: {  	v5 =	vor.u32 s29, v1;
	v4 =	vld [tilespmem:s22+$0xFFFFFFD0];
	_ =	sdelay $0x3  }
0x56: {  	[tilespmem:v3+s24+$0x0] =	vst.idx.msk $0xffff, v2  }
0x57: {  	s29 =	sadd.s32 $0xFFFFFFFC, s25;
	[tilespmem:v5+s24+$0x0] =	vst.idx.msk $0xffff, v4  }
0x58: {  	v3 =	vor.u32 s29, v0;
	v2 =	vld [tilespmem:s22+$0xFFFFFFE0]  }
0x59: {  	v5 =	vor.u32 s29, v1;
	v4 =	vld [tilespmem:s22+$0xFFFFFFF0];
	_ =	sdelay $0x3  }
0x5a: {  	[tilespmem:v3+s24+$0x0] =	vst.idx.msk $0xffff, v2  }
0x5b: {  	s29 =	sadd.s32 $0xFFFFFFFD, s25;
	[tilespmem:v5+s24+$0x0] =	vst.idx.msk $0xffff, v4  }
0x5c: {  	v3 =	vor.u32 s29, v0;
	v2 =	vld [tilespmem:s22+$0x0]  }
0x5d: {  	v5 =	vor.u32 s29, v1;
	v4 =	vld [tilespmem:s22+$0x10];
	_ =	sdelay $0x3  }
0x5e: {  	[tilespmem:v3+s24+$0x0] =	vst.idx.msk $0xffff, v2  }
0x5f: {  	s29 =	sadd.s32 $0xFFFFFFFE, s25;
	[tilespmem:v5+s24+$0x0] =	vst.idx.msk $0xffff, v4  }
0x60: {  	v3 =	vor.u32 s29, v0;
	v2 =	vld [tilespmem:s22+$0x20]  }
0x61: {  	v5 =	vor.u32 s29, v1;
	v4 =	vld [tilespmem:s22+$0x30];
	_ =	sdelay $0x3  }
0x62: {  	[tilespmem:v3+s24+$0x0] =	vst.idx.msk $0xffff, v2  }
0x63: {  	s29 =	sadd.s32 $0xFFFFFFFF, s25;
	[tilespmem:v5+s24+$0x0] =	vst.idx.msk $0xffff, v4  }
0x64: {  	v3 =	vor.u32 s29, v0;
	v2 =	vld [tilespmem:s22+$0x40]  }
0x65: {  	v5 =	vor.u32 s29, v1;
	v4 =	vld [tilespmem:s22+$0x50];
	_ =	sdelay $0x3  }
0x66: {  	[tilespmem:v3+s24+$0x0] =	vst.idx.msk $0xffff, v2  }
0x67: {  	[tilespmem:v5+s24+$0x0] =	vst.idx.msk $0xffff, v4  }
0x68: {  	v5 =	vor.u32 s25, v0;
	v4 =	vld [tilespmem:s22+$0x60]  }
.Ltmp4:
0x69: {  	v3 =	vor.u32 s25, v1;
	s25 =	smov.u32 s28;
	v2 =	vld [tilespmem:s22+$0x70];
	(pc) =	sbr.rel @p0 .LBB2_4-.Ltmp4, $2  }
0x6a: {  	_ =	sdelay $0x2  }
0x6b: {  	s29 =	smov.u32 s26;
	[tilespmem:v5+s24+$0x0] =	vst.idx.msk $0xffff, v4  }
0x6c: {  	_ =	sdelay $0x3  }
0x6d: {  	s26 =	sadd.s32 $0xFFFFFFF9, s25;
	[tilespmem:v3+s24+$0x0] =	vst.idx.msk $0xffff, v2;
	s22 =	sadd.s32 $0x100, s22  }
0x6e: {  	v2 =	vld [tilespmem:s22+$0xFFFFFF80];
	v3 =	vor.u32 s26, v0  }
0x6f: {  	v4 =	vld [tilespmem:s22+$0xFFFFFF90];
	v5 =	vor.u32 s26, v1;
	_ =	sdelay $0x3  }
0x70: {  	[tilespmem:v3+s24+$0x0] =	vst.idx.msk $0xffff, v2  }
0x71: {  	s31 =	sadd.s32 $0xFFFFFFFA, s25;
	[tilespmem:v5+s24+$0x0] =	vst.idx.msk $0xffff, v4  }
0x72: {  	v3 =	vor.u32 s31, v0;
	v2 =	vld [tilespmem:s22+$0xFFFFFFA0]  }
0x73: {  	v5 =	vor.u32 s31, v1;
	v4 =	vld [tilespmem:s22+$0xFFFFFFB0];
	_ =	sdelay $0x3  }
0x74: {  	[tilespmem:v3+s24+$0x0] =	vst.idx.msk $0xffff, v2  }
0x75: {  	s28 =	sadd.s32 $0xFFFFFFFB, s25;
	[tilespmem:v5+s24+$0x0] =	vst.idx.msk $0xffff, v4  }
0x76: {  	v3 =	vor.u32 s28, v0;
	v2 =	vld [tilespmem:s22+$0xFFFFFFC0]  }
0x77: {  	v5 =	vor.u32 s28, v1;
	v4 =	vld [tilespmem:s22+$0xFFFFFFD0];
	_ =	sdelay $0x3  }
0x78: {  	[tilespmem:v3+s24+$0x0] =	vst.idx.msk $0xffff, v2  }
0x79: {  	s29 =	sadd.s32 $0xFFFFFFFC, s25;
	[tilespmem:v5+s24+$0x0] =	vst.idx.msk $0xffff, v4  }
0x7a: {  	v3 =	vor.u32 s29, v0;
	v2 =	vld [tilespmem:s22+$0xFFFFFFE0]  }
0x7b: {  	v5 =	vor.u32 s29, v1;
	v4 =	vld [tilespmem:s22+$0xFFFFFFF0];
	_ =	sdelay $0x3  }
0x7c: {  	[tilespmem:v3+s24+$0x0] =	vst.idx.msk $0xffff, v2  }
0x7d: {  	s31 =	sadd.s32 $0xFFFFFFFD, s25;
	[tilespmem:v5+s24+$0x0] =	vst.idx.msk $0xffff, v4  }
0x7e: {  	v3 =	vor.u32 s31, v0;
	v2 =	vld [tilespmem:s22+$0x0]  }
0x7f: {  	v5 =	vor.u32 s31, v1;
	v4 =	vld [tilespmem:s22+$0x10];
	_ =	sdelay $0x3  }
0x80: {  	[tilespmem:v3+s24+$0x0] =	vst.idx.msk $0xffff, v2  }
0x81: {  	s28 =	sadd.s32 $0xFFFFFFFE, s25;
	[tilespmem:v5+s24+$0x0] =	vst.idx.msk $0xffff, v4  }
0x82: {  	v3 =	vor.u32 s28, v0;
	v2 =	vld [tilespmem:s22+$0x20]  }
0x83: {  	v5 =	vor.u32 s28, v1;
	v4 =	vld [tilespmem:s22+$0x30];
	_ =	sdelay $0x3  }
0x84: {  	[tilespmem:v3+s24+$0x0] =	vst.idx.msk $0xffff, v2  }
0x85: {  	s29 =	sadd.s32 $0xFFFFFFFF, s25;
	[tilespmem:v5+s24+$0x0] =	vst.idx.msk $0xffff, v4  }
0x86: {  	v3 =	vor.u32 s29, v0;
	v2 =	vld [tilespmem:s22+$0x40]  }
0x87: {  	v5 =	vor.u32 s29, v1;
	v4 =	vld [tilespmem:s22+$0x50];
	_ =	sdelay $0x3  }
0x88: {  	[tilespmem:v3+s24+$0x0] =	vst.idx.msk $0xffff, v2  }
0x89: {  	[tilespmem:v5+s24+$0x0] =	vst.idx.msk $0xffff, v4  }
0x8a: {  	v3 =	vor.u32 s25, v0;
	v2 =	vld [tilespmem:s22+$0x60]  }
0x8b: {  	v5 =	vor.u32 s25, v1;
	v4 =	vld [tilespmem:s22+$0x70];
	_ =	sdelay $0x2  }
0x8c: {  	s31 =	sshll.u32 s21, $0xA  }
0x8d: {  	s22 =	sand.u32 $0x3FFFFC00, s31;
	[tilespmem:v3+s24+$0x0] =	vst.idx.msk $0xffff, v2  }
0x8e: {  	s25 =	sor.u32 $0x200, s22;
	[tilespmem:v5+s24+$0x0] =	vst.idx.msk $0xffff, v4  }
0x8f: {  	[tilespmem:s10], [sflag:$0x1] =	stream.indirect.gather [hbm4b:s3+s7], $0x20, s25, s7, $0xb8;
	[tilespmem:$0x1A400] =	vst v63  }
0x90: {  	_ =	swait.ge [sflag:s17], $0x1000  }
0x91: {  	[sflag:s17] =	ssyncset.done $0x0  }
0x92: {  	s26 =	simm.s32 $0x0;
	s25 =	simm.s32 $0x74F0;
	[sflag:s17] =	ssyncadd.s32 $0xFFFFF000  }
0x93: {  	v3 =	vor.u32 s26, v0;
	v2 =	vld [tilespmem:s25+$0xFFFFFF10]  }
0x94: {  	v5 =	vor.u32 s26, v1;
	v4 =	vld [tilespmem:s25+$0xFFFFFF20];
	_ =	sdelay $0x2  }
0x95: {  	s24 =	sadd.s32 $0xB400, s23  }
0x96: {  	[tilespmem:v3+s24+$0x0] =	vst.idx.msk $0xffff, v2  }
0x97: {  	s28 =	simm.s32 $0x1;
	[tilespmem:v5+s24+$0x0] =	vst.idx.msk $0xffff, v4  }
0x98: {  	v3 =	vor.u32 s28, v0;
	v2 =	vld [tilespmem:s25+$0xFFFFFF30]  }
0x99: {  	v5 =	vor.u32 s28, v1;
	v4 =	vld [tilespmem:s25+$0xFFFFFF40];
	_ =	sdelay $0x3  }
0x9a: {  	[tilespmem:v3+s24+$0x0] =	vst.idx.msk $0xffff, v2  }
0x9b: {  	s29 =	simm.s32 $0x2;
	[tilespmem:v5+s24+$0x0] =	vst.idx.msk $0xffff, v4  }
0x9c: {  	v3 =	vor.u32 s29, v0;
	v2 =	vld [tilespmem:s25+$0xFFFFFF50]  }
0x9d: {  	v5 =	vor.u32 s29, v1;
	v4 =	vld [tilespmem:s25+$0xFFFFFF60];
	_ =	sdelay $0x3  }
0x9e: {  	[tilespmem:v3+s24+$0x0] =	vst.idx.msk $0xffff, v2  }
0x9f: {  	s31 =	simm.s32 $0x3;
	[tilespmem:v5+s24+$0x0] =	vst.idx.msk $0xffff, v4  }
0xa0: {  	v3 =	vor.u32 s31, v0;
	v2 =	vld [tilespmem:s25+$0xFFFFFF70]  }
0xa1: {  	v5 =	vor.u32 s31, v1;
	v4 =	vld [tilespmem:s25+$0xFFFFFF80];
	_ =	sdelay $0x3  }
0xa2: {  	[tilespmem:v3+s24+$0x0] =	vst.idx.msk $0xffff, v2  }
0xa3: {  	s28 =	simm.s32 $0x4;
	[tilespmem:v5+s24+$0x0] =	vst.idx.msk $0xffff, v4  }
0xa4: {  	v3 =	vor.u32 s28, v0;
	v2 =	vld [tilespmem:s25+$0xFFFFFF90]  }
0xa5: {  	v5 =	vor.u32 s28, v1;
	v4 =	vld [tilespmem:s25+$0xFFFFFFA0];
	_ =	sdelay $0x3  }
0xa6: {  	[tilespmem:v3+s24+$0x0] =	vst.idx.msk $0xffff, v2  }
0xa7: {  	s29 =	simm.s32 $0x5;
	[tilespmem:v5+s24+$0x0] =	vst.idx.msk $0xffff, v4  }
0xa8: {  	v3 =	vor.u32 s29, v0;
	v2 =	vld [tilespmem:s25+$0xFFFFFFB0]  }
0xa9: {  	v5 =	vor.u32 s29, v1;
	v4 =	vld [tilespmem:s25+$0xFFFFFFC0];
	_ =	sdelay $0x3  }
0xaa: {  	[tilespmem:v3+s24+$0x0] =	vst.idx.msk $0xffff, v2  }
0xab: {  	s31 =	simm.s32 $0x6;
	[tilespmem:v5+s24+$0x0] =	vst.idx.msk $0xffff, v4  }
0xac: {  	v3 =	vor.u32 s31, v0;
	v2 =	vld [tilespmem:s25+$0xFFFFFFD0]  }
0xad: {  	v5 =	vor.u32 s31, v1;
	v4 =	vld [tilespmem:s25+$0xFFFFFFE0];
	_ =	sdelay $0x3  }
0xae: {  	[tilespmem:v3+s24+$0x0] =	vst.idx.msk $0xffff, v2  }
0xaf: {  	s28 =	simm.s32 $0x7;
	[tilespmem:v5+s24+$0x0] =	vst.idx.msk $0xffff, v4  }
0xb0: {  	v5 =	vor.u32 s28, v0;
	v4 =	vld [tilespmem:s25+$0xFFFFFFF0];
	_ =	sdelay $0x1  }
0xb1: {  	v3 =	vor.u32 s28, v1;
	v2 =	vld [tilespmem:s25+$0x0];
	_ =	sdelay $0x2  }
0xb2: {  	s30 =	simm.s32 $0x17;
	s26 =	simm.s32 $0xF;
	[tilespmem:v5+s24+$0x0] =	vst.idx.msk $0xffff, v4  }
.LBB2_6:
0xb3: {  	s31 =	sadd.s32 $0xFFFFFFF9, s26  }
0xb4: {  	[tilespmem:v3+s24+$0x0] =	vst.idx.msk $0xffff, v2;
	s25 =	sadd.s32 $0x100, s25;
	s29 =	smov.u32 s30;
	s28 =	sadd.s32 $0x8, s30  }
0xb5: {  	p0 =	sne.s32 s30, $0x7F;
	v2 =	vld [tilespmem:s25+$0xFFFFFF10];
	v3 =	vor.u32 s31, v0  }
0xb6: {  	v5 =	vor.u32 s31, v1;
	v4 =	vld [tilespmem:s25+$0xFFFFFF20];
	_ =	sdelay $0x3  }
0xb7: {  	[tilespmem:v3+s24+$0x0] =	vst.idx.msk $0xffff, v2  }
0xb8: {  	s30 =	sadd.s32 $0xFFFFFFFA, s26;
	[tilespmem:v5+s24+$0x0] =	vst.idx.msk $0xffff, v4  }
0xb9: {  	v3 =	vor.u32 s30, v0;
	v2 =	vld [tilespmem:s25+$0xFFFFFF30]  }
0xba: {  	v5 =	vor.u32 s30, v1;
	v4 =	vld [tilespmem:s25+$0xFFFFFF40];
	_ =	sdelay $0x3  }
0xbb: {  	[tilespmem:v3+s24+$0x0] =	vst.idx.msk $0xffff, v2  }
0xbc: {  	s30 =	sadd.s32 $0xFFFFFFFB, s26;
	[tilespmem:v5+s24+$0x0] =	vst.idx.msk $0xffff, v4  }
0xbd: {  	v3 =	vor.u32 s30, v0;
	v2 =	vld [tilespmem:s25+$0xFFFFFF50]  }
0xbe: {  	v5 =	vor.u32 s30, v1;
	v4 =	vld [tilespmem:s25+$0xFFFFFF60];
	_ =	sdelay $0x3  }
0xbf: {  	[tilespmem:v3+s24+$0x0] =	vst.idx.msk $0xffff, v2  }
0xc0: {  	s30 =	sadd.s32 $0xFFFFFFFC, s26;
	[tilespmem:v5+s24+$0x0] =	vst.idx.msk $0xffff, v4  }
0xc1: {  	v3 =	vor.u32 s30, v0;
	v2 =	vld [tilespmem:s25+$0xFFFFFF70]  }
0xc2: {  	v5 =	vor.u32 s30, v1;
	v4 =	vld [tilespmem:s25+$0xFFFFFF80];
	_ =	sdelay $0x3  }
0xc3: {  	[tilespmem:v3+s24+$0x0] =	vst.idx.msk $0xffff, v2  }
0xc4: {  	s30 =	sadd.s32 $0xFFFFFFFD, s26;
	[tilespmem:v5+s24+$0x0] =	vst.idx.msk $0xffff, v4  }
0xc5: {  	v3 =	vor.u32 s30, v0;
	v2 =	vld [tilespmem:s25+$0xFFFFFF90]  }
0xc6: {  	v5 =	vor.u32 s30, v1;
	v4 =	vld [tilespmem:s25+$0xFFFFFFA0];
	_ =	sdelay $0x3  }
0xc7: {  	[tilespmem:v3+s24+$0x0] =	vst.idx.msk $0xffff, v2  }
0xc8: {  	s30 =	sadd.s32 $0xFFFFFFFE, s26;
	[tilespmem:v5+s24+$0x0] =	vst.idx.msk $0xffff, v4  }
0xc9: {  	v3 =	vor.u32 s30, v0;
	v2 =	vld [tilespmem:s25+$0xFFFFFFB0]  }
0xca: {  	v5 =	vor.u32 s30, v1;
	v4 =	vld [tilespmem:s25+$0xFFFFFFC0];
	_ =	sdelay $0x3  }
0xcb: {  	[tilespmem:v3+s24+$0x0] =	vst.idx.msk $0xffff, v2  }
0xcc: {  	s30 =	sadd.s32 $0xFFFFFFFF, s26;
	[tilespmem:v5+s24+$0x0] =	vst.idx.msk $0xffff, v4  }
0xcd: {  	v3 =	vor.u32 s30, v0;
	v2 =	vld [tilespmem:s25+$0xFFFFFFD0]  }
0xce: {  	v5 =	vor.u32 s30, v1;
	v4 =	vld [tilespmem:s25+$0xFFFFFFE0];
	_ =	sdelay $0x3  }
0xcf: {  	[tilespmem:v3+s24+$0x0] =	vst.idx.msk $0xffff, v2  }
0xd0: {  	[tilespmem:v5+s24+$0x0] =	vst.idx.msk $0xffff, v4  }
0xd1: {  	v5 =	vor.u32 s26, v0;
	v4 =	vld [tilespmem:s25+$0xFFFFFFF0]  }
.Ltmp5:
0xd2: {  	v3 =	vor.u32 s26, v1;
	s26 =	smov.u32 s29;
	v2 =	vld [tilespmem:s25+$0x0];
	(pc) =	sbr.rel @p0 .LBB2_6-.Ltmp5, $2  }
0xd3: {  	_ =	sdelay $0x2  }
0xd4: {  	s30 =	smov.u32 s28;
	[tilespmem:v5+s24+$0x0] =	vst.idx.msk $0xffff, v4  }
0xd5: {  	_ =	sdelay $0x3  }
0xd6: {  	s28 =	sadd.s32 $0xFFFFFFF9, s26;
	[tilespmem:v3+s24+$0x0] =	vst.idx.msk $0xffff, v2;
	s25 =	sadd.s32 $0x100, s25  }
0xd7: {  	v2 =	vld [tilespmem:s25+$0xFFFFFF10];
	v3 =	vor.u32 s28, v0  }
0xd8: {  	v4 =	vld [tilespmem:s25+$0xFFFFFF20];
	v5 =	vor.u32 s28, v1;
	_ =	sdelay $0x3  }
0xd9: {  	[tilespmem:v3+s24+$0x0] =	vst.idx.msk $0xffff, v2  }
0xda: {  	s29 =	sadd.s32 $0xFFFFFFFA, s26;
	[tilespmem:v5+s24+$0x0] =	vst.idx.msk $0xffff, v4  }
0xdb: {  	v3 =	vor.u32 s29, v0;
	v2 =	vld [tilespmem:s25+$0xFFFFFF30]  }
0xdc: {  	v5 =	vor.u32 s29, v1;
	v4 =	vld [tilespmem:s25+$0xFFFFFF40];
	_ =	sdelay $0x3  }
0xdd: {  	[tilespmem:v3+s24+$0x0] =	vst.idx.msk $0xffff, v2  }
0xde: {  	s31 =	sadd.s32 $0xFFFFFFFB, s26;
	[tilespmem:v5+s24+$0x0] =	vst.idx.msk $0xffff, v4  }
0xdf: {  	v3 =	vor.u32 s31, v0;
	v2 =	vld [tilespmem:s25+$0xFFFFFF50]  }
0xe0: {  	v5 =	vor.u32 s31, v1;
	v4 =	vld [tilespmem:s25+$0xFFFFFF60];
	_ =	sdelay $0x3  }
0xe1: {  	[tilespmem:v3+s24+$0x0] =	vst.idx.msk $0xffff, v2  }
0xe2: {  	s29 =	sadd.s32 $0xFFFFFFFC, s26;
	[tilespmem:v5+s24+$0x0] =	vst.idx.msk $0xffff, v4  }
0xe3: {  	v3 =	vor.u32 s29, v0;
	v2 =	vld [tilespmem:s25+$0xFFFFFF70]  }
0xe4: {  	v5 =	vor.u32 s29, v1;
	v4 =	vld [tilespmem:s25+$0xFFFFFF80];
	_ =	sdelay $0x3  }
0xe5: {  	[tilespmem:v3+s24+$0x0] =	vst.idx.msk $0xffff, v2  }
0xe6: {  	s31 =	sadd.s32 $0xFFFFFFFD, s26;
	[tilespmem:v5+s24+$0x0] =	vst.idx.msk $0xffff, v4  }
0xe7: {  	v3 =	vor.u32 s31, v0;
	v2 =	vld [tilespmem:s25+$0xFFFFFF90]  }
0xe8: {  	v5 =	vor.u32 s31, v1;
	v4 =	vld [tilespmem:s25+$0xFFFFFFA0];
	_ =	sdelay $0x3  }
0xe9: {  	[tilespmem:v3+s24+$0x0] =	vst.idx.msk $0xffff, v2  }
0xea: {  	s29 =	sadd.s32 $0xFFFFFFFE, s26;
	[tilespmem:v5+s24+$0x0] =	vst.idx.msk $0xffff, v4  }
0xeb: {  	v3 =	vor.u32 s29, v0;
	v2 =	vld [tilespmem:s25+$0xFFFFFFB0]  }
0xec: {  	v5 =	vor.u32 s29, v1;
	v4 =	vld [tilespmem:s25+$0xFFFFFFC0];
	_ =	sdelay $0x3  }
0xed: {  	[tilespmem:v3+s24+$0x0] =	vst.idx.msk $0xffff, v2  }
0xee: {  	s31 =	sadd.s32 $0xFFFFFFFF, s26;
	[tilespmem:v5+s24+$0x0] =	vst.idx.msk $0xffff, v4  }
0xef: {  	v3 =	vor.u32 s31, v0;
	v2 =	vld [tilespmem:s25+$0xFFFFFFD0]  }
0xf0: {  	v5 =	vor.u32 s31, v1;
	v4 =	vld [tilespmem:s25+$0xFFFFFFE0];
	_ =	sdelay $0x3  }
0xf1: {  	[tilespmem:v3+s24+$0x0] =	vst.idx.msk $0xffff, v2  }
0xf2: {  	[tilespmem:v5+s24+$0x0] =	vst.idx.msk $0xffff, v4  }
0xf3: {  	v3 =	vor.u32 s26, v0;
	v2 =	vld [tilespmem:s25+$0xFFFFFFF0]  }
0xf4: {  	v5 =	vor.u32 s26, v1;
	v4 =	vld [tilespmem:s25+$0x0];
	_ =	sdelay $0x3  }
0xf5: {  	[tilespmem:v3+s24+$0x0] =	vst.idx.msk $0xffff, v2  }
0xf6: {  	s28 =	sadd.s32 $0x280, s22;
	[tilespmem:v5+s24+$0x0] =	vst.idx.msk $0xffff, v4  }
0xf7: {  	[tilespmem:s11], [sflag:$0x2] =	stream.indirect.gather [hbm4b:s3+s7], $0x20, s28, s7, $0xb8;
	[tilespmem:$0x1A400] =	vst v63  }
0xf8: {  	_ =	swait.ge [sflag:s18], $0x1000  }
0xf9: {  	[sflag:s18] =	ssyncset.done $0x0  }
0xfa: {  	s29 =	simm.s32 $0x0;
	s25 =	simm.s32 $0x84F0;
	[sflag:s18] =	ssyncadd.s32 $0xFFFFF000  }
0xfb: {  	v3 =	vor.u32 s29, v0;
	v2 =	vld [tilespmem:s25+$0xFFFFFF10]  }
0xfc: {  	v5 =	vor.u32 s29, v1;
	v4 =	vld [tilespmem:s25+$0xFFFFFF20];
	_ =	sdelay $0x2  }
0xfd: {  	s24 =	sadd.s32 $0xC400, s23  }
0xfe: {  	[tilespmem:v3+s24+$0x0] =	vst.idx.msk $0xffff, v2  }
0xff: {  	s31 =	simm.s32 $0x1;
	[tilespmem:v5+s24+$0x0] =	vst.idx.msk $0xffff, v4  }
0x100: {  	v3 =	vor.u32 s31, v0;
	v2 =	vld [tilespmem:s25+$0xFFFFFF30]  }
0x101: {  	v5 =	vor.u32 s31, v1;
	v4 =	vld [tilespmem:s25+$0xFFFFFF40];
	_ =	sdelay $0x3  }
0x102: {  	[tilespmem:v3+s24+$0x0] =	vst.idx.msk $0xffff, v2  }
0x103: {  	s28 =	simm.s32 $0x2;
	[tilespmem:v5+s24+$0x0] =	vst.idx.msk $0xffff, v4  }
0x104: {  	v3 =	vor.u32 s28, v0;
	v2 =	vld [tilespmem:s25+$0xFFFFFF50]  }
0x105: {  	v5 =	vor.u32 s28, v1;
	v4 =	vld [tilespmem:s25+$0xFFFFFF60];
	_ =	sdelay $0x3  }
0x106: {  	[tilespmem:v3+s24+$0x0] =	vst.idx.msk $0xffff, v2  }
0x107: {  	s29 =	simm.s32 $0x3;
	[tilespmem:v5+s24+$0x0] =	vst.idx.msk $0xffff, v4  }
0x108: {  	v3 =	vor.u32 s29, v0;
	v2 =	vld [tilespmem:s25+$0xFFFFFF70]  }
0x109: {  	v5 =	vor.u32 s29, v1;
	v4 =	vld [tilespmem:s25+$0xFFFFFF80];
	_ =	sdelay $0x3  }
0x10a: {  	[tilespmem:v3+s24+$0x0] =	vst.idx.msk $0xffff, v2  }
0x10b: {  	s31 =	simm.s32 $0x4;
	[tilespmem:v5+s24+$0x0] =	vst.idx.msk $0xffff, v4  }
0x10c: {  	v3 =	vor.u32 s31, v0;
	v2 =	vld [tilespmem:s25+$0xFFFFFF90]  }
0x10d: {  	v5 =	vor.u32 s31, v1;
	v4 =	vld [tilespmem:s25+$0xFFFFFFA0];
	_ =	sdelay $0x3  }
0x10e: {  	[tilespmem:v3+s24+$0x0] =	vst.idx.msk $0xffff, v2  }
0x10f: {  	s28 =	simm.s32 $0x5;
	[tilespmem:v5+s24+$0x0] =	vst.idx.msk $0xffff, v4  }
0x110: {  	v3 =	vor.u32 s28, v0;
	v2 =	vld [tilespmem:s25+$0xFFFFFFB0]  }
0x111: {  	v5 =	vor.u32 s28, v1;
	v4 =	vld [tilespmem:s25+$0xFFFFFFC0];
	_ =	sdelay $0x3  }
0x112: {  	[tilespmem:v3+s24+$0x0] =	vst.idx.msk $0xffff, v2  }
0x113: {  	s29 =	simm.s32 $0x6;
	[tilespmem:v5+s24+$0x0] =	vst.idx.msk $0xffff, v4  }
0x114: {  	v3 =	vor.u32 s29, v0;
	v2 =	vld [tilespmem:s25+$0xFFFFFFD0]  }
0x115: {  	v5 =	vor.u32 s29, v1;
	v4 =	vld [tilespmem:s25+$0xFFFFFFE0];
	_ =	sdelay $0x3  }
0x116: {  	[tilespmem:v3+s24+$0x0] =	vst.idx.msk $0xffff, v2  }
0x117: {  	s31 =	simm.s32 $0x7;
	[tilespmem:v5+s24+$0x0] =	vst.idx.msk $0xffff, v4  }
0x118: {  	v5 =	vor.u32 s31, v0;
	v4 =	vld [tilespmem:s25+$0xFFFFFFF0];
	_ =	sdelay $0x1  }
0x119: {  	v3 =	vor.u32 s31, v1;
	v2 =	vld [tilespmem:s25+$0x0];
	_ =	sdelay $0x2  }
0x11a: {  	s30 =	simm.s32 $0x17;
	s26 =	simm.s32 $0xF;
	[tilespmem:v5+s24+$0x0] =	vst.idx.msk $0xffff, v4  }
.LBB2_8:
0x11b: {  	s31 =	sadd.s32 $0xFFFFFFF9, s26  }
0x11c: {  	[tilespmem:v3+s24+$0x0] =	vst.idx.msk $0xffff, v2;
	s25 =	sadd.s32 $0x100, s25;
	s29 =	smov.u32 s30;
	s28 =	sadd.s32 $0x8, s30  }
0x11d: {  	p0 =	sne.s32 s30, $0x7F;
	v2 =	vld [tilespmem:s25+$0xFFFFFF10];
	v3 =	vor.u32 s31, v0  }
0x11e: {  	v5 =	vor.u32 s31, v1;
	v4 =	vld [tilespmem:s25+$0xFFFFFF20];
	_ =	sdelay $0x3  }
0x11f: {  	[tilespmem:v3+s24+$0x0] =	vst.idx.msk $0xffff, v2  }
0x120: {  	s30 =	sadd.s32 $0xFFFFFFFA, s26;
	[tilespmem:v5+s24+$0x0] =	vst.idx.msk $0xffff, v4  }
0x121: {  	v3 =	vor.u32 s30, v0;
	v2 =	vld [tilespmem:s25+$0xFFFFFF30]  }
0x122: {  	v5 =	vor.u32 s30, v1;
	v4 =	vld [tilespmem:s25+$0xFFFFFF40];
	_ =	sdelay $0x3  }
0x123: {  	[tilespmem:v3+s24+$0x0] =	vst.idx.msk $0xffff, v2  }
0x124: {  	s30 =	sadd.s32 $0xFFFFFFFB, s26;
	[tilespmem:v5+s24+$0x0] =	vst.idx.msk $0xffff, v4  }
0x125: {  	v3 =	vor.u32 s30, v0;
	v2 =	vld [tilespmem:s25+$0xFFFFFF50]  }
0x126: {  	v5 =	vor.u32 s30, v1;
	v4 =	vld [tilespmem:s25+$0xFFFFFF60];
	_ =	sdelay $0x3  }
0x127: {  	[tilespmem:v3+s24+$0x0] =	vst.idx.msk $0xffff, v2  }
0x128: {  	s30 =	sadd.s32 $0xFFFFFFFC, s26;
	[tilespmem:v5+s24+$0x0] =	vst.idx.msk $0xffff, v4  }
0x129: {  	v3 =	vor.u32 s30, v0;
	v2 =	vld [tilespmem:s25+$0xFFFFFF70]  }
0x12a: {  	v5 =	vor.u32 s30, v1;
	v4 =	vld [tilespmem:s25+$0xFFFFFF80];
	_ =	sdelay $0x3  }
0x12b: {  	[tilespmem:v3+s24+$0x0] =	vst.idx.msk $0xffff, v2  }
0x12c: {  	s30 =	sadd.s32 $0xFFFFFFFD, s26;
	[tilespmem:v5+s24+$0x0] =	vst.idx.msk $0xffff, v4  }
0x12d: {  	v3 =	vor.u32 s30, v0;
	v2 =	vld [tilespmem:s25+$0xFFFFFF90]  }
0x12e: {  	v5 =	vor.u32 s30, v1;
	v4 =	vld [tilespmem:s25+$0xFFFFFFA0];
	_ =	sdelay $0x3  }
0x12f: {  	[tilespmem:v3+s24+$0x0] =	vst.idx.msk $0xffff, v2  }
0x130: {  	s30 =	sadd.s32 $0xFFFFFFFE, s26;
	[tilespmem:v5+s24+$0x0] =	vst.idx.msk $0xffff, v4  }
0x131: {  	v3 =	vor.u32 s30, v0;
	v2 =	vld [tilespmem:s25+$0xFFFFFFB0]  }
0x132: {  	v5 =	vor.u32 s30, v1;
	v4 =	vld [tilespmem:s25+$0xFFFFFFC0];
	_ =	sdelay $0x3  }
0x133: {  	[tilespmem:v3+s24+$0x0] =	vst.idx.msk $0xffff, v2  }
0x134: {  	s30 =	sadd.s32 $0xFFFFFFFF, s26;
	[tilespmem:v5+s24+$0x0] =	vst.idx.msk $0xffff, v4  }
0x135: {  	v3 =	vor.u32 s30, v0;
	v2 =	vld [tilespmem:s25+$0xFFFFFFD0]  }
0x136: {  	v5 =	vor.u32 s30, v1;
	v4 =	vld [tilespmem:s25+$0xFFFFFFE0];
	_ =	sdelay $0x3  }
0x137: {  	[tilespmem:v3+s24+$0x0] =	vst.idx.msk $0xffff, v2  }
0x138: {  	[tilespmem:v5+s24+$0x0] =	vst.idx.msk $0xffff, v4  }
0x139: {  	v5 =	vor.u32 s26, v0;
	v4 =	vld [tilespmem:s25+$0xFFFFFFF0]  }
.Ltmp6:
0x13a: {  	v3 =	vor.u32 s26, v1;
	s26 =	smov.u32 s29;
	v2 =	vld [tilespmem:s25+$0x0];
	(pc) =	sbr.rel @p0 .LBB2_8-.Ltmp6, $2  }
0x13b: {  	_ =	sdelay $0x2  }
0x13c: {  	s30 =	smov.u32 s28;
	[tilespmem:v5+s24+$0x0] =	vst.idx.msk $0xffff, v4  }
0x13d: {  	_ =	sdelay $0x3  }
0x13e: {  	s28 =	sadd.s32 $0xFFFFFFF9, s26;
	[tilespmem:v3+s24+$0x0] =	vst.idx.msk $0xffff, v2;
	s25 =	sadd.s32 $0x100, s25  }
0x13f: {  	v2 =	vld [tilespmem:s25+$0xFFFFFF10];
	v3 =	vor.u32 s28, v0  }
0x140: {  	v4 =	vld [tilespmem:s25+$0xFFFFFF20];
	v5 =	vor.u32 s28, v1;
	_ =	sdelay $0x3  }
0x141: {  	[tilespmem:v3+s24+$0x0] =	vst.idx.msk $0xffff, v2  }
0x142: {  	s29 =	sadd.s32 $0xFFFFFFFA, s26;
	[tilespmem:v5+s24+$0x0] =	vst.idx.msk $0xffff, v4  }
0x143: {  	v3 =	vor.u32 s29, v0;
	v2 =	vld [tilespmem:s25+$0xFFFFFF30]  }
0x144: {  	v5 =	vor.u32 s29, v1;
	v4 =	vld [tilespmem:s25+$0xFFFFFF40];
	_ =	sdelay $0x3  }
0x145: {  	[tilespmem:v3+s24+$0x0] =	vst.idx.msk $0xffff, v2  }
0x146: {  	s31 =	sadd.s32 $0xFFFFFFFB, s26;
	[tilespmem:v5+s24+$0x0] =	vst.idx.msk $0xffff, v4  }
0x147: {  	v3 =	vor.u32 s31, v0;
	v2 =	vld [tilespmem:s25+$0xFFFFFF50]  }
0x148: {  	v5 =	vor.u32 s31, v1;
	v4 =	vld [tilespmem:s25+$0xFFFFFF60];
	_ =	sdelay $0x3  }
0x149: {  	[tilespmem:v3+s24+$0x0] =	vst.idx.msk $0xffff, v2  }
0x14a: {  	s29 =	sadd.s32 $0xFFFFFFFC, s26;
	[tilespmem:v5+s24+$0x0] =	vst.idx.msk $0xffff, v4  }
0x14b: {  	v3 =	vor.u32 s29, v0;
	v2 =	vld [tilespmem:s25+$0xFFFFFF70]  }
0x14c: {  	v5 =	vor.u32 s29, v1;
	v4 =	vld [tilespmem:s25+$0xFFFFFF80];
	_ =	sdelay $0x3  }
0x14d: {  	[tilespmem:v3+s24+$0x0] =	vst.idx.msk $0xffff, v2  }
0x14e: {  	s31 =	sadd.s32 $0xFFFFFFFD, s26;
	[tilespmem:v5+s24+$0x0] =	vst.idx.msk $0xffff, v4  }
0x14f: {  	v3 =	vor.u32 s31, v0;
	v2 =	vld [tilespmem:s25+$0xFFFFFF90]  }
0x150: {  	v5 =	vor.u32 s31, v1;
	v4 =	vld [tilespmem:s25+$0xFFFFFFA0];
	_ =	sdelay $0x3  }
0x151: {  	[tilespmem:v3+s24+$0x0] =	vst.idx.msk $0xffff, v2  }
0x152: {  	s29 =	sadd.s32 $0xFFFFFFFE, s26;
	[tilespmem:v5+s24+$0x0] =	vst.idx.msk $0xffff, v4  }
0x153: {  	v3 =	vor.u32 s29, v0;
	v2 =	vld [tilespmem:s25+$0xFFFFFFB0]  }
0x154: {  	v5 =	vor.u32 s29, v1;
	v4 =	vld [tilespmem:s25+$0xFFFFFFC0];
	_ =	sdelay $0x3  }
0x155: {  	[tilespmem:v3+s24+$0x0] =	vst.idx.msk $0xffff, v2  }
0x156: {  	s31 =	sadd.s32 $0xFFFFFFFF, s26;
	[tilespmem:v5+s24+$0x0] =	vst.idx.msk $0xffff, v4  }
0x157: {  	v3 =	vor.u32 s31, v0;
	v2 =	vld [tilespmem:s25+$0xFFFFFFD0]  }
0x158: {  	v5 =	vor.u32 s31, v1;
	v4 =	vld [tilespmem:s25+$0xFFFFFFE0];
	_ =	sdelay $0x3  }
0x159: {  	[tilespmem:v3+s24+$0x0] =	vst.idx.msk $0xffff, v2  }
0x15a: {  	[tilespmem:v5+s24+$0x0] =	vst.idx.msk $0xffff, v4  }
0x15b: {  	v3 =	vor.u32 s26, v0;
	v2 =	vld [tilespmem:s25+$0xFFFFFFF0]  }
0x15c: {  	v5 =	vor.u32 s26, v1;
	v4 =	vld [tilespmem:s25+$0x0];
	_ =	sdelay $0x3  }
0x15d: {  	[tilespmem:v3+s24+$0x0] =	vst.idx.msk $0xffff, v2  }
0x15e: {  	s28 =	sadd.s32 $0x300, s22;
	[tilespmem:v5+s24+$0x0] =	vst.idx.msk $0xffff, v4  }
0x15f: {  	[tilespmem:s13], [sflag:$0x3] =	stream.indirect.gather [hbm4b:s3+s7], $0x20, s28, s7, $0xb8;
	[tilespmem:$0x1A400] =	vst v63  }
0x160: {  	_ =	swait.ge [sflag:s19], $0x1000  }
0x161: {  	[sflag:s19] =	ssyncset.done $0x0  }
0x162: {  	s29 =	simm.s32 $0x0;
	s25 =	simm.s32 $0x94F0;
	[sflag:s19] =	ssyncadd.s32 $0xFFFFF000  }
0x163: {  	v3 =	vor.u32 s29, v0;
	v2 =	vld [tilespmem:s25+$0xFFFFFF10]  }
0x164: {  	v5 =	vor.u32 s29, v1;
	v4 =	vld [tilespmem:s25+$0xFFFFFF20];
	_ =	sdelay $0x2  }
0x165: {  	s24 =	sadd.s32 $0xD400, s23  }
0x166: {  	[tilespmem:v3+s24+$0x0] =	vst.idx.msk $0xffff, v2  }
0x167: {  	s31 =	simm.s32 $0x1;
	[tilespmem:v5+s24+$0x0] =	vst.idx.msk $0xffff, v4  }
0x168: {  	v3 =	vor.u32 s31, v0;
	v2 =	vld [tilespmem:s25+$0xFFFFFF30]  }
0x169: {  	v5 =	vor.u32 s31, v1;
	v4 =	vld [tilespmem:s25+$0xFFFFFF40];
	_ =	sdelay $0x3  }
0x16a: {  	[tilespmem:v3+s24+$0x0] =	vst.idx.msk $0xffff, v2  }
0x16b: {  	s28 =	simm.s32 $0x2;
	[tilespmem:v5+s24+$0x0] =	vst.idx.msk $0xffff, v4  }
0x16c: {  	v3 =	vor.u32 s28, v0;
	v2 =	vld [tilespmem:s25+$0xFFFFFF50]  }
0x16d: {  	v5 =	vor.u32 s28, v1;
	v4 =	vld [tilespmem:s25+$0xFFFFFF60];
	_ =	sdelay $0x3  }
0x16e: {  	[tilespmem:v3+s24+$0x0] =	vst.idx.msk $0xffff, v2  }
0x16f: {  	s29 =	simm.s32 $0x3;
	[tilespmem:v5+s24+$0x0] =	vst.idx.msk $0xffff, v4  }
0x170: {  	v3 =	vor.u32 s29, v0;
	v2 =	vld [tilespmem:s25+$0xFFFFFF70]  }
0x171: {  	v5 =	vor.u32 s29, v1;
	v4 =	vld [tilespmem:s25+$0xFFFFFF80];
	_ =	sdelay $0x3  }
0x172: {  	[tilespmem:v3+s24+$0x0] =	vst.idx.msk $0xffff, v2  }
0x173: {  	s31 =	simm.s32 $0x4;
	[tilespmem:v5+s24+$0x0] =	vst.idx.msk $0xffff, v4  }
0x174: {  	v3 =	vor.u32 s31, v0;
	v2 =	vld [tilespmem:s25+$0xFFFFFF90]  }
0x175: {  	v5 =	vor.u32 s31, v1;
	v4 =	vld [tilespmem:s25+$0xFFFFFFA0];
	_ =	sdelay $0x3  }
0x176: {  	[tilespmem:v3+s24+$0x0] =	vst.idx.msk $0xffff, v2  }
0x177: {  	s28 =	simm.s32 $0x5;
	[tilespmem:v5+s24+$0x0] =	vst.idx.msk $0xffff, v4  }
0x178: {  	v3 =	vor.u32 s28, v0;
	v2 =	vld [tilespmem:s25+$0xFFFFFFB0]  }
0x179: {  	v5 =	vor.u32 s28, v1;
	v4 =	vld [tilespmem:s25+$0xFFFFFFC0];
	_ =	sdelay $0x3  }
0x17a: {  	[tilespmem:v3+s24+$0x0] =	vst.idx.msk $0xffff, v2  }
0x17b: {  	s29 =	simm.s32 $0x6;
	[tilespmem:v5+s24+$0x0] =	vst.idx.msk $0xffff, v4  }
0x17c: {  	v3 =	vor.u32 s29, v0;
	v2 =	vld [tilespmem:s25+$0xFFFFFFD0]  }
0x17d: {  	v5 =	vor.u32 s29, v1;
	v4 =	vld [tilespmem:s25+$0xFFFFFFE0];
	_ =	sdelay $0x3  }
0x17e: {  	[tilespmem:v3+s24+$0x0] =	vst.idx.msk $0xffff, v2  }
0x17f: {  	s31 =	simm.s32 $0x7;
	[tilespmem:v5+s24+$0x0] =	vst.idx.msk $0xffff, v4  }
0x180: {  	v5 =	vor.u32 s31, v0;
	v4 =	vld [tilespmem:s25+$0xFFFFFFF0];
	_ =	sdelay $0x1  }
0x181: {  	v3 =	vor.u32 s31, v1;
	v2 =	vld [tilespmem:s25+$0x0];
	_ =	sdelay $0x2  }
0x182: {  	s30 =	simm.s32 $0x17;
	s26 =	simm.s32 $0xF;
	[tilespmem:v5+s24+$0x0] =	vst.idx.msk $0xffff, v4  }
.LBB2_10:
0x183: {  	s31 =	sadd.s32 $0xFFFFFFF9, s26  }
0x184: {  	[tilespmem:v3+s24+$0x0] =	vst.idx.msk $0xffff, v2;
	s25 =	sadd.s32 $0x100, s25;
	s29 =	smov.u32 s30;
	s28 =	sadd.s32 $0x8, s30  }
0x185: {  	p0 =	sne.s32 s30, $0x7F;
	v2 =	vld [tilespmem:s25+$0xFFFFFF10];
	v3 =	vor.u32 s31, v0  }
0x186: {  	v5 =	vor.u32 s31, v1;
	v4 =	vld [tilespmem:s25+$0xFFFFFF20];
	_ =	sdelay $0x3  }
0x187: {  	[tilespmem:v3+s24+$0x0] =	vst.idx.msk $0xffff, v2  }
0x188: {  	s30 =	sadd.s32 $0xFFFFFFFA, s26;
	[tilespmem:v5+s24+$0x0] =	vst.idx.msk $0xffff, v4  }
0x189: {  	v3 =	vor.u32 s30, v0;
	v2 =	vld [tilespmem:s25+$0xFFFFFF30]  }
0x18a: {  	v5 =	vor.u32 s30, v1;
	v4 =	vld [tilespmem:s25+$0xFFFFFF40];
	_ =	sdelay $0x3  }
0x18b: {  	[tilespmem:v3+s24+$0x0] =	vst.idx.msk $0xffff, v2  }
0x18c: {  	s30 =	sadd.s32 $0xFFFFFFFB, s26;
	[tilespmem:v5+s24+$0x0] =	vst.idx.msk $0xffff, v4  }
0x18d: {  	v3 =	vor.u32 s30, v0;
	v2 =	vld [tilespmem:s25+$0xFFFFFF50]  }
0x18e: {  	v5 =	vor.u32 s30, v1;
	v4 =	vld [tilespmem:s25+$0xFFFFFF60];
	_ =	sdelay $0x3  }
0x18f: {  	[tilespmem:v3+s24+$0x0] =	vst.idx.msk $0xffff, v2  }
0x190: {  	s30 =	sadd.s32 $0xFFFFFFFC, s26;
	[tilespmem:v5+s24+$0x0] =	vst.idx.msk $0xffff, v4  }
0x191: {  	v3 =	vor.u32 s30, v0;
	v2 =	vld [tilespmem:s25+$0xFFFFFF70]  }
0x192: {  	v5 =	vor.u32 s30, v1;
	v4 =	vld [tilespmem:s25+$0xFFFFFF80];
	_ =	sdelay $0x3  }
0x193: {  	[tilespmem:v3+s24+$0x0] =	vst.idx.msk $0xffff, v2  }
0x194: {  	s30 =	sadd.s32 $0xFFFFFFFD, s26;
	[tilespmem:v5+s24+$0x0] =	vst.idx.msk $0xffff, v4  }
0x195: {  	v3 =	vor.u32 s30, v0;
	v2 =	vld [tilespmem:s25+$0xFFFFFF90]  }
0x196: {  	v5 =	vor.u32 s30, v1;
	v4 =	vld [tilespmem:s25+$0xFFFFFFA0];
	_ =	sdelay $0x3  }
0x197: {  	[tilespmem:v3+s24+$0x0] =	vst.idx.msk $0xffff, v2  }
0x198: {  	s30 =	sadd.s32 $0xFFFFFFFE, s26;
	[tilespmem:v5+s24+$0x0] =	vst.idx.msk $0xffff, v4  }
0x199: {  	v3 =	vor.u32 s30, v0;
	v2 =	vld [tilespmem:s25+$0xFFFFFFB0]  }
0x19a: {  	v5 =	vor.u32 s30, v1;
	v4 =	vld [tilespmem:s25+$0xFFFFFFC0];
	_ =	sdelay $0x3  }
0x19b: {  	[tilespmem:v3+s24+$0x0] =	vst.idx.msk $0xffff, v2  }
0x19c: {  	s30 =	sadd.s32 $0xFFFFFFFF, s26;
	[tilespmem:v5+s24+$0x0] =	vst.idx.msk $0xffff, v4  }
0x19d: {  	v3 =	vor.u32 s30, v0;
	v2 =	vld [tilespmem:s25+$0xFFFFFFD0]  }
0x19e: {  	v5 =	vor.u32 s30, v1;
	v4 =	vld [tilespmem:s25+$0xFFFFFFE0];
	_ =	sdelay $0x3  }
0x19f: {  	[tilespmem:v3+s24+$0x0] =	vst.idx.msk $0xffff, v2  }
0x1a0: {  	[tilespmem:v5+s24+$0x0] =	vst.idx.msk $0xffff, v4  }
0x1a1: {  	v5 =	vor.u32 s26, v0;
	v4 =	vld [tilespmem:s25+$0xFFFFFFF0]  }
.Ltmp7:
0x1a2: {  	v3 =	vor.u32 s26, v1;
	s26 =	smov.u32 s29;
	v2 =	vld [tilespmem:s25+$0x0];
	(pc) =	sbr.rel @p0 .LBB2_10-.Ltmp7, $2  }
0x1a3: {  	_ =	sdelay $0x2  }
0x1a4: {  	s30 =	smov.u32 s28;
	[tilespmem:v5+s24+$0x0] =	vst.idx.msk $0xffff, v4  }
0x1a5: {  	_ =	sdelay $0x3  }
0x1a6: {  	s28 =	sadd.s32 $0xFFFFFFF9, s26;
	[tilespmem:v3+s24+$0x0] =	vst.idx.msk $0xffff, v2;
	s25 =	sadd.s32 $0x100, s25  }
0x1a7: {  	v2 =	vld [tilespmem:s25+$0xFFFFFF10];
	v3 =	vor.u32 s28, v0  }
0x1a8: {  	v4 =	vld [tilespmem:s25+$0xFFFFFF20];
	v5 =	vor.u32 s28, v1;
	_ =	sdelay $0x3  }
0x1a9: {  	[tilespmem:v3+s24+$0x0] =	vst.idx.msk $0xffff, v2  }
0x1aa: {  	s29 =	sadd.s32 $0xFFFFFFFA, s26;
	[tilespmem:v5+s24+$0x0] =	vst.idx.msk $0xffff, v4  }
0x1ab: {  	v3 =	vor.u32 s29, v0;
	v2 =	vld [tilespmem:s25+$0xFFFFFF30]  }
0x1ac: {  	v5 =	vor.u32 s29, v1;
	v4 =	vld [tilespmem:s25+$0xFFFFFF40];
	_ =	sdelay $0x3  }
0x1ad: {  	[tilespmem:v3+s24+$0x0] =	vst.idx.msk $0xffff, v2  }
0x1ae: {  	s31 =	sadd.s32 $0xFFFFFFFB, s26;
	[tilespmem:v5+s24+$0x0] =	vst.idx.msk $0xffff, v4  }
0x1af: {  	v3 =	vor.u32 s31, v0;
	v2 =	vld [tilespmem:s25+$0xFFFFFF50]  }
0x1b0: {  	v5 =	vor.u32 s31, v1;
	v4 =	vld [tilespmem:s25+$0xFFFFFF60];
	_ =	sdelay $0x3  }
0x1b1: {  	[tilespmem:v3+s24+$0x0] =	vst.idx.msk $0xffff, v2  }
0x1b2: {  	s29 =	sadd.s32 $0xFFFFFFFC, s26;
	[tilespmem:v5+s24+$0x0] =	vst.idx.msk $0xffff, v4  }
0x1b3: {  	v3 =	vor.u32 s29, v0;
	v2 =	vld [tilespmem:s25+$0xFFFFFF70]  }
0x1b4: {  	v5 =	vor.u32 s29, v1;
	v4 =	vld [tilespmem:s25+$0xFFFFFF80];
	_ =	sdelay $0x3  }
0x1b5: {  	[tilespmem:v3+s24+$0x0] =	vst.idx.msk $0xffff, v2  }
0x1b6: {  	s31 =	sadd.s32 $0xFFFFFFFD, s26;
	[tilespmem:v5+s24+$0x0] =	vst.idx.msk $0xffff, v4  }
0x1b7: {  	v3 =	vor.u32 s31, v0;
	v2 =	vld [tilespmem:s25+$0xFFFFFF90]  }
0x1b8: {  	v5 =	vor.u32 s31, v1;
	v4 =	vld [tilespmem:s25+$0xFFFFFFA0];
	_ =	sdelay $0x3  }
0x1b9: {  	[tilespmem:v3+s24+$0x0] =	vst.idx.msk $0xffff, v2  }
0x1ba: {  	s29 =	sadd.s32 $0xFFFFFFFE, s26;
	[tilespmem:v5+s24+$0x0] =	vst.idx.msk $0xffff, v4  }
0x1bb: {  	v3 =	vor.u32 s29, v0;
	v2 =	vld [tilespmem:s25+$0xFFFFFFB0]  }
0x1bc: {  	v5 =	vor.u32 s29, v1;
	v4 =	vld [tilespmem:s25+$0xFFFFFFC0];
	_ =	sdelay $0x3  }
0x1bd: {  	[tilespmem:v3+s24+$0x0] =	vst.idx.msk $0xffff, v2  }
0x1be: {  	s31 =	sadd.s32 $0xFFFFFFFF, s26;
	[tilespmem:v5+s24+$0x0] =	vst.idx.msk $0xffff, v4  }
0x1bf: {  	v3 =	vor.u32 s31, v0;
	v2 =	vld [tilespmem:s25+$0xFFFFFFD0]  }
0x1c0: {  	v5 =	vor.u32 s31, v1;
	v4 =	vld [tilespmem:s25+$0xFFFFFFE0];
	_ =	sdelay $0x3  }
0x1c1: {  	[tilespmem:v3+s24+$0x0] =	vst.idx.msk $0xffff, v2  }
0x1c2: {  	[tilespmem:v5+s24+$0x0] =	vst.idx.msk $0xffff, v4  }
0x1c3: {  	v3 =	vor.u32 s26, v0;
	v2 =	vld [tilespmem:s25+$0xFFFFFFF0]  }
0x1c4: {  	v5 =	vor.u32 s26, v1;
	v4 =	vld [tilespmem:s25+$0x0];
	_ =	sdelay $0x3  }
0x1c5: {  	[tilespmem:v3+s24+$0x0] =	vst.idx.msk $0xffff, v2  }
0x1c6: {  	s28 =	sadd.s32 $0x380, s22;
	[tilespmem:v5+s24+$0x0] =	vst.idx.msk $0xffff, v4  }
0x1c7: {  	[tilespmem:s15], [sflag:$0x4] =	stream.indirect.gather [hbm4b:s3+s7], $0x20, s28, s7, $0xb8;
	[tilespmem:$0x1A400] =	vst v63  }
0x1c8: {  	_ =	swait.ge [sflag:s16], $0x1000  }
0x1c9: {  	[sflag:s16] =	ssyncset.done $0x0  }
0x1ca: {  	s29 =	simm.s32 $0x0;
	s25 =	simm.s32 $0x6480;
	[sflag:s16] =	ssyncadd.s32 $0xFFFFF000  }
0x1cb: {  	v3 =	vor.u32 s29, v0;
	v2 =	vld [tilespmem:s25+$0xFFFFFF80]  }
0x1cc: {  	v5 =	vor.u32 s29, v1;
	v4 =	vld [tilespmem:s25+$0xFFFFFF90];
	_ =	sdelay $0x2  }
0x1cd: {  	s24 =	sadd.s32 $0xE400, s23  }
0x1ce: {  	[tilespmem:v3+s24+$0x0] =	vst.idx.msk $0xffff, v2  }
0x1cf: {  	s31 =	simm.s32 $0x1;
	[tilespmem:v5+s24+$0x0] =	vst.idx.msk $0xffff, v4  }
0x1d0: {  	v3 =	vor.u32 s31, v0;
	v2 =	vld [tilespmem:s25+$0xFFFFFFA0]  }
0x1d1: {  	v5 =	vor.u32 s31, v1;
	v4 =	vld [tilespmem:s25+$0xFFFFFFB0];
	_ =	sdelay $0x3  }
0x1d2: {  	[tilespmem:v3+s24+$0x0] =	vst.idx.msk $0xffff, v2  }
0x1d3: {  	s28 =	simm.s32 $0x2;
	[tilespmem:v5+s24+$0x0] =	vst.idx.msk $0xffff, v4  }
0x1d4: {  	v3 =	vor.u32 s28, v0;
	v2 =	vld [tilespmem:s25+$0xFFFFFFC0]  }
0x1d5: {  	v5 =	vor.u32 s28, v1;
	v4 =	vld [tilespmem:s25+$0xFFFFFFD0];
	_ =	sdelay $0x3  }
0x1d6: {  	[tilespmem:v3+s24+$0x0] =	vst.idx.msk $0xffff, v2  }
0x1d7: {  	s29 =	simm.s32 $0x3;
	[tilespmem:v5+s24+$0x0] =	vst.idx.msk $0xffff, v4  }
0x1d8: {  	v3 =	vor.u32 s29, v0;
	v2 =	vld [tilespmem:s25+$0xFFFFFFE0]  }
0x1d9: {  	v5 =	vor.u32 s29, v1;
	v4 =	vld [tilespmem:s25+$0xFFFFFFF0];
	_ =	sdelay $0x3  }
0x1da: {  	[tilespmem:v3+s24+$0x0] =	vst.idx.msk $0xffff, v2  }
0x1db: {  	s31 =	simm.s32 $0x4;
	[tilespmem:v5+s24+$0x0] =	vst.idx.msk $0xffff, v4  }
0x1dc: {  	v3 =	vor.u32 s31, v0;
	v2 =	vld [tilespmem:s25+$0x0]  }
0x1dd: {  	v5 =	vor.u32 s31, v1;
	v4 =	vld [tilespmem:s25+$0x10];
	_ =	sdelay $0x3  }
0x1de: {  	[tilespmem:v3+s24+$0x0] =	vst.idx.msk $0xffff, v2  }
0x1df: {  	s28 =	simm.s32 $0x5;
	[tilespmem:v5+s24+$0x0] =	vst.idx.msk $0xffff, v4  }
0x1e0: {  	v3 =	vor.u32 s28, v0;
	v2 =	vld [tilespmem:s25+$0x20]  }
0x1e1: {  	v5 =	vor.u32 s28, v1;
	v4 =	vld [tilespmem:s25+$0x30];
	_ =	sdelay $0x3  }
0x1e2: {  	[tilespmem:v3+s24+$0x0] =	vst.idx.msk $0xffff, v2  }
0x1e3: {  	s29 =	simm.s32 $0x6;
	[tilespmem:v5+s24+$0x0] =	vst.idx.msk $0xffff, v4  }
0x1e4: {  	v3 =	vor.u32 s29, v0;
	v2 =	vld [tilespmem:s25+$0x40]  }
0x1e5: {  	v5 =	vor.u32 s29, v1;
	v4 =	vld [tilespmem:s25+$0x50];
	_ =	sdelay $0x3  }
0x1e6: {  	[tilespmem:v3+s24+$0x0] =	vst.idx.msk $0xffff, v2  }
0x1e7: {  	s31 =	simm.s32 $0x7;
	[tilespmem:v5+s24+$0x0] =	vst.idx.msk $0xffff, v4  }
0x1e8: {  	v5 =	vor.u32 s31, v0;
	v4 =	vld [tilespmem:s25+$0x60];
	_ =	sdelay $0x1  }
0x1e9: {  	v3 =	vor.u32 s31, v1;
	v2 =	vld [tilespmem:s25+$0x70];
	_ =	sdelay $0x2  }
0x1ea: {  	s30 =	simm.s32 $0x17;
	s26 =	simm.s32 $0xF;
	[tilespmem:v5+s24+$0x0] =	vst.idx.msk $0xffff, v4  }
.LBB2_12:
0x1eb: {  	s31 =	sadd.s32 $0xFFFFFFF9, s26  }
0x1ec: {  	[tilespmem:v3+s24+$0x0] =	vst.idx.msk $0xffff, v2;
	s25 =	sadd.s32 $0x100, s25;
	s29 =	smov.u32 s30;
	s28 =	sadd.s32 $0x8, s30  }
0x1ed: {  	p0 =	sne.s32 s30, $0x7F;
	v2 =	vld [tilespmem:s25+$0xFFFFFF80];
	v3 =	vor.u32 s31, v0  }
0x1ee: {  	v5 =	vor.u32 s31, v1;
	v4 =	vld [tilespmem:s25+$0xFFFFFF90];
	_ =	sdelay $0x3  }
0x1ef: {  	[tilespmem:v3+s24+$0x0] =	vst.idx.msk $0xffff, v2  }
0x1f0: {  	s30 =	sadd.s32 $0xFFFFFFFA, s26;
	[tilespmem:v5+s24+$0x0] =	vst.idx.msk $0xffff, v4  }
0x1f1: {  	v3 =	vor.u32 s30, v0;
	v2 =	vld [tilespmem:s25+$0xFFFFFFA0]  }
0x1f2: {  	v5 =	vor.u32 s30, v1;
	v4 =	vld [tilespmem:s25+$0xFFFFFFB0];
	_ =	sdelay $0x3  }
0x1f3: {  	[tilespmem:v3+s24+$0x0] =	vst.idx.msk $0xffff, v2  }
0x1f4: {  	s30 =	sadd.s32 $0xFFFFFFFB, s26;
	[tilespmem:v5+s24+$0x0] =	vst.idx.msk $0xffff, v4  }
0x1f5: {  	v3 =	vor.u32 s30, v0;
	v2 =	vld [tilespmem:s25+$0xFFFFFFC0]  }
0x1f6: {  	v5 =	vor.u32 s30, v1;
	v4 =	vld [tilespmem:s25+$0xFFFFFFD0];
	_ =	sdelay $0x3  }
0x1f7: {  	[tilespmem:v3+s24+$0x0] =	vst.idx.msk $0xffff, v2  }
0x1f8: {  	s30 =	sadd.s32 $0xFFFFFFFC, s26;
	[tilespmem:v5+s24+$0x0] =	vst.idx.msk $0xffff, v4  }
0x1f9: {  	v3 =	vor.u32 s30, v0;
	v2 =	vld [tilespmem:s25+$0xFFFFFFE0]  }
0x1fa: {  	v5 =	vor.u32 s30, v1;
	v4 =	vld [tilespmem:s25+$0xFFFFFFF0];
	_ =	sdelay $0x3  }
0x1fb: {  	[tilespmem:v3+s24+$0x0] =	vst.idx.msk $0xffff, v2  }
0x1fc: {  	s30 =	sadd.s32 $0xFFFFFFFD, s26;
	[tilespmem:v5+s24+$0x0] =	vst.idx.msk $0xffff, v4  }
0x1fd: {  	v3 =	vor.u32 s30, v0;
	v2 =	vld [tilespmem:s25+$0x0]  }
0x1fe: {  	v5 =	vor.u32 s30, v1;
	v4 =	vld [tilespmem:s25+$0x10];
	_ =	sdelay $0x3  }
0x1ff: {  	[tilespmem:v3+s24+$0x0] =	vst.idx.msk $0xffff, v2  }
0x200: {  	s30 =	sadd.s32 $0xFFFFFFFE, s26;
	[tilespmem:v5+s24+$0x0] =	vst.idx.msk $0xffff, v4  }
0x201: {  	v3 =	vor.u32 s30, v0;
	v2 =	vld [tilespmem:s25+$0x20]  }
0x202: {  	v5 =	vor.u32 s30, v1;
	v4 =	vld [tilespmem:s25+$0x30];
	_ =	sdelay $0x3  }
0x203: {  	[tilespmem:v3+s24+$0x0] =	vst.idx.msk $0xffff, v2  }
0x204: {  	s30 =	sadd.s32 $0xFFFFFFFF, s26;
	[tilespmem:v5+s24+$0x0] =	vst.idx.msk $0xffff, v4  }
0x205: {  	v3 =	vor.u32 s30, v0;
	v2 =	vld [tilespmem:s25+$0x40]  }
0x206: {  	v5 =	vor.u32 s30, v1;
	v4 =	vld [tilespmem:s25+$0x50];
	_ =	sdelay $0x3  }
0x207: {  	[tilespmem:v3+s24+$0x0] =	vst.idx.msk $0xffff, v2  }
0x208: {  	[tilespmem:v5+s24+$0x0] =	vst.idx.msk $0xffff, v4  }
0x209: {  	v5 =	vor.u32 s26, v0;
	v4 =	vld [tilespmem:s25+$0x60]  }
.Ltmp8:
0x20a: {  	v3 =	vor.u32 s26, v1;
	s26 =	smov.u32 s29;
	v2 =	vld [tilespmem:s25+$0x70];
	(pc) =	sbr.rel @p0 .LBB2_12-.Ltmp8, $2  }
0x20b: {  	_ =	sdelay $0x2  }
0x20c: {  	s30 =	smov.u32 s28;
	[tilespmem:v5+s24+$0x0] =	vst.idx.msk $0xffff, v4  }
0x20d: {  	_ =	sdelay $0x3  }
0x20e: {  	s28 =	sadd.s32 $0xFFFFFFF9, s26;
	[tilespmem:v3+s24+$0x0] =	vst.idx.msk $0xffff, v2;
	s25 =	sadd.s32 $0x100, s25  }
0x20f: {  	v2 =	vld [tilespmem:s25+$0xFFFFFF80];
	v3 =	vor.u32 s28, v0  }
0x210: {  	v4 =	vld [tilespmem:s25+$0xFFFFFF90];
	v5 =	vor.u32 s28, v1;
	_ =	sdelay $0x3  }
0x211: {  	[tilespmem:v3+s24+$0x0] =	vst.idx.msk $0xffff, v2  }
0x212: {  	s29 =	sadd.s32 $0xFFFFFFFA, s26;
	[tilespmem:v5+s24+$0x0] =	vst.idx.msk $0xffff, v4  }
0x213: {  	v3 =	vor.u32 s29, v0;
	v2 =	vld [tilespmem:s25+$0xFFFFFFA0]  }
0x214: {  	v5 =	vor.u32 s29, v1;
	v4 =	vld [tilespmem:s25+$0xFFFFFFB0];
	_ =	sdelay $0x3  }
0x215: {  	[tilespmem:v3+s24+$0x0] =	vst.idx.msk $0xffff, v2  }
0x216: {  	s31 =	sadd.s32 $0xFFFFFFFB, s26;
	[tilespmem:v5+s24+$0x0] =	vst.idx.msk $0xffff, v4  }
0x217: {  	v3 =	vor.u32 s31, v0;
	v2 =	vld [tilespmem:s25+$0xFFFFFFC0]  }
0x218: {  	v5 =	vor.u32 s31, v1;
	v4 =	vld [tilespmem:s25+$0xFFFFFFD0];
	_ =	sdelay $0x3  }
0x219: {  	[tilespmem:v3+s24+$0x0] =	vst.idx.msk $0xffff, v2  }
0x21a: {  	s29 =	sadd.s32 $0xFFFFFFFC, s26;
	[tilespmem:v5+s24+$0x0] =	vst.idx.msk $0xffff, v4  }
0x21b: {  	v3 =	vor.u32 s29, v0;
	v2 =	vld [tilespmem:s25+$0xFFFFFFE0]  }
0x21c: {  	v5 =	vor.u32 s29, v1;
	v4 =	vld [tilespmem:s25+$0xFFFFFFF0];
	_ =	sdelay $0x3  }
0x21d: {  	[tilespmem:v3+s24+$0x0] =	vst.idx.msk $0xffff, v2  }
0x21e: {  	s31 =	sadd.s32 $0xFFFFFFFD, s26;
	[tilespmem:v5+s24+$0x0] =	vst.idx.msk $0xffff, v4  }
0x21f: {  	v3 =	vor.u32 s31, v0;
	v2 =	vld [tilespmem:s25+$0x0]  }
0x220: {  	v5 =	vor.u32 s31, v1;
	v4 =	vld [tilespmem:s25+$0x10];
	_ =	sdelay $0x3  }
0x221: {  	[tilespmem:v3+s24+$0x0] =	vst.idx.msk $0xffff, v2  }
0x222: {  	s29 =	sadd.s32 $0xFFFFFFFE, s26;
	[tilespmem:v5+s24+$0x0] =	vst.idx.msk $0xffff, v4  }
0x223: {  	v3 =	vor.u32 s29, v0;
	v2 =	vld [tilespmem:s25+$0x20]  }
0x224: {  	v5 =	vor.u32 s29, v1;
	v4 =	vld [tilespmem:s25+$0x30];
	_ =	sdelay $0x3  }
0x225: {  	[tilespmem:v3+s24+$0x0] =	vst.idx.msk $0xffff, v2  }
0x226: {  	s31 =	sadd.s32 $0xFFFFFFFF, s26;
	[tilespmem:v5+s24+$0x0] =	vst.idx.msk $0xffff, v4  }
0x227: {  	v3 =	vor.u32 s31, v0;
	v2 =	vld [tilespmem:s25+$0x40]  }
0x228: {  	v5 =	vor.u32 s31, v1;
	v4 =	vld [tilespmem:s25+$0x50];
	_ =	sdelay $0x3  }
0x229: {  	[tilespmem:v3+s24+$0x0] =	vst.idx.msk $0xffff, v2  }
0x22a: {  	[tilespmem:v5+s24+$0x0] =	vst.idx.msk $0xffff, v4  }
0x22b: {  	v3 =	vor.u32 s26, v0;
	v2 =	vld [tilespmem:s25+$0x60]  }
0x22c: {  	v5 =	vor.u32 s26, v1;
	v4 =	vld [tilespmem:s25+$0x70];
	_ =	sdelay $0x3  }
0x22d: {  	p0 =	seq.s32 s21, $0x18;
	[tilespmem:v3+s24+$0x0] =	vst.idx.msk $0xffff, v2  }
0x22e: {  	s26 =	simm.s32 @!p0 $0x6400;
	s25 =	simm.s32 @!p0 $0x80;
	[tilespmem:v5+s24+$0x0] =	vst.idx.msk $0xffff, v4;
	s24 =	sadd.s32 @!p0 $0x400, s22  }
0x22f: {  	[tilespmem:s26], [sflag:$0x1] =	stream.indirect.gather @!p0 [hbm4b:s3+s25], $0x20, s24, s25, $0xb8;
	[tilespmem:$0x1A400] =	vst v63  }
0x230: {  	_ =	swait.ge [sflag:s17], $0x1000  }
0x231: {  	[sflag:s17] =	ssyncset.done $0x0  }
0x232: {  	s29 =	simm.s32 $0x0;
	s25 =	simm.s32 $0x74F0;
	[sflag:s17] =	ssyncadd.s32 $0xFFFFF000  }
0x233: {  	v3 =	vor.u32 s29, v0;
	v2 =	vld [tilespmem:s25+$0xFFFFFF10]  }
0x234: {  	v5 =	vor.u32 s29, v1;
	v4 =	vld [tilespmem:s25+$0xFFFFFF20];
	_ =	sdelay $0x2  }
0x235: {  	s24 =	sadd.s32 $0xF400, s23  }
0x236: {  	[tilespmem:v3+s24+$0x0] =	vst.idx.msk $0xffff, v2  }
0x237: {  	s31 =	simm.s32 $0x1;
	[tilespmem:v5+s24+$0x0] =	vst.idx.msk $0xffff, v4  }
0x238: {  	v3 =	vor.u32 s31, v0;
	v2 =	vld [tilespmem:s25+$0xFFFFFF30]  }
0x239: {  	v5 =	vor.u32 s31, v1;
	v4 =	vld [tilespmem:s25+$0xFFFFFF40];
	_ =	sdelay $0x3  }
0x23a: {  	[tilespmem:v3+s24+$0x0] =	vst.idx.msk $0xffff, v2  }
0x23b: {  	s28 =	simm.s32 $0x2;
	[tilespmem:v5+s24+$0x0] =	vst.idx.msk $0xffff, v4  }
0x23c: {  	v3 =	vor.u32 s28, v0;
	v2 =	vld [tilespmem:s25+$0xFFFFFF50]  }
0x23d: {  	v5 =	vor.u32 s28, v1;
	v4 =	vld [tilespmem:s25+$0xFFFFFF60];
	_ =	sdelay $0x3  }
0x23e: {  	[tilespmem:v3+s24+$0x0] =	vst.idx.msk $0xffff, v2  }
0x23f: {  	s29 =	simm.s32 $0x3;
	[tilespmem:v5+s24+$0x0] =	vst.idx.msk $0xffff, v4  }
0x240: {  	v3 =	vor.u32 s29, v0;
	v2 =	vld [tilespmem:s25+$0xFFFFFF70]  }
0x241: {  	v5 =	vor.u32 s29, v1;
	v4 =	vld [tilespmem:s25+$0xFFFFFF80];
	_ =	sdelay $0x3  }
0x242: {  	[tilespmem:v3+s24+$0x0] =	vst.idx.msk $0xffff, v2  }
0x243: {  	s31 =	simm.s32 $0x4;
	[tilespmem:v5+s24+$0x0] =	vst.idx.msk $0xffff, v4  }
0x244: {  	v3 =	vor.u32 s31, v0;
	v2 =	vld [tilespmem:s25+$0xFFFFFF90]  }
0x245: {  	v5 =	vor.u32 s31, v1;
	v4 =	vld [tilespmem:s25+$0xFFFFFFA0];
	_ =	sdelay $0x3  }
0x246: {  	[tilespmem:v3+s24+$0x0] =	vst.idx.msk $0xffff, v2  }
0x247: {  	s28 =	simm.s32 $0x5;
	[tilespmem:v5+s24+$0x0] =	vst.idx.msk $0xffff, v4  }
0x248: {  	v3 =	vor.u32 s28, v0;
	v2 =	vld [tilespmem:s25+$0xFFFFFFB0]  }
0x249: {  	v5 =	vor.u32 s28, v1;
	v4 =	vld [tilespmem:s25+$0xFFFFFFC0];
	_ =	sdelay $0x3  }
0x24a: {  	[tilespmem:v3+s24+$0x0] =	vst.idx.msk $0xffff, v2  }
0x24b: {  	s29 =	simm.s32 $0x6;
	[tilespmem:v5+s24+$0x0] =	vst.idx.msk $0xffff, v4  }
0x24c: {  	v3 =	vor.u32 s29, v0;
	v2 =	vld [tilespmem:s25+$0xFFFFFFD0]  }
0x24d: {  	v5 =	vor.u32 s29, v1;
	v4 =	vld [tilespmem:s25+$0xFFFFFFE0];
	_ =	sdelay $0x3  }
0x24e: {  	[tilespmem:v3+s24+$0x0] =	vst.idx.msk $0xffff, v2  }
0x24f: {  	s31 =	simm.s32 $0x7;
	[tilespmem:v5+s24+$0x0] =	vst.idx.msk $0xffff, v4  }
0x250: {  	v5 =	vor.u32 s31, v0;
	v4 =	vld [tilespmem:s25+$0xFFFFFFF0];
	_ =	sdelay $0x1  }
0x251: {  	v3 =	vor.u32 s31, v1;
	v2 =	vld [tilespmem:s25+$0x0];
	_ =	sdelay $0x2  }
0x252: {  	s30 =	simm.s32 $0x17;
	s26 =	simm.s32 $0xF;
	[tilespmem:v5+s24+$0x0] =	vst.idx.msk $0xffff, v4  }
.LBB2_14:
0x253: {  	s31 =	sadd.s32 $0xFFFFFFF9, s26  }
0x254: {  	[tilespmem:v3+s24+$0x0] =	vst.idx.msk $0xffff, v2;
	s25 =	sadd.s32 $0x100, s25;
	s29 =	smov.u32 s30;
	s28 =	sadd.s32 $0x8, s30  }
0x255: {  	p1 =	sne.s32 s30, $0x7F;
	v2 =	vld [tilespmem:s25+$0xFFFFFF10];
	v3 =	vor.u32 s31, v0  }
0x256: {  	v5 =	vor.u32 s31, v1;
	v4 =	vld [tilespmem:s25+$0xFFFFFF20];
	_ =	sdelay $0x3  }
0x257: {  	[tilespmem:v3+s24+$0x0] =	vst.idx.msk $0xffff, v2  }
0x258: {  	s30 =	sadd.s32 $0xFFFFFFFA, s26;
	[tilespmem:v5+s24+$0x0] =	vst.idx.msk $0xffff, v4  }
0x259: {  	v3 =	vor.u32 s30, v0;
	v2 =	vld [tilespmem:s25+$0xFFFFFF30]  }
0x25a: {  	v5 =	vor.u32 s30, v1;
	v4 =	vld [tilespmem:s25+$0xFFFFFF40];
	_ =	sdelay $0x3  }
0x25b: {  	[tilespmem:v3+s24+$0x0] =	vst.idx.msk $0xffff, v2  }
0x25c: {  	s30 =	sadd.s32 $0xFFFFFFFB, s26;
	[tilespmem:v5+s24+$0x0] =	vst.idx.msk $0xffff, v4  }
0x25d: {  	v3 =	vor.u32 s30, v0;
	v2 =	vld [tilespmem:s25+$0xFFFFFF50]  }
0x25e: {  	v5 =	vor.u32 s30, v1;
	v4 =	vld [tilespmem:s25+$0xFFFFFF60];
	_ =	sdelay $0x3  }
0x25f: {  	[tilespmem:v3+s24+$0x0] =	vst.idx.msk $0xffff, v2  }
0x260: {  	s30 =	sadd.s32 $0xFFFFFFFC, s26;
	[tilespmem:v5+s24+$0x0] =	vst.idx.msk $0xffff, v4  }
0x261: {  	v3 =	vor.u32 s30, v0;
	v2 =	vld [tilespmem:s25+$0xFFFFFF70]  }
0x262: {  	v5 =	vor.u32 s30, v1;
	v4 =	vld [tilespmem:s25+$0xFFFFFF80];
	_ =	sdelay $0x3  }
0x263: {  	[tilespmem:v3+s24+$0x0] =	vst.idx.msk $0xffff, v2  }
0x264: {  	s30 =	sadd.s32 $0xFFFFFFFD, s26;
	[tilespmem:v5+s24+$0x0] =	vst.idx.msk $0xffff, v4  }
0x265: {  	v3 =	vor.u32 s30, v0;
	v2 =	vld [tilespmem:s25+$0xFFFFFF90]  }
0x266: {  	v5 =	vor.u32 s30, v1;
	v4 =	vld [tilespmem:s25+$0xFFFFFFA0];
	_ =	sdelay $0x3  }
0x267: {  	[tilespmem:v3+s24+$0x0] =	vst.idx.msk $0xffff, v2  }
0x268: {  	s30 =	sadd.s32 $0xFFFFFFFE, s26;
	[tilespmem:v5+s24+$0x0] =	vst.idx.msk $0xffff, v4  }
0x269: {  	v3 =	vor.u32 s30, v0;
	v2 =	vld [tilespmem:s25+$0xFFFFFFB0]  }
0x26a: {  	v5 =	vor.u32 s30, v1;
	v4 =	vld [tilespmem:s25+$0xFFFFFFC0];
	_ =	sdelay $0x3  }
0x26b: {  	[tilespmem:v3+s24+$0x0] =	vst.idx.msk $0xffff, v2  }
0x26c: {  	s30 =	sadd.s32 $0xFFFFFFFF, s26;
	[tilespmem:v5+s24+$0x0] =	vst.idx.msk $0xffff, v4  }
0x26d: {  	v3 =	vor.u32 s30, v0;
	v2 =	vld [tilespmem:s25+$0xFFFFFFD0]  }
0x26e: {  	v5 =	vor.u32 s30, v1;
	v4 =	vld [tilespmem:s25+$0xFFFFFFE0];
	_ =	sdelay $0x3  }
0x26f: {  	[tilespmem:v3+s24+$0x0] =	vst.idx.msk $0xffff, v2  }
0x270: {  	[tilespmem:v5+s24+$0x0] =	vst.idx.msk $0xffff, v4  }
0x271: {  	v5 =	vor.u32 s26, v0;
	v4 =	vld [tilespmem:s25+$0xFFFFFFF0]  }
.Ltmp9:
0x272: {  	v3 =	vor.u32 s26, v1;
	s26 =	smov.u32 s29;
	v2 =	vld [tilespmem:s25+$0x0];
	(pc) =	sbr.rel @p1 .LBB2_14-.Ltmp9, $2  }
0x273: {  	_ =	sdelay $0x2  }
0x274: {  	s30 =	smov.u32 s28;
	[tilespmem:v5+s24+$0x0] =	vst.idx.msk $0xffff, v4  }
0x275: {  	_ =	sdelay $0x3  }
0x276: {  	s28 =	sadd.s32 $0xFFFFFFF9, s26;
	[tilespmem:v3+s24+$0x0] =	vst.idx.msk $0xffff, v2;
	s25 =	sadd.s32 $0x100, s25  }
0x277: {  	v2 =	vld [tilespmem:s25+$0xFFFFFF10];
	v3 =	vor.u32 s28, v0  }
0x278: {  	v4 =	vld [tilespmem:s25+$0xFFFFFF20];
	v5 =	vor.u32 s28, v1;
	_ =	sdelay $0x3  }
0x279: {  	[tilespmem:v3+s24+$0x0] =	vst.idx.msk $0xffff, v2  }
0x27a: {  	s29 =	sadd.s32 $0xFFFFFFFA, s26;
	[tilespmem:v5+s24+$0x0] =	vst.idx.msk $0xffff, v4  }
0x27b: {  	v3 =	vor.u32 s29, v0;
	v2 =	vld [tilespmem:s25+$0xFFFFFF30]  }
0x27c: {  	v5 =	vor.u32 s29, v1;
	v4 =	vld [tilespmem:s25+$0xFFFFFF40];
	_ =	sdelay $0x3  }
0x27d: {  	[tilespmem:v3+s24+$0x0] =	vst.idx.msk $0xffff, v2  }
0x27e: {  	s31 =	sadd.s32 $0xFFFFFFFB, s26;
	[tilespmem:v5+s24+$0x0] =	vst.idx.msk $0xffff, v4  }
0x27f: {  	v3 =	vor.u32 s31, v0;
	v2 =	vld [tilespmem:s25+$0xFFFFFF50]  }
0x280: {  	v5 =	vor.u32 s31, v1;
	v4 =	vld [tilespmem:s25+$0xFFFFFF60];
	_ =	sdelay $0x3  }
0x281: {  	[tilespmem:v3+s24+$0x0] =	vst.idx.msk $0xffff, v2  }
0x282: {  	s29 =	sadd.s32 $0xFFFFFFFC, s26;
	[tilespmem:v5+s24+$0x0] =	vst.idx.msk $0xffff, v4  }
0x283: {  	v3 =	vor.u32 s29, v0;
	v2 =	vld [tilespmem:s25+$0xFFFFFF70]  }
0x284: {  	v5 =	vor.u32 s29, v1;
	v4 =	vld [tilespmem:s25+$0xFFFFFF80];
	_ =	sdelay $0x3  }
0x285: {  	[tilespmem:v3+s24+$0x0] =	vst.idx.msk $0xffff, v2  }
0x286: {  	s31 =	sadd.s32 $0xFFFFFFFD, s26;
	[tilespmem:v5+s24+$0x0] =	vst.idx.msk $0xffff, v4  }
0x287: {  	v3 =	vor.u32 s31, v0;
	v2 =	vld [tilespmem:s25+$0xFFFFFF90]  }
0x288: {  	v5 =	vor.u32 s31, v1;
	v4 =	vld [tilespmem:s25+$0xFFFFFFA0];
	_ =	sdelay $0x3  }
0x289: {  	[tilespmem:v3+s24+$0x0] =	vst.idx.msk $0xffff, v2  }
0x28a: {  	s29 =	sadd.s32 $0xFFFFFFFE, s26;
	[tilespmem:v5+s24+$0x0] =	vst.idx.msk $0xffff, v4  }
0x28b: {  	v3 =	vor.u32 s29, v0;
	v2 =	vld [tilespmem:s25+$0xFFFFFFB0]  }
0x28c: {  	v5 =	vor.u32 s29, v1;
	v4 =	vld [tilespmem:s25+$0xFFFFFFC0];
	_ =	sdelay $0x3  }
0x28d: {  	[tilespmem:v3+s24+$0x0] =	vst.idx.msk $0xffff, v2  }
0x28e: {  	s31 =	sadd.s32 $0xFFFFFFFF, s26;
	[tilespmem:v5+s24+$0x0] =	vst.idx.msk $0xffff, v4  }
0x28f: {  	v3 =	vor.u32 s31, v0;
	v2 =	vld [tilespmem:s25+$0xFFFFFFD0]  }
0x290: {  	v5 =	vor.u32 s31, v1;
	v4 =	vld [tilespmem:s25+$0xFFFFFFE0];
	_ =	sdelay $0x3  }
0x291: {  	[tilespmem:v3+s24+$0x0] =	vst.idx.msk $0xffff, v2  }
0x292: {  	[tilespmem:v5+s24+$0x0] =	vst.idx.msk $0xffff, v4  }
0x293: {  	v3 =	vor.u32 s26, v0;
	v2 =	vld [tilespmem:s25+$0xFFFFFFF0]  }
0x294: {  	v5 =	vor.u32 s26, v1;
	v4 =	vld [tilespmem:s25+$0x0];
	_ =	sdelay $0x3  }
0x295: {  	[tilespmem:v3+s24+$0x0] =	vst.idx.msk $0xffff, v2  }
0x296: {  	s26 =	simm.s32 @!p0 $0x7400;
	s25 =	simm.s32 @!p0 $0x80;
	[tilespmem:v5+s24+$0x0] =	vst.idx.msk $0xffff, v4;
	s24 =	sadd.s32 @!p0 $0x480, s22  }
0x297: {  	[tilespmem:s26], [sflag:$0x2] =	stream.indirect.gather @!p0 [hbm4b:s3+s25], $0x20, s24, s25, $0xb8;
	[tilespmem:$0x1A400] =	vst v63  }
0x298: {  	_ =	swait.ge [sflag:s18], $0x1000  }
0x299: {  	[sflag:s18] =	ssyncset.done $0x0  }
0x29a: {  	s29 =	simm.s32 $0x0;
	s25 =	simm.s32 $0x84F0;
	[sflag:s18] =	ssyncadd.s32 $0xFFFFF000  }
0x29b: {  	v3 =	vor.u32 s29, v0;
	v2 =	vld [tilespmem:s25+$0xFFFFFF10]  }
0x29c: {  	v5 =	vor.u32 s29, v1;
	v4 =	vld [tilespmem:s25+$0xFFFFFF20];
	_ =	sdelay $0x2  }
0x29d: {  	s24 =	sadd.s32 $0x10400, s23  }
0x29e: {  	[tilespmem:v3+s24+$0x0] =	vst.idx.msk $0xffff, v2  }
0x29f: {  	s31 =	simm.s32 $0x1;
	[tilespmem:v5+s24+$0x0] =	vst.idx.msk $0xffff, v4  }
0x2a0: {  	v3 =	vor.u32 s31, v0;
	v2 =	vld [tilespmem:s25+$0xFFFFFF30]  }
0x2a1: {  	v5 =	vor.u32 s31, v1;
	v4 =	vld [tilespmem:s25+$0xFFFFFF40];
	_ =	sdelay $0x3  }
0x2a2: {  	[tilespmem:v3+s24+$0x0] =	vst.idx.msk $0xffff, v2  }
0x2a3: {  	s28 =	simm.s32 $0x2;
	[tilespmem:v5+s24+$0x0] =	vst.idx.msk $0xffff, v4  }
0x2a4: {  	v3 =	vor.u32 s28, v0;
	v2 =	vld [tilespmem:s25+$0xFFFFFF50]  }
0x2a5: {  	v5 =	vor.u32 s28, v1;
	v4 =	vld [tilespmem:s25+$0xFFFFFF60];
	_ =	sdelay $0x3  }
0x2a6: {  	[tilespmem:v3+s24+$0x0] =	vst.idx.msk $0xffff, v2  }
0x2a7: {  	s29 =	simm.s32 $0x3;
	[tilespmem:v5+s24+$0x0] =	vst.idx.msk $0xffff, v4  }
0x2a8: {  	v3 =	vor.u32 s29, v0;
	v2 =	vld [tilespmem:s25+$0xFFFFFF70]  }
0x2a9: {  	v5 =	vor.u32 s29, v1;
	v4 =	vld [tilespmem:s25+$0xFFFFFF80];
	_ =	sdelay $0x3  }
0x2aa: {  	[tilespmem:v3+s24+$0x0] =	vst.idx.msk $0xffff, v2  }
0x2ab: {  	s31 =	simm.s32 $0x4;
	[tilespmem:v5+s24+$0x0] =	vst.idx.msk $0xffff, v4  }
0x2ac: {  	v3 =	vor.u32 s31, v0;
	v2 =	vld [tilespmem:s25+$0xFFFFFF90]  }
0x2ad: {  	v5 =	vor.u32 s31, v1;
	v4 =	vld [tilespmem:s25+$0xFFFFFFA0];
	_ =	sdelay $0x3  }
0x2ae: {  	[tilespmem:v3+s24+$0x0] =	vst.idx.msk $0xffff, v2  }
0x2af: {  	s28 =	simm.s32 $0x5;
	[tilespmem:v5+s24+$0x0] =	vst.idx.msk $0xffff, v4  }
0x2b0: {  	v3 =	vor.u32 s28, v0;
	v2 =	vld [tilespmem:s25+$0xFFFFFFB0]  }
0x2b1: {  	v5 =	vor.u32 s28, v1;
	v4 =	vld [tilespmem:s25+$0xFFFFFFC0];
	_ =	sdelay $0x3  }
0x2b2: {  	[tilespmem:v3+s24+$0x0] =	vst.idx.msk $0xffff, v2  }
0x2b3: {  	s29 =	simm.s32 $0x6;
	[tilespmem:v5+s24+$0x0] =	vst.idx.msk $0xffff, v4  }
0x2b4: {  	v3 =	vor.u32 s29, v0;
	v2 =	vld [tilespmem:s25+$0xFFFFFFD0]  }
0x2b5: {  	v5 =	vor.u32 s29, v1;
	v4 =	vld [tilespmem:s25+$0xFFFFFFE0];
	_ =	sdelay $0x3  }
0x2b6: {  	[tilespmem:v3+s24+$0x0] =	vst.idx.msk $0xffff, v2  }
0x2b7: {  	s31 =	simm.s32 $0x7;
	[tilespmem:v5+s24+$0x0] =	vst.idx.msk $0xffff, v4  }
0x2b8: {  	v5 =	vor.u32 s31, v0;
	v4 =	vld [tilespmem:s25+$0xFFFFFFF0];
	_ =	sdelay $0x1  }
0x2b9: {  	v3 =	vor.u32 s31, v1;
	v2 =	vld [tilespmem:s25+$0x0];
	_ =	sdelay $0x2  }
0x2ba: {  	s30 =	simm.s32 $0x17;
	s26 =	simm.s32 $0xF;
	[tilespmem:v5+s24+$0x0] =	vst.idx.msk $0xffff, v4  }
.LBB2_16:
0x2bb: {  	s31 =	sadd.s32 $0xFFFFFFF9, s26  }
0x2bc: {  	[tilespmem:v3+s24+$0x0] =	vst.idx.msk $0xffff, v2;
	s25 =	sadd.s32 $0x100, s25;
	s29 =	smov.u32 s30;
	s28 =	sadd.s32 $0x8, s30  }
0x2bd: {  	p1 =	sne.s32 s30, $0x7F;
	v2 =	vld [tilespmem:s25+$0xFFFFFF10];
	v3 =	vor.u32 s31, v0  }
0x2be: {  	v5 =	vor.u32 s31, v1;
	v4 =	vld [tilespmem:s25+$0xFFFFFF20];
	_ =	sdelay $0x3  }
0x2bf: {  	[tilespmem:v3+s24+$0x0] =	vst.idx.msk $0xffff, v2  }
0x2c0: {  	s30 =	sadd.s32 $0xFFFFFFFA, s26;
	[tilespmem:v5+s24+$0x0] =	vst.idx.msk $0xffff, v4  }
0x2c1: {  	v3 =	vor.u32 s30, v0;
	v2 =	vld [tilespmem:s25+$0xFFFFFF30]  }
0x2c2: {  	v5 =	vor.u32 s30, v1;
	v4 =	vld [tilespmem:s25+$0xFFFFFF40];
	_ =	sdelay $0x3  }
0x2c3: {  	[tilespmem:v3+s24+$0x0] =	vst.idx.msk $0xffff, v2  }
0x2c4: {  	s30 =	sadd.s32 $0xFFFFFFFB, s26;
	[tilespmem:v5+s24+$0x0] =	vst.idx.msk $0xffff, v4  }
0x2c5: {  	v3 =	vor.u32 s30, v0;
	v2 =	vld [tilespmem:s25+$0xFFFFFF50]  }
0x2c6: {  	v5 =	vor.u32 s30, v1;
	v4 =	vld [tilespmem:s25+$0xFFFFFF60];
	_ =	sdelay $0x3  }
0x2c7: {  	[tilespmem:v3+s24+$0x0] =	vst.idx.msk $0xffff, v2  }
0x2c8: {  	s30 =	sadd.s32 $0xFFFFFFFC, s26;
	[tilespmem:v5+s24+$0x0] =	vst.idx.msk $0xffff, v4  }
0x2c9: {  	v3 =	vor.u32 s30, v0;
	v2 =	vld [tilespmem:s25+$0xFFFFFF70]  }
0x2ca: {  	v5 =	vor.u32 s30, v1;
	v4 =	vld [tilespmem:s25+$0xFFFFFF80];
	_ =	sdelay $0x3  }
0x2cb: {  	[tilespmem:v3+s24+$0x0] =	vst.idx.msk $0xffff, v2  }
0x2cc: {  	s30 =	sadd.s32 $0xFFFFFFFD, s26;
	[tilespmem:v5+s24+$0x0] =	vst.idx.msk $0xffff, v4  }
0x2cd: {  	v3 =	vor.u32 s30, v0;
	v2 =	vld [tilespmem:s25+$0xFFFFFF90]  }
0x2ce: {  	v5 =	vor.u32 s30, v1;
	v4 =	vld [tilespmem:s25+$0xFFFFFFA0];
	_ =	sdelay $0x3  }
0x2cf: {  	[tilespmem:v3+s24+$0x0] =	vst.idx.msk $0xffff, v2  }
0x2d0: {  	s30 =	sadd.s32 $0xFFFFFFFE, s26;
	[tilespmem:v5+s24+$0x0] =	vst.idx.msk $0xffff, v4  }
0x2d1: {  	v3 =	vor.u32 s30, v0;
	v2 =	vld [tilespmem:s25+$0xFFFFFFB0]  }
0x2d2: {  	v5 =	vor.u32 s30, v1;
	v4 =	vld [tilespmem:s25+$0xFFFFFFC0];
	_ =	sdelay $0x3  }
0x2d3: {  	[tilespmem:v3+s24+$0x0] =	vst.idx.msk $0xffff, v2  }
0x2d4: {  	s30 =	sadd.s32 $0xFFFFFFFF, s26;
	[tilespmem:v5+s24+$0x0] =	vst.idx.msk $0xffff, v4  }
0x2d5: {  	v3 =	vor.u32 s30, v0;
	v2 =	vld [tilespmem:s25+$0xFFFFFFD0]  }
0x2d6: {  	v5 =	vor.u32 s30, v1;
	v4 =	vld [tilespmem:s25+$0xFFFFFFE0];
	_ =	sdelay $0x3  }
0x2d7: {  	[tilespmem:v3+s24+$0x0] =	vst.idx.msk $0xffff, v2  }
0x2d8: {  	[tilespmem:v5+s24+$0x0] =	vst.idx.msk $0xffff, v4  }
0x2d9: {  	v5 =	vor.u32 s26, v0;
	v4 =	vld [tilespmem:s25+$0xFFFFFFF0]  }
.Ltmp10:
0x2da: {  	v3 =	vor.u32 s26, v1;
	s26 =	smov.u32 s29;
	v2 =	vld [tilespmem:s25+$0x0];
	(pc) =	sbr.rel @p1 .LBB2_16-.Ltmp10, $2  }
0x2db: {  	_ =	sdelay $0x2  }
0x2dc: {  	s30 =	smov.u32 s28;
	[tilespmem:v5+s24+$0x0] =	vst.idx.msk $0xffff, v4  }
0x2dd: {  	_ =	sdelay $0x3  }
0x2de: {  	s28 =	sadd.s32 $0xFFFFFFF9, s26;
	[tilespmem:v3+s24+$0x0] =	vst.idx.msk $0xffff, v2;
	s25 =	sadd.s32 $0x100, s25  }
0x2df: {  	v2 =	vld [tilespmem:s25+$0xFFFFFF10];
	v3 =	vor.u32 s28, v0  }
0x2e0: {  	v4 =	vld [tilespmem:s25+$0xFFFFFF20];
	v5 =	vor.u32 s28, v1;
	_ =	sdelay $0x3  }
0x2e1: {  	[tilespmem:v3+s24+$0x0] =	vst.idx.msk $0xffff, v2  }
0x2e2: {  	s30 =	sadd.s32 $0xFFFFFFFA, s26;
	[tilespmem:v5+s24+$0x0] =	vst.idx.msk $0xffff, v4  }
0x2e3: {  	v3 =	vor.u32 s30, v0;
	v2 =	vld [tilespmem:s25+$0xFFFFFF30]  }
0x2e4: {  	v5 =	vor.u32 s30, v1;
	v4 =	vld [tilespmem:s25+$0xFFFFFF40];
	_ =	sdelay $0x3  }
0x2e5: {  	[tilespmem:v3+s24+$0x0] =	vst.idx.msk $0xffff, v2  }
0x2e6: {  	s31 =	sadd.s32 $0xFFFFFFFB, s26;
	[tilespmem:v5+s24+$0x0] =	vst.idx.msk $0xffff, v4  }
0x2e7: {  	v3 =	vor.u32 s31, v0;
	v2 =	vld [tilespmem:s25+$0xFFFFFF50]  }
0x2e8: {  	v5 =	vor.u32 s31, v1;
	v4 =	vld [tilespmem:s25+$0xFFFFFF60];
	_ =	sdelay $0x3  }
0x2e9: {  	[tilespmem:v3+s24+$0x0] =	vst.idx.msk $0xffff, v2  }
0x2ea: {  	s30 =	sadd.s32 $0xFFFFFFFC, s26;
	[tilespmem:v5+s24+$0x0] =	vst.idx.msk $0xffff, v4  }
0x2eb: {  	v3 =	vor.u32 s30, v0;
	v2 =	vld [tilespmem:s25+$0xFFFFFF70]  }
0x2ec: {  	v5 =	vor.u32 s30, v1;
	v4 =	vld [tilespmem:s25+$0xFFFFFF80];
	_ =	sdelay $0x3  }
0x2ed: {  	[tilespmem:v3+s24+$0x0] =	vst.idx.msk $0xffff, v2  }
0x2ee: {  	s31 =	sadd.s32 $0xFFFFFFFD, s26;
	[tilespmem:v5+s24+$0x0] =	vst.idx.msk $0xffff, v4  }
0x2ef: {  	v3 =	vor.u32 s31, v0;
	v2 =	vld [tilespmem:s25+$0xFFFFFF90]  }
0x2f0: {  	v5 =	vor.u32 s31, v1;
	v4 =	vld [tilespmem:s25+$0xFFFFFFA0];
	_ =	sdelay $0x3  }
0x2f1: {  	[tilespmem:v3+s24+$0x0] =	vst.idx.msk $0xffff, v2  }
0x2f2: {  	s30 =	sadd.s32 $0xFFFFFFFE, s26;
	[tilespmem:v5+s24+$0x0] =	vst.idx.msk $0xffff, v4  }
0x2f3: {  	v3 =	vor.u32 s30, v0;
	v2 =	vld [tilespmem:s25+$0xFFFFFFB0]  }
0x2f4: {  	v5 =	vor.u32 s30, v1;
	v4 =	vld [tilespmem:s25+$0xFFFFFFC0];
	_ =	sdelay $0x3  }
0x2f5: {  	[tilespmem:v3+s24+$0x0] =	vst.idx.msk $0xffff, v2  }
0x2f6: {  	s31 =	sadd.s32 $0xFFFFFFFF, s26;
	[tilespmem:v5+s24+$0x0] =	vst.idx.msk $0xffff, v4  }
0x2f7: {  	v3 =	vor.u32 s31, v0;
	v2 =	vld [tilespmem:s25+$0xFFFFFFD0]  }
0x2f8: {  	v5 =	vor.u32 s31, v1;
	v4 =	vld [tilespmem:s25+$0xFFFFFFE0];
	_ =	sdelay $0x3  }
0x2f9: {  	[tilespmem:v3+s24+$0x0] =	vst.idx.msk $0xffff, v2  }
0x2fa: {  	[tilespmem:v5+s24+$0x0] =	vst.idx.msk $0xffff, v4  }
0x2fb: {  	v3 =	vor.u32 s26, v0;
	v2 =	vld [tilespmem:s25+$0xFFFFFFF0]  }
0x2fc: {  	v5 =	vor.u32 s26, v1;
	v4 =	vld [tilespmem:s25+$0x0];
	_ =	sdelay $0x3  }
0x2fd: {  	[tilespmem:v3+s24+$0x0] =	vst.idx.msk $0xffff, v2  }
0x2fe: {  	s26 =	simm.s32 @!p0 $0x8400;
	s25 =	simm.s32 @!p0 $0x80;
	[tilespmem:v5+s24+$0x0] =	vst.idx.msk $0xffff, v4;
	s24 =	sadd.s32 @!p0 $0x500, s22  }
0x2ff: {  	[tilespmem:s26], [sflag:$0x3] =	stream.indirect.gather @!p0 [hbm4b:s3+s25], $0x20, s24, s25, $0xb8;
	[tilespmem:$0x1A400] =	vst v63  }
0x300: {  	_ =	swait.ge [sflag:s19], $0x1000  }
0x301: {  	[sflag:s19] =	ssyncset.done $0x0  }
0x302: {  	s24 =	simm.s32 $0x94F0;
	s26 =	simm.s32 $0x0;
	[sflag:s19] =	ssyncadd.s32 $0xFFFFF000  }
0x303: {  	v3 =	vor.u32 s26, v0;
	v2 =	vld [tilespmem:s24+$0xFFFFFF10]  }
0x304: {  	v5 =	vor.u32 s26, v1;
	v4 =	vld [tilespmem:s24+$0xFFFFFF20];
	_ =	sdelay $0x2  }
0x305: {  	s23 =	sadd.s32 $0x11400, s23  }
0x306: {  	[tilespmem:v3+s23+$0x0] =	vst.idx.msk $0xffff, v2  }
0x307: {  	s28 =	simm.s32 $0x1;
	[tilespmem:v5+s23+$0x0] =	vst.idx.msk $0xffff, v4  }
0x308: {  	v3 =	vor.u32 s28, v0;
	v2 =	vld [tilespmem:s24+$0xFFFFFF30]  }
0x309: {  	v5 =	vor.u32 s28, v1;
	v4 =	vld [tilespmem:s24+$0xFFFFFF40];
	_ =	sdelay $0x3  }
0x30a: {  	[tilespmem:v3+s23+$0x0] =	vst.idx.msk $0xffff, v2  }
0x30b: {  	s30 =	simm.s32 $0x2;
	[tilespmem:v5+s23+$0x0] =	vst.idx.msk $0xffff, v4  }
0x30c: {  	v3 =	vor.u32 s30, v0;
	v2 =	vld [tilespmem:s24+$0xFFFFFF50]  }
0x30d: {  	v5 =	vor.u32 s30, v1;
	v4 =	vld [tilespmem:s24+$0xFFFFFF60];
	_ =	sdelay $0x3  }
0x30e: {  	[tilespmem:v3+s23+$0x0] =	vst.idx.msk $0xffff, v2  }
0x30f: {  	s31 =	simm.s32 $0x3;
	[tilespmem:v5+s23+$0x0] =	vst.idx.msk $0xffff, v4  }
0x310: {  	v3 =	vor.u32 s31, v0;
	v2 =	vld [tilespmem:s24+$0xFFFFFF70]  }
0x311: {  	v5 =	vor.u32 s31, v1;
	v4 =	vld [tilespmem:s24+$0xFFFFFF80];
	_ =	sdelay $0x3  }
0x312: {  	[tilespmem:v3+s23+$0x0] =	vst.idx.msk $0xffff, v2  }
0x313: {  	s26 =	simm.s32 $0x4;
	[tilespmem:v5+s23+$0x0] =	vst.idx.msk $0xffff, v4  }
0x314: {  	v3 =	vor.u32 s26, v0;
	v2 =	vld [tilespmem:s24+$0xFFFFFF90]  }
0x315: {  	v5 =	vor.u32 s26, v1;
	v4 =	vld [tilespmem:s24+$0xFFFFFFA0];
	_ =	sdelay $0x3  }
0x316: {  	[tilespmem:v3+s23+$0x0] =	vst.idx.msk $0xffff, v2  }
0x317: {  	s28 =	simm.s32 $0x5;
	[tilespmem:v5+s23+$0x0] =	vst.idx.msk $0xffff, v4  }
0x318: {  	v3 =	vor.u32 s28, v0;
	v2 =	vld [tilespmem:s24+$0xFFFFFFB0]  }
0x319: {  	v5 =	vor.u32 s28, v1;
	v4 =	vld [tilespmem:s24+$0xFFFFFFC0];
	_ =	sdelay $0x3  }
0x31a: {  	[tilespmem:v3+s23+$0x0] =	vst.idx.msk $0xffff, v2  }
0x31b: {  	s30 =	simm.s32 $0x6;
	[tilespmem:v5+s23+$0x0] =	vst.idx.msk $0xffff, v4  }
0x31c: {  	v3 =	vor.u32 s30, v0;
	v2 =	vld [tilespmem:s24+$0xFFFFFFD0]  }
0x31d: {  	v5 =	vor.u32 s30, v1;
	v4 =	vld [tilespmem:s24+$0xFFFFFFE0];
	_ =	sdelay $0x3  }
0x31e: {  	[tilespmem:v3+s23+$0x0] =	vst.idx.msk $0xffff, v2  }
0x31f: {  	s31 =	simm.s32 $0x7;
	[tilespmem:v5+s23+$0x0] =	vst.idx.msk $0xffff, v4  }
0x320: {  	v5 =	vor.u32 s31, v0;
	v4 =	vld [tilespmem:s24+$0xFFFFFFF0];
	_ =	sdelay $0x1  }
0x321: {  	v3 =	vor.u32 s31, v1;
	v2 =	vld [tilespmem:s24+$0x0];
	_ =	sdelay $0x2  }
0x322: {  	s29 =	simm.s32 $0x17;
	s25 =	simm.s32 $0xF;
	[tilespmem:v5+s23+$0x0] =	vst.idx.msk $0xffff, v4  }
.LBB2_18:
0x323: {  	s30 =	sadd.s32 $0xFFFFFFF9, s25  }
0x324: {  	[tilespmem:v3+s23+$0x0] =	vst.idx.msk $0xffff, v2;
	s24 =	sadd.s32 $0x100, s24;
	s28 =	smov.u32 s29;
	s26 =	sadd.s32 $0x8, s29  }
0x325: {  	p1 =	sne.s32 s29, $0x7F;
	v2 =	vld [tilespmem:s24+$0xFFFFFF10];
	v3 =	vor.u32 s30, v0  }
0x326: {  	v5 =	vor.u32 s30, v1;
	v4 =	vld [tilespmem:s24+$0xFFFFFF20];
	_ =	sdelay $0x3  }
0x327: {  	[tilespmem:v3+s23+$0x0] =	vst.idx.msk $0xffff, v2  }
0x328: {  	s29 =	sadd.s32 $0xFFFFFFFA, s25;
	[tilespmem:v5+s23+$0x0] =	vst.idx.msk $0xffff, v4  }
0x329: {  	v3 =	vor.u32 s29, v0;
	v2 =	vld [tilespmem:s24+$0xFFFFFF30]  }
0x32a: {  	v5 =	vor.u32 s29, v1;
	v4 =	vld [tilespmem:s24+$0xFFFFFF40];
	_ =	sdelay $0x3  }
0x32b: {  	[tilespmem:v3+s23+$0x0] =	vst.idx.msk $0xffff, v2  }
0x32c: {  	s29 =	sadd.s32 $0xFFFFFFFB, s25;
	[tilespmem:v5+s23+$0x0] =	vst.idx.msk $0xffff, v4  }
0x32d: {  	v3 =	vor.u32 s29, v0;
	v2 =	vld [tilespmem:s24+$0xFFFFFF50]  }
0x32e: {  	v5 =	vor.u32 s29, v1;
	v4 =	vld [tilespmem:s24+$0xFFFFFF60];
	_ =	sdelay $0x3  }
0x32f: {  	[tilespmem:v3+s23+$0x0] =	vst.idx.msk $0xffff, v2  }
0x330: {  	s29 =	sadd.s32 $0xFFFFFFFC, s25;
	[tilespmem:v5+s23+$0x0] =	vst.idx.msk $0xffff, v4  }
0x331: {  	v3 =	vor.u32 s29, v0;
	v2 =	vld [tilespmem:s24+$0xFFFFFF70]  }
0x332: {  	v5 =	vor.u32 s29, v1;
	v4 =	vld [tilespmem:s24+$0xFFFFFF80];
	_ =	sdelay $0x3  }
0x333: {  	[tilespmem:v3+s23+$0x0] =	vst.idx.msk $0xffff, v2  }
0x334: {  	s29 =	sadd.s32 $0xFFFFFFFD, s25;
	[tilespmem:v5+s23+$0x0] =	vst.idx.msk $0xffff, v4  }
0x335: {  	v3 =	vor.u32 s29, v0;
	v2 =	vld [tilespmem:s24+$0xFFFFFF90]  }
0x336: {  	v5 =	vor.u32 s29, v1;
	v4 =	vld [tilespmem:s24+$0xFFFFFFA0];
	_ =	sdelay $0x3  }
0x337: {  	[tilespmem:v3+s23+$0x0] =	vst.idx.msk $0xffff, v2  }
0x338: {  	s29 =	sadd.s32 $0xFFFFFFFE, s25;
	[tilespmem:v5+s23+$0x0] =	vst.idx.msk $0xffff, v4  }
0x339: {  	v3 =	vor.u32 s29, v0;
	v2 =	vld [tilespmem:s24+$0xFFFFFFB0]  }
0x33a: {  	v5 =	vor.u32 s29, v1;
	v4 =	vld [tilespmem:s24+$0xFFFFFFC0];
	_ =	sdelay $0x3  }
0x33b: {  	[tilespmem:v3+s23+$0x0] =	vst.idx.msk $0xffff, v2  }
0x33c: {  	s29 =	sadd.s32 $0xFFFFFFFF, s25;
	[tilespmem:v5+s23+$0x0] =	vst.idx.msk $0xffff, v4  }
0x33d: {  	v3 =	vor.u32 s29, v0;
	v2 =	vld [tilespmem:s24+$0xFFFFFFD0]  }
0x33e: {  	v5 =	vor.u32 s29, v1;
	v4 =	vld [tilespmem:s24+$0xFFFFFFE0];
	_ =	sdelay $0x3  }
0x33f: {  	[tilespmem:v3+s23+$0x0] =	vst.idx.msk $0xffff, v2  }
0x340: {  	[tilespmem:v5+s23+$0x0] =	vst.idx.msk $0xffff, v4  }
0x341: {  	v5 =	vor.u32 s25, v0;
	v4 =	vld [tilespmem:s24+$0xFFFFFFF0]  }
.Ltmp11:
0x342: {  	v3 =	vor.u32 s25, v1;
	s25 =	smov.u32 s28;
	v2 =	vld [tilespmem:s24+$0x0];
	(pc) =	sbr.rel @p1 .LBB2_18-.Ltmp11, $2  }
0x343: {  	_ =	sdelay $0x2  }
0x344: {  	s29 =	smov.u32 s26;
	[tilespmem:v5+s23+$0x0] =	vst.idx.msk $0xffff, v4  }
0x345: {  	_ =	sdelay $0x3  }
0x346: {  	s26 =	sadd.s32 $0xFFFFFFF9, s25;
	[tilespmem:v3+s23+$0x0] =	vst.idx.msk $0xffff, v2;
	s24 =	sadd.s32 $0x100, s24  }
0x347: {  	v2 =	vld [tilespmem:s24+$0xFFFFFF10];
	v3 =	vor.u32 s26, v0  }
0x348: {  	v4 =	vld [tilespmem:s24+$0xFFFFFF20];
	v5 =	vor.u32 s26, v1;
	_ =	sdelay $0x3  }
0x349: {  	[tilespmem:v3+s23+$0x0] =	vst.idx.msk $0xffff, v2  }
0x34a: {  	s30 =	sadd.s32 $0xFFFFFFFA, s25;
	[tilespmem:v5+s23+$0x0] =	vst.idx.msk $0xffff, v4  }
0x34b: {  	v3 =	vor.u32 s30, v0;
	v2 =	vld [tilespmem:s24+$0xFFFFFF30]  }
0x34c: {  	v57 =	vor.u32 s30, v1;
	v4 =	vld [tilespmem:s24+$0xFFFFFF40];
	_ =	sdelay $0x3  }
0x34d: {  	[tilespmem:v3+s23+$0x0] =	vst.idx.msk $0xffff, v2  }
0x34e: {  	s31 =	sadd.s32 $0xFFFFFFFB, s25;
	[tilespmem:v57+s23+$0x0] =	vst.idx.msk $0xffff, v4  }
0x34f: {  	v3 =	vor.u32 s31, v0;
	v2 =	vld [tilespmem:s24+$0xFFFFFF50]  }
0x350: {  	v58 =	vor.u32 s31, v1;
	v4 =	vld [tilespmem:s24+$0xFFFFFF60];
	_ =	sdelay $0x3  }
0x351: {  	[tilespmem:v3+s23+$0x0] =	vst.idx.msk $0xffff, v2  }
0x352: {  	s28 =	sadd.s32 $0xFFFFFFFC, s25;
	[tilespmem:v58+s23+$0x0] =	vst.idx.msk $0xffff, v4  }
0x353: {  	v3 =	vor.u32 s28, v0;
	v2 =	vld [tilespmem:s24+$0xFFFFFF70]  }
0x354: {  	v59 =	vor.u32 s28, v1;
	v4 =	vld [tilespmem:s24+$0xFFFFFF80];
	_ =	sdelay $0x3  }
0x355: {  	[tilespmem:v3+s23+$0x0] =	vst.idx.msk $0xffff, v2  }
0x356: {  	s29 =	sadd.s32 $0xFFFFFFFD, s25;
	[tilespmem:v59+s23+$0x0] =	vst.idx.msk $0xffff, v4  }
0x357: {  	v3 =	vor.u32 s29, v0;
	v2 =	vld [tilespmem:s24+$0xFFFFFF90]  }
0x358: {  	v60 =	vor.u32 s29, v1;
	v4 =	vld [tilespmem:s24+$0xFFFFFFA0];
	_ =	sdelay $0x3  }
0x359: {  	[tilespmem:v3+s23+$0x0] =	vst.idx.msk $0xffff, v2  }
0x35a: {  	s30 =	sadd.s32 $0xFFFFFFFE, s25;
	[tilespmem:v60+s23+$0x0] =	vst.idx.msk $0xffff, v4  }
0x35b: {  	v3 =	vor.u32 s30, v0;
	v2 =	vld [tilespmem:s24+$0xFFFFFFB0]  }
0x35c: {  	v61 =	vor.u32 s30, v1;
	v4 =	vld [tilespmem:s24+$0xFFFFFFC0];
	_ =	sdelay $0x3  }
0x35d: {  	[tilespmem:v3+s23+$0x0] =	vst.idx.msk $0xffff, v2  }
0x35e: {  	s31 =	sadd.s32 $0xFFFFFFFF, s25;
	[tilespmem:v61+s23+$0x0] =	vst.idx.msk $0xffff, v4  }
0x35f: {  	v3 =	vor.u32 s31, v0;
	v2 =	vld [tilespmem:s24+$0xFFFFFFD0]  }
0x360: {  	v62 =	vor.u32 s31, v1;
	v4 =	vld [tilespmem:s24+$0xFFFFFFE0];
	_ =	sdelay $0x3  }
0x361: {  	[tilespmem:v3+s23+$0x0] =	vst.idx.msk $0xffff, v2  }
0x362: {  	[tilespmem:v62+s23+$0x0] =	vst.idx.msk $0xffff, v4  }
0x363: {  	v3 =	vor.u32 s25, v0;
	v2 =	vld [tilespmem:s24+$0xFFFFFFF0]  }
0x364: {  	v63 =	vor.u32 s25, v1;
	v4 =	vld [tilespmem:s24+$0x0]  }
.Ltmp12:
0x365: {  	_ = 	snop;
	(pc) =	sbr.rel @p0 .LBB2_21-.Ltmp12, $3  }
0x366: {  	_ =	sdelay $0x1  }
0x367: {  	[tilespmem:v3+s23+$0x0] =	vst.idx.msk $0xffff, v2  }
0x368: {  	[tilespmem:v63+s23+$0x0] =	vst.idx.msk $0xffff, v4  }
.Ltmp13:
0x369: {  	(pc) =	sbr.rel .LBB2_3-.Ltmp13, $3  }
0x36a: {  	_ =	sdelay $0x1  }
0x36b: {  	s22 =	sadd.s32 $0x580, s22;
	s21 =	sadd.s32 $0x1, s21  }
0x36c: {  	[tilespmem:s15], [sflag:$0x4] =	stream.indirect.gather [hbm4b:s3+s7], $0x20, s22, s7, $0xb8;
	[tilespmem:$0x1A400] =	vst v63  }
.LBB2_23:
0x36d: {  	_ =	sfence.sel $0x180000  }
0x36e: {  	[bflag:$0x0] =	sbarrier.arrive $0xFFFF  }
0x36f: {  	p0 =	sne.s32 s2, $0x0;
	_ =	strace $0x90000047  }
0x370: {  	s0 =	sadd.s32 @!p0 $0x100000, s0;
	[bflag:$0x2] =	sbarrier.arrive $0xFFFF  }
0x371: {  	[sflag:s0] =	ssyncadd.tile.s32 @!p0 $0x1;
	_ =	shalt  }
.Lfunc_end2:
_tile_overlayer_lowered:
.L_overlay_start_2:
0x372: {  	(tag) =	ssettag $0x2  }
0x373: {  	s0 =	rddreg [dreg:$0x0];
	s2 =	stileid.u32  }
0x374: {  	s1 =	rddreg [dreg:$0x1];
	p0 =	sne.s32 s2, $0x0  }
0x375: {  	s3 =	rddreg [dreg:$0x2];
	[bflag:$0x3] =	sbarrier.arrive $0xFFFF;
	s2 =	simm.s32 @!p0 $0x1C05  }
0x376: {  	[timem:s3], [sflag:s2] =	dma.local @!p0 [hbm:s0], s1  }
0x377: {  	s0 =	simm.s32 @!p0 $0x5  }
0x378: {  	_ =	swait.ge @!p0 [sflag:s0], s1  }
0x379: {  	s1 =	ssub.s32 @!p0 $0x0, s1;
	[sflag:s0] =	ssyncset.done @!p0 $0x0  }
0x37a: {  	[sflag:s0] =	ssyncadd.s32 @!p0 s1  }
0x37b: {  	[bflag:$0x3] =	sbarrier.arrive $0xFFFF  }
0x37c: {  	_ =	shalt  }

</sc_bundles>
